<compile_context>
chip_gen: v7x
topology: tpu7x:2x2x1
jax: 0.10.2.dev20260603
libtpu: 0.0.44.dev20260713+nightly
codegen_flags: <defaults>
</compile_context>

<pallas_src>
import functools

import jax
import jax.numpy as jnp
from jax import lax
from jax.experimental import pallas as pl
from jax.experimental.pallas import tpu as pltpu
from jax.experimental.pallas import tpu_sc as plsc

NUM_EXPERTS = 64
TOP_K = 8
LANES = 16
NUM_CORES = 2
NUM_SUBCORES = 16
NUM_WORKERS = NUM_CORES * NUM_SUBCORES
NUM_CHUNKS = 4
UNROLL = 3


def _tec_kernel(T, conf_hbm, wealth_hbm, eidx_hbm, wgt_hbm, pay_hbm,
                conf_v0, conf_v1, w_v, eidx_v, wgt_v, pay_v, sem0, sem1):
  wid = lax.axis_index("s") * NUM_CORES + lax.axis_index("c")
  S = conf_hbm.shape[1]
  wpb = S // T
  b = wid // wpb
  s0 = (wid % wpb) * T

  pltpu.sync_copy(wealth_hbm, w_v)

  w0 = w_v[pl.ds(0, LANES)]
  w1 = w_v[pl.ds(16, LANES)]
  w2 = w_v[pl.ds(32, LANES)]
  w3 = w_v[pl.ds(48, LANES)]

  iota = lax.iota(jnp.int32, LANES)
  idx0 = iota
  idx1 = iota + 16
  idx2 = iota + 32
  idx3 = iota + 48
  lane_lt8 = iota < TOP_K
  k128 = (iota & 7) * 128

  def merge_top16(ak, av, bk, bv):
    rbk = lax.rev(bk, (0,))
    rbv = lax.rev(bv, (0,))
    c = ak >= rbk
    return jnp.where(c, ak, rbk), jnp.where(c, av, rbv)

  def body(t, coff, conf_v):
    b0 = conf_v[t, pl.ds(0, LANES)] * w0
    b1 = conf_v[t, pl.ds(16, LANES)] * w1
    b2 = conf_v[t, pl.ds(32, LANES)] * w2
    b3 = conf_v[t, pl.ds(48, LANES)] * w3

    s0k, s0v = plsc.sort_key_val(b0, idx0, descending=True)
    s1k, s1v = plsc.sort_key_val(b1, idx1, descending=True)
    s2k, s2v = plsc.sort_key_val(b2, idx2, descending=True)
    s3k, s3v = plsc.sort_key_val(b3, idx3, descending=True)

    h01k, h01v = merge_top16(s0k, s0v, s1k, s1v)
    h23k, h23v = merge_top16(s2k, s2v, s3k, s3v)
    m01k, m01v = plsc.sort_key_val(h01k, h01v, descending=True)
    m23k, m23v = plsc.sort_key_val(h23k, h23v, descending=True)
    hk, hv = merge_top16(m01k, m01v, m23k, m23v)
    fk, fv = plsc.sort_key_val(hk, hv, descending=True)

    pay = jnp.max(jnp.where(lane_lt8, -1.0, fk))
    e = jnp.where(lane_lt8, jnp.exp(fk), 0.0)
    wgt = e / jnp.sum(e)

    tl = coff + t
    oidx = [k128 + ((tl >> 7) * (TOP_K * 128) + (tl & 127))]
    plsc.store_scatter(eidx_v, oidx, fv, mask=lane_lt8)
    plsc.store_scatter(wgt_v, oidx, wgt, mask=lane_lt8)
    plsc.store_scatter(pay_v, oidx, jnp.full_like(fk, pay), mask=lane_lt8)

  C = T // NUM_CHUNKS
  bufs = (conf_v0, conf_v1)
  sems = (sem0, sem1)

  def copy(ch):
    return pltpu.make_async_copy(
        conf_hbm.at[b, pl.ds(s0 + ch * C, C)], bufs[ch % 2], sems[ch % 2])

  copy(0).start()
  for ch in range(NUM_CHUNKS):
    if ch + 1 < NUM_CHUNKS:
      copy(ch + 1).start()
    copy(ch).wait()
    plsc.parallel_loop(0, C, unroll=UNROLL)(
        lambda t, coff=ch * C, cv=bufs[ch % 2]: body(t, coff, cv))

  off = (b * S + s0) * TOP_K
  sz = T * TOP_K
  pltpu.sync_copy(eidx_v, eidx_hbm.at[pl.ds(off, sz)])
  pltpu.sync_copy(wgt_v, wgt_hbm.at[pl.ds(off, sz)])
  pltpu.sync_copy(pay_v, pay_hbm.at[pl.ds(off, sz)])


@jax.jit
def kernel(confidences, wealth):
  B, S, E = confidences.shape
  N = B * S
  T = N // NUM_WORKERS
  NT = T // 128

  mesh = plsc.VectorSubcoreMesh(
      core_axis_name="c", subcore_axis_name="s",
      num_cores=NUM_CORES, num_subcores=NUM_SUBCORES)

  eidx, wgt, pay = pl.kernel(
      functools.partial(_tec_kernel, T),
      out_type=(
          jax.ShapeDtypeStruct((N * TOP_K,), jnp.int32),
          jax.ShapeDtypeStruct((N * TOP_K,), jnp.float32),
          jax.ShapeDtypeStruct((N * TOP_K,), jnp.float32),
      ),
      mesh=mesh,
      compiler_params=pltpu.CompilerParams(needs_layout_passes=False),
      scratch_types=[
          pltpu.VMEM((T // NUM_CHUNKS, E), jnp.float32),
          pltpu.VMEM((T // NUM_CHUNKS, E), jnp.float32),
          pltpu.VMEM((E,), jnp.float32),
          pltpu.VMEM((T * TOP_K,), jnp.int32),
          pltpu.VMEM((T * TOP_K,), jnp.float32),
          pltpu.VMEM((T * TOP_K,), jnp.float32),
          pltpu.SemaphoreType.DMA,
          pltpu.SemaphoreType.DMA,
      ],
  )(confidences, wealth)

  def detile(x):
    x = x.reshape(B, S // 128, TOP_K, 128)
    return x.transpose(0, 1, 3, 2).reshape(B, S, TOP_K)

  return (detile(eidx), detile(wgt), detile(pay))

# --- scband reference (transcript-rebuilt; emitter-appended) ---
"""Pipeline reference for scband-vcgauctioneer-44040594653616 (READ-ONLY COPY).

The authoritative reference and input builder live on the scoring server;
editing this copy changes nothing except your own understanding.
"""

import jax, jax.numpy as jnp
import numpy as np

NUM_EXPERTS = 64
TOP_K = 8

def setup_inputs(seed: int = 0) -> dict:
    key = jax.random.key(seed)
    k1, k2 = jax.random.split(key)
    confidences = jax.random.uniform(k1, (4, 8192, NUM_EXPERTS), dtype=jnp.float32)
    wealth = jax.random.uniform(k2, (NUM_EXPERTS,), dtype=jnp.float32)
    return {"confidences": confidences, "wealth": wealth}

def reference(confidences, wealth):
    # bids = confidence * wealth (wealth broadcast over batch, seq)
    bids = confidences * wealth[None, None, :]
    # top-k winning bids and expert indices
    top_bids, selected_experts = jax.lax.top_k(bids, TOP_K)
    if TOP_K < NUM_EXPERTS:
        # sort all bids descending; payment is the (k+1)-th highest bid
        all_sorted = -jnp.sort(-bids, axis=-1)
        payments = jnp.broadcast_to(all_sorted[:, :, TOP_K:TOP_K + 1], top_bids.shape)
    else:
        payments = jnp.zeros_like(top_bids)
    routing_weights = jax.nn.softmax(top_bids, axis=-1)
    return (selected_experts, routing_weights, payments)

if __name__ == "__main__":
    import jax
    _d = setup_inputs()
    print(jax.jit(kernel)(*tuple(_d.values())))

</pallas_src>

<mosaic_0001>
#map = affine_map<(d0, d1) -> (0, 0, 0)>
#map1 = affine_map<(d0, d1) -> (0)>
module attributes {stable_mosaic.version = 14 : i64} {
  func.func @_tec_kernel(%arg0: i32, %arg1: i32, %arg2: memref<4x8192x64xf32, #tpu.memory_space<hbm>>, %arg3: memref<64xf32, #tpu.memory_space<hbm>>, %arg4: memref<262144xi32, #tpu.memory_space<hbm>>, %arg5: memref<262144xf32, #tpu.memory_space<hbm>>, %arg6: memref<262144xf32, #tpu.memory_space<hbm>>, %arg7: memref<256x64xf32, #tpu.memory_space<vmem>>, %arg8: memref<256x64xf32, #tpu.memory_space<vmem>>, %arg9: memref<64xf32, #tpu.memory_space<vmem>>, %arg10: memref<8192xi32, #tpu.memory_space<vmem>>, %arg11: memref<8192xf32, #tpu.memory_space<vmem>>, %arg12: memref<8192xf32, #tpu.memory_space<vmem>>, %arg13: memref<!tpu.dma_semaphore, #tpu.memory_space<semaphore_mem>>, %arg14: memref<!tpu.dma_semaphore, #tpu.memory_space<semaphore_mem>>) attributes {dimension_semantics = [#tpu.dimension_semantics<core_parallel>, #tpu.dimension_semantics<subcore_parallel>], iteration_bounds = array<i64: 2, 16>, scalar_prefetch = 0 : i64, scratch_operands = 8 : i64, tpu.core_type = #tpu.core_type<sc_vector_subcore>, window_params = [{transform_indices = #map}, {transform_indices = #map1}, {transform_indices = #map1}, {transform_indices = #map1}, {transform_indices = #map1}]} {
    %mul3A = arith.constant 2 : i32
    %mul3A_0 = arith.muli %arg1, %mul3A : i32
    %add3A = arith.addi %mul3A_0, %arg0 : i32
    %jit3A = arith.constant 8 : i32
    %div3A = arith.divsi %add3A, %jit3A : i32
    %sign3A = arith.constant 0 : i32
    %sign3A_1 = arith.cmpi sgt, %add3A, %sign3A : i32
    %sign3A_2 = arith.extui %sign3A_1 : i1 to i32
    %sign3A_3 = arith.constant 0 : i32
    %sign3A_4 = arith.cmpi slt, %add3A, %sign3A_3 : i32
    %sign3A_5 = arith.extui %sign3A_4 : i1 to i32
    %sign3A_6 = arith.subi %sign3A_2, %sign3A_5 : i32
    %sign3A_7 = arith.constant 0 : i32
    %sign3A_8 = arith.cmpi sgt, %jit3A, %sign3A_7 : i32
    %sign3A_9 = arith.extui %sign3A_8 : i1 to i32
    %sign3A_10 = arith.constant 0 : i32
    %sign3A_11 = arith.cmpi slt, %jit3A, %sign3A_10 : i32
    %sign3A_12 = arith.extui %sign3A_11 : i1 to i32
    %sign3A_13 = arith.subi %sign3A_9, %sign3A_12 : i32
    %ne3A = arith.cmpi ne, %sign3A_6, %sign3A_13 : i32
    %rem3A = arith.remsi %add3A, %jit3A : i32
    %ne3A_14 = arith.constant 0 : i32
    %ne3A_15 = arith.cmpi ne, %rem3A, %ne3A_14 : i32
    %and3A = arith.andi %ne3A, %ne3A_15 : i1
    %sub3A = arith.constant 1 : i32
    %sub3A_16 = arith.subi %div3A, %sub3A : i32
    %select_n3A = arith.select %and3A, %sub3A_16, %div3A : i32
    %jit3A_17 = arith.constant 8 : i32
    %eq3A = arith.constant 0 : i32
    %eq3A_18 = arith.cmpi eq, %jit3A_17, %eq3A : i32
    %jit3A_19 = arith.constant 1 : i32
    %select_n3A_20 = arith.select %eq3A_18, %jit3A_19, %jit3A_17 : i32
    %rem3A_21 = arith.remsi %add3A, %select_n3A_20 : i32
    %ne3A_22 = arith.constant 0 : i32
    %ne3A_23 = arith.cmpi ne, %rem3A_21, %ne3A_22 : i32
    %lt3A = arith.constant 0 : i32
    %lt3A_24 = arith.cmpi slt, %rem3A_21, %lt3A : i32
    %lt3A_25 = arith.constant 0 : i32
    %lt3A_26 = arith.cmpi slt, %select_n3A_20, %lt3A_25 : i32
    %ne3A_27 = arith.xori %lt3A_24, %lt3A_26 : i1
    %and3A_28 = arith.andi %ne3A_27, %ne3A_23 : i1
    %add3A_29 = arith.addi %rem3A_21, %select_n3A_20 : i32
    %select_n3A_30 = arith.select %and3A_28, %add3A_29, %rem3A_21 : i32
    %mul3A_31 = arith.constant 1024 : i32
    %mul3A_32 = arith.muli %select_n3A_30, %mul3A_31 : i32
    "tpu.region"() ({
      %run_scoped3A = tpu.sem_alloc : memref<!tpu.dma_semaphore, #tpu.memory_space<semaphore_mem>>
      tpu.enqueue_dma source(%arg3 : memref<64xf32, #tpu.memory_space<hbm>>) target(%arg9 : memref<64xf32, #tpu.memory_space<vmem>>) target_semaphore(%run_scoped3A : memref<!tpu.dma_semaphore, #tpu.memory_space<semaphore_mem>>)
      tpu.wait_dma2 semaphore(%run_scoped3A : memref<!tpu.dma_semaphore, #tpu.memory_space<semaphore_mem>>) src(%arg3 : memref<64xf32, #tpu.memory_space<hbm>>) dst(%arg9 : memref<64xf32, #tpu.memory_space<vmem>>)
      tpu.yield
    }) : () -> ()
    %get3A = arith.constant 0 : index
    %get3A_33 = tpu.vector_load %arg9[%get3A] {strides = array<i32>} : memref<64xf32, #tpu.memory_space<vmem>>, vector<16xf32>,
    %get3A_34 = arith.constant 16 : index
    %get3A_35 = tpu.vector_load %arg9[%get3A_34] {strides = array<i32>} : memref<64xf32, #tpu.memory_space<vmem>>, vector<16xf32>,
    %get3A_36 = arith.constant 32 : index
    %get3A_37 = tpu.vector_load %arg9[%get3A_36] {strides = array<i32>} : memref<64xf32, #tpu.memory_space<vmem>>, vector<16xf32>,
    %get3A_38 = arith.constant 48 : index
    %get3A_39 = tpu.vector_load %arg9[%get3A_38] {strides = array<i32>} : memref<64xf32, #tpu.memory_space<vmem>>, vector<16xf32>,
    %iota3A = tpu.iota {dimensions = array<i32: 0>} : vector<16xi32>
    %add3A_40 = arith.constant 16 : i32
    %add3A_41 = vector.broadcast %add3A_40 : i32 to vector<16xi32>
    %add3A_42 = arith.addi %iota3A, %add3A_41 : vector<16xi32>
    %add3A_43 = arith.constant 32 : i32
    %add3A_44 = vector.broadcast %add3A_43 : i32 to vector<16xi32>
    %add3A_45 = arith.addi %iota3A, %add3A_44 : vector<16xi32>
    %add3A_46 = arith.constant 48 : i32
    %add3A_47 = vector.broadcast %add3A_46 : i32 to vector<16xi32>
    %add3A_48 = arith.addi %iota3A, %add3A_47 : vector<16xi32>
    %lt3A_49 = arith.constant 8 : i32
    %lt3A_50 = vector.broadcast %lt3A_49 : i32 to vector<16xi32>
    %lt3A_51 = arith.cmpi slt, %iota3A, %lt3A_50 : vector<16xi32>
    %and3A_52 = arith.constant 7 : i32
    %and3A_53 = vector.broadcast %and3A_52 : i32 to vector<16xi32>
    %and3A_54 = arith.andi %iota3A, %and3A_53 : vector<16xi32>
    %mul3A_55 = arith.constant 128 : i32
    %mul3A_56 = vector.broadcast %mul3A_55 : i32 to vector<16xi32>
    %mul3A_57 = arith.muli %and3A_54, %mul3A_56 : vector<16xi32>
    %add3A_58 = arith.constant 0 : i32
    %add3A_59 = arith.addi %mul3A_32, %add3A_58 : i32
    %dma_start3A = arith.constant 0 : i32
    %dma_start3A_60 = tpu.memref_slice %arg2[%select_n3A, %add3A_59, %dma_start3A] : memref<4x8192x64xf32, #tpu.memory_space<hbm>> -> memref<1x256x64xf32, #tpu.memory_space<hbm>>
    %dma_start3A_61 = tpu.memref_squeeze %dma_start3A_60 : memref<1x256x64xf32, #tpu.memory_space<hbm>> -> memref<256x64xf32, #tpu.memory_space<hbm>>
    %dma_start3A_62 = arith.constant 0 : i32
    %dma_start3A_63 = tpu.memref_slice %arg2[%select_n3A, %add3A_59, %dma_start3A_62] : memref<4x8192x64xf32, #tpu.memory_space<hbm>> -> memref<1x256x64xf32, #tpu.memory_space<hbm>>
    %dma_start3A_64 = tpu.memref_squeeze %dma_start3A_63 : memref<1x256x64xf32, #tpu.memory_space<hbm>> -> memref<256x64xf32, #tpu.memory_space<hbm>>
    tpu.enqueue_dma source(%dma_start3A_64 : memref<256x64xf32, #tpu.memory_space<hbm>>) target(%arg7 : memref<256x64xf32, #tpu.memory_space<vmem>>) target_semaphore(%arg13 : memref<!tpu.dma_semaphore, #tpu.memory_space<semaphore_mem>>)
    %add3A_65 = arith.constant 256 : i32
    %add3A_66 = arith.addi %mul3A_32, %add3A_65 : i32
    %dma_start3A_67 = arith.constant 0 : i32
    %dma_start3A_68 = tpu.memref_slice %arg2[%select_n3A, %add3A_66, %dma_start3A_67] : memref<4x8192x64xf32, #tpu.memory_space<hbm>> -> memref<1x256x64xf32, #tpu.memory_space<hbm>>
    %dma_start3A_69 = tpu.memref_squeeze %dma_start3A_68 : memref<1x256x64xf32, #tpu.memory_space<hbm>> -> memref<256x64xf32, #tpu.memory_space<hbm>>
    %dma_start3A_70 = arith.constant 0 : i32
    %dma_start3A_71 = tpu.memref_slice %arg2[%select_n3A, %add3A_66, %dma_start3A_70] : memref<4x8192x64xf32, #tpu.memory_space<hbm>> -> memref<1x256x64xf32, #tpu.memory_space<hbm>>
    %dma_start3A_72 = tpu.memref_squeeze %dma_start3A_71 : memref<1x256x64xf32, #tpu.memory_space<hbm>> -> memref<256x64xf32, #tpu.memory_space<hbm>>
    tpu.enqueue_dma source(%dma_start3A_72 : memref<256x64xf32, #tpu.memory_space<hbm>>) target(%arg8 : memref<256x64xf32, #tpu.memory_space<vmem>>) target_semaphore(%arg14 : memref<!tpu.dma_semaphore, #tpu.memory_space<semaphore_mem>>)
    %add3A_73 = arith.constant 0 : i32
    %add3A_74 = arith.addi %mul3A_32, %add3A_73 : i32
    %dma_wait3A = arith.constant 0 : i32
    %dma_wait3A_75 = tpu.memref_slice %arg2[%select_n3A, %add3A_74, %dma_wait3A] : memref<4x8192x64xf32, #tpu.memory_space<hbm>> -> memref<1x256x64xf32, #tpu.memory_space<hbm>>
    %dma_wait3A_76 = tpu.memref_squeeze %dma_wait3A_75 : memref<1x256x64xf32, #tpu.memory_space<hbm>> -> memref<256x64xf32, #tpu.memory_space<hbm>>
    %dma_wait3A_77 = arith.constant 0 : i32
    %dma_wait3A_78 = tpu.memref_slice %arg2[%select_n3A, %add3A_74, %dma_wait3A_77] : memref<4x8192x64xf32, #tpu.memory_space<hbm>> -> memref<1x256x64xf32, #tpu.memory_space<hbm>>
    %dma_wait3A_79 = tpu.memref_squeeze %dma_wait3A_78 : memref<1x256x64xf32, #tpu.memory_space<hbm>> -> memref<256x64xf32, #tpu.memory_space<hbm>>
    tpu.wait_dma2 semaphore(%arg13 : memref<!tpu.dma_semaphore, #tpu.memory_space<semaphore_mem>>) src(%dma_wait3A_79 : memref<256x64xf32, #tpu.memory_space<hbm>>) dst(%arg7 : memref<256x64xf32, #tpu.memory_space<vmem>>)
    %parallel_loop3A = arith.constant 0 : i32
    %parallel_loop3A_80 = arith.constant 256 : i32
    %parallel_loop3A_81 = arith.constant 1 : i32
    scf.for %parallel_loop3A_136 = %parallel_loop3A to %parallel_loop3A_80 step %parallel_loop3A_81  : i32 {
      %parallel_loop3A_137 = arith.index_cast %parallel_loop3A_136 : i32 to index
      %parallel_loop3A_138 = arith.constant 0 : index
      %parallel_loop3A_139 = tpu.vector_load %arg7[%parallel_loop3A_137, %parallel_loop3A_138] {strides = array<i32>} : memref<256x64xf32, #tpu.memory_space<vmem>>, vector<16xf32>,
      %parallel_loop3A_140 = arith.mulf %parallel_loop3A_139, %get3A_33 : vector<16xf32>
      %parallel_loop3A_141 = arith.index_cast %parallel_loop3A_136 : i32 to index
      %parallel_loop3A_142 = arith.constant 16 : index
      %parallel_loop3A_143 = tpu.vector_load %arg7[%parallel_loop3A_141, %parallel_loop3A_142] {strides = array<i32>} : memref<256x64xf32, #tpu.memory_space<vmem>>, vector<16xf32>,
      %parallel_loop3A_144 = arith.mulf %parallel_loop3A_143, %get3A_35 : vector<16xf32>
      %parallel_loop3A_145 = arith.index_cast %parallel_loop3A_136 : i32 to index
      %parallel_loop3A_146 = arith.constant 32 : index
      %parallel_loop3A_147 = tpu.vector_load %arg7[%parallel_loop3A_145, %parallel_loop3A_146] {strides = array<i32>} : memref<256x64xf32, #tpu.memory_space<vmem>>, vector<16xf32>,
      %parallel_loop3A_148 = arith.mulf %parallel_loop3A_147, %get3A_37 : vector<16xf32>
      %parallel_loop3A_149 = arith.index_cast %parallel_loop3A_136 : i32 to index
      %parallel_loop3A_150 = arith.constant 48 : index
      %parallel_loop3A_151 = tpu.vector_load %arg7[%parallel_loop3A_149, %parallel_loop3A_150] {strides = array<i32>} : memref<256x64xf32, #tpu.memory_space<vmem>>, vector<16xf32>,
      %parallel_loop3A_152 = arith.mulf %parallel_loop3A_151, %get3A_39 : vector<16xf32>
      %parallel_loop3A_153 = arith.constant dense<true> : vector<16xi1>
      %parallel_loop3A_154, %parallel_loop3A_155, %parallel_loop3A_156 = tpu.sort %parallel_loop3A_140, %iota3A masked %parallel_loop3A_153 {descending = true} : (vector<16xf32>, vector<16xi32>, vector<16xi1>) -> (vector<16xi1>, vector<16xf32>, vector<16xi32>)
      %parallel_loop3A_157 = arith.constant dense<true> : vector<16xi1>
      %parallel_loop3A_158, %parallel_loop3A_159, %parallel_loop3A_160 = tpu.sort %parallel_loop3A_144, %add3A_42 masked %parallel_loop3A_157 {descending = true} : (vector<16xf32>, vector<16xi32>, vector<16xi1>) -> (vector<16xi1>, vector<16xf32>, vector<16xi32>)
      %parallel_loop3A_161 = arith.constant dense<true> : vector<16xi1>
      %parallel_loop3A_162, %parallel_loop3A_163, %parallel_loop3A_164 = tpu.sort %parallel_loop3A_148, %add3A_45 masked %parallel_loop3A_161 {descending = true} : (vector<16xf32>, vector<16xi32>, vector<16xi1>) -> (vector<16xi1>, vector<16xf32>, vector<16xi32>)
      %parallel_loop3A_165 = arith.constant dense<true> : vector<16xi1>
      %parallel_loop3A_166, %parallel_loop3A_167, %parallel_loop3A_168 = tpu.sort %parallel_loop3A_152, %add3A_48 masked %parallel_loop3A_165 {descending = true} : (vector<16xf32>, vector<16xi32>, vector<16xi1>) -> (vector<16xi1>, vector<16xf32>, vector<16xi32>)
      %parallel_loop3A_169 = arith.constant 15 : i32
      %parallel_loop3A_170 = vector.broadcast %parallel_loop3A_169 : i32 to vector<16xi32>
      %parallel_loop3A_171 = tpu.iota {dimensions = array<i32: 0>} : vector<16xi32>
      %parallel_loop3A_172 = arith.subi %parallel_loop3A_170, %parallel_loop3A_171 : vector<16xi32>
      %parallel_loop3A_173 = tpu.dynamic_gather %parallel_loop3A_159[%parallel_loop3A_172] in [0] : vector<16xf32>, vector<16xi32> -> vector<16xf32>
      %parallel_loop3A_174 = arith.constant 15 : i32
      %parallel_loop3A_175 = vector.broadcast %parallel_loop3A_174 : i32 to vector<16xi32>
      %parallel_loop3A_176 = tpu.iota {dimensions = array<i32: 0>} : vector<16xi32>
      %parallel_loop3A_177 = arith.subi %parallel_loop3A_175, %parallel_loop3A_176 : vector<16xi32>
      %parallel_loop3A_178 = tpu.dynamic_gather %parallel_loop3A_160[%parallel_loop3A_177] in [0] : vector<16xi32>, vector<16xi32> -> vector<16xi32>
      %parallel_loop3A_179 = arith.cmpf oge, %parallel_loop3A_155, %parallel_loop3A_173 : vector<16xf32>
      %parallel_loop3A_180 = arith.select %parallel_loop3A_179, %parallel_loop3A_155, %parallel_loop3A_173 : vector<16xi1>, vector<16xf32>
      %parallel_loop3A_181 = arith.select %parallel_loop3A_179, %parallel_loop3A_156, %parallel_loop3A_178 : vector<16xi1>, vector<16xi32>
      %parallel_loop3A_182 = arith.constant 15 : i32
      %parallel_loop3A_183 = vector.broadcast %parallel_loop3A_182 : i32 to vector<16xi32>
      %parallel_loop3A_184 = tpu.iota {dimensions = array<i32: 0>} : vector<16xi32>
      %parallel_loop3A_185 = arith.subi %parallel_loop3A_183, %parallel_loop3A_184 : vector<16xi32>
      %parallel_loop3A_186 = tpu.dynamic_gather %parallel_loop3A_167[%parallel_loop3A_185] in [0] : vector<16xf32>, vector<16xi32> -> vector<16xf32>
      %parallel_loop3A_187 = arith.constant 15 : i32
      %parallel_loop3A_188 = vector.broadcast %parallel_loop3A_187 : i32 to vector<16xi32>
      %parallel_loop3A_189 = tpu.iota {dimensions = array<i32: 0>} : vector<16xi32>
      %parallel_loop3A_190 = arith.subi %parallel_loop3A_188, %parallel_loop3A_189 : vector<16xi32>
      %parallel_loop3A_191 = tpu.dynamic_gather %parallel_loop3A_168[%parallel_loop3A_190] in [0] : vector<16xi32>, vector<16xi32> -> vector<16xi32>
      %parallel_loop3A_192 = arith.cmpf oge, %parallel_loop3A_163, %parallel_loop3A_186 : vector<16xf32>
      %parallel_loop3A_193 = arith.select %parallel_loop3A_192, %parallel_loop3A_163, %parallel_loop3A_186 : vector<16xi1>, vector<16xf32>
      %parallel_loop3A_194 = arith.select %parallel_loop3A_192, %parallel_loop3A_164, %parallel_loop3A_191 : vector<16xi1>, vector<16xi32>
      %parallel_loop3A_195 = arith.constant dense<true> : vector<16xi1>
      %parallel_loop3A_196, %parallel_loop3A_197, %parallel_loop3A_198 = tpu.sort %parallel_loop3A_180, %parallel_loop3A_181 masked %parallel_loop3A_195 {descending = true} : (vector<16xf32>, vector<16xi32>, vector<16xi1>) -> (vector<16xi1>, vector<16xf32>, vector<16xi32>)
      %parallel_loop3A_199 = arith.constant dense<true> : vector<16xi1>
      %parallel_loop3A_200, %parallel_loop3A_201, %parallel_loop3A_202 = tpu.sort %parallel_loop3A_193, %parallel_loop3A_194 masked %parallel_loop3A_199 {descending = true} : (vector<16xf32>, vector<16xi32>, vector<16xi1>) -> (vector<16xi1>, vector<16xf32>, vector<16xi32>)
      %parallel_loop3A_203 = arith.constant 15 : i32
      %parallel_loop3A_204 = vector.broadcast %parallel_loop3A_203 : i32 to vector<16xi32>
      %parallel_loop3A_205 = tpu.iota {dimensions = array<i32: 0>} : vector<16xi32>
      %parallel_loop3A_206 = arith.subi %parallel_loop3A_204, %parallel_loop3A_205 : vector<16xi32>
      %parallel_loop3A_207 = tpu.dynamic_gather %parallel_loop3A_201[%parallel_loop3A_206] in [0] : vector<16xf32>, vector<16xi32> -> vector<16xf32>
      %parallel_loop3A_208 = arith.constant 15 : i32
      %parallel_loop3A_209 = vector.broadcast %parallel_loop3A_208 : i32 to vector<16xi32>
      %parallel_loop3A_210 = tpu.iota {dimensions = array<i32: 0>} : vector<16xi32>
      %parallel_loop3A_211 = arith.subi %parallel_loop3A_209, %parallel_loop3A_210 : vector<16xi32>
      %parallel_loop3A_212 = tpu.dynamic_gather %parallel_loop3A_202[%parallel_loop3A_211] in [0] : vector<16xi32>, vector<16xi32> -> vector<16xi32>
      %parallel_loop3A_213 = arith.cmpf oge, %parallel_loop3A_197, %parallel_loop3A_207 : vector<16xf32>
      %parallel_loop3A_214 = arith.select %parallel_loop3A_213, %parallel_loop3A_197, %parallel_loop3A_207 : vector<16xi1>, vector<16xf32>
      %parallel_loop3A_215 = arith.select %parallel_loop3A_213, %parallel_loop3A_198, %parallel_loop3A_212 : vector<16xi1>, vector<16xi32>
      %parallel_loop3A_216 = arith.constant dense<true> : vector<16xi1>
      %parallel_loop3A_217, %parallel_loop3A_218, %parallel_loop3A_219 = tpu.sort %parallel_loop3A_214, %parallel_loop3A_215 masked %parallel_loop3A_216 {descending = true} : (vector<16xf32>, vector<16xi32>, vector<16xi1>) -> (vector<16xi1>, vector<16xf32>, vector<16xi32>)
      %parallel_loop3A_220 = arith.constant -1.000000e+00 : f32
      %parallel_loop3A_221 = vector.broadcast %parallel_loop3A_220 : f32 to vector<16xf32>
      %parallel_loop3A_222 = arith.select %lt3A_51, %parallel_loop3A_221, %parallel_loop3A_218 : vector<16xi1>, vector<16xf32>
      %parallel_loop3A_223 = arith.constant true
      %parallel_loop3A_224 = vector.broadcast %parallel_loop3A_223 : i1 to vector<16xi1>
      %parallel_loop3A_225 = tpu.scan <max>, %parallel_loop3A_222 masked %parallel_loop3A_224 : vector<16xf32>, vector<16xi1> -> vector<16xf32>
      %parallel_loop3A_226 = vector.extract %parallel_loop3A_225[15] : f32 from vector<16xf32>
      %parallel_loop3A_227 = math.exp %parallel_loop3A_218 : vector<16xf32>
      %parallel_loop3A_228 = arith.constant 0.000000e+00 : f32
      %parallel_loop3A_229 = vector.broadcast %parallel_loop3A_228 : f32 to vector<16xf32>
      %parallel_loop3A_230 = arith.select %lt3A_51, %parallel_loop3A_227, %parallel_loop3A_229 : vector<16xi1>, vector<16xf32>
      %parallel_loop3A_231 = arith.constant true
      %parallel_loop3A_232 = vector.broadcast %parallel_loop3A_231 : i1 to vector<16xi1>
      %parallel_loop3A_233 = tpu.scan <sum>, %parallel_loop3A_230 masked %parallel_loop3A_232 : vector<16xf32>, vector<16xi1> -> vector<16xf32>
      %parallel_loop3A_234 = vector.extract %parallel_loop3A_233[15] : f32 from vector<16xf32>
      %parallel_loop3A_235 = vector.broadcast %parallel_loop3A_234 : f32 to vector<16xf32>
      %parallel_loop3A_236 = arith.divf %parallel_loop3A_230, %parallel_loop3A_235 : vector<16xf32>
      %parallel_loop3A_237 = arith.constant 0 : i32
      %parallel_loop3A_238 = arith.addi %parallel_loop3A_237, %parallel_loop3A_136 : i32
      %parallel_loop3A_239 = arith.constant 7 : i32
      %parallel_loop3A_240 = arith.shrsi %parallel_loop3A_238, %parallel_loop3A_239 : i32
      %parallel_loop3A_241 = arith.constant 1024 : i32
      %parallel_loop3A_242 = arith.muli %parallel_loop3A_240, %parallel_loop3A_241 : i32
      %parallel_loop3A_243 = arith.constant 127 : i32
      %parallel_loop3A_244 = arith.andi %parallel_loop3A_238, %parallel_loop3A_243 : i32
      %parallel_loop3A_245 = arith.addi %parallel_loop3A_242, %parallel_loop3A_244 : i32
      %parallel_loop3A_246 = vector.broadcast %parallel_loop3A_245 : i32 to vector<16xi32>
      %parallel_loop3A_247 = arith.addi %mul3A_57, %parallel_loop3A_246 : vector<16xi32>
      tpu.vector_store_idx %arg10[%parallel_loop3A_247], %parallel_loop3A_219 masked %lt3A_51 : memref<8192xi32, #tpu.memory_space<vmem>>[vector<16xi32>], vector<16xi32>, vector<16xi1>
      tpu.vector_store_idx %arg11[%parallel_loop3A_247], %parallel_loop3A_236 masked %lt3A_51 : memref<8192xf32, #tpu.memory_space<vmem>>[vector<16xi32>], vector<16xf32>, vector<16xi1>
      %parallel_loop3A_248 = vector.broadcast %parallel_loop3A_226 : f32 to vector<16xf32>
      tpu.vector_store_idx %arg12[%parallel_loop3A_247], %parallel_loop3A_248 masked %lt3A_51 : memref<8192xf32, #tpu.memory_space<vmem>>[vector<16xi32>], vector<16xf32>, vector<16xi1>
    } {sc.loop_unroll_factor = 3 : i64, sc.parallel_access}
    %add3A_82 = arith.constant 512 : i32
    %add3A_83 = arith.addi %mul3A_32, %add3A_82 : i32
    %dma_start3A_84 = arith.constant 0 : i32
    %dma_start3A_85 = tpu.memref_slice %arg2[%select_n3A, %add3A_83, %dma_start3A_84] : memref<4x8192x64xf32, #tpu.memory_space<hbm>> -> memref<1x256x64xf32, #tpu.memory_space<hbm>>
    %dma_start3A_86 = tpu.memref_squeeze %dma_start3A_85 : memref<1x256x64xf32, #tpu.memory_space<hbm>> -> memref<256x64xf32, #tpu.memory_space<hbm>>
    %dma_start3A_87 = arith.constant 0 : i32
    %dma_start3A_88 = tpu.memref_slice %arg2[%select_n3A, %add3A_83, %dma_start3A_87] : memref<4x8192x64xf32, #tpu.memory_space<hbm>> -> memref<1x256x64xf32, #tpu.memory_space<hbm>>
    %dma_start3A_89 = tpu.memref_squeeze %dma_start3A_88 : memref<1x256x64xf32, #tpu.memory_space<hbm>> -> memref<256x64xf32, #tpu.memory_space<hbm>>
    tpu.enqueue_dma source(%dma_start3A_89 : memref<256x64xf32, #tpu.memory_space<hbm>>) target(%arg7 : memref<256x64xf32, #tpu.memory_space<vmem>>) target_semaphore(%arg13 : memref<!tpu.dma_semaphore, #tpu.memory_space<semaphore_mem>>)
    %add3A_90 = arith.constant 256 : i32
    %add3A_91 = arith.addi %mul3A_32, %add3A_90 : i32
    %dma_wait3A_92 = arith.constant 0 : i32
    %dma_wait3A_93 = tpu.memref_slice %arg2[%select_n3A, %add3A_91, %dma_wait3A_92] : memref<4x8192x64xf32, #tpu.memory_space<hbm>> -> memref<1x256x64xf32, #tpu.memory_space<hbm>>
    %dma_wait3A_94 = tpu.memref_squeeze %dma_wait3A_93 : memref<1x256x64xf32, #tpu.memory_space<hbm>> -> memref<256x64xf32, #tpu.memory_space<hbm>>
    %dma_wait3A_95 = arith.constant 0 : i32
    %dma_wait3A_96 = tpu.memref_slice %arg2[%select_n3A, %add3A_91, %dma_wait3A_95] : memref<4x8192x64xf32, #tpu.memory_space<hbm>> -> memref<1x256x64xf32, #tpu.memory_space<hbm>>
    %dma_wait3A_97 = tpu.memref_squeeze %dma_wait3A_96 : memref<1x256x64xf32, #tpu.memory_space<hbm>> -> memref<256x64xf32, #tpu.memory_space<hbm>>
    tpu.wait_dma2 semaphore(%arg14 : memref<!tpu.dma_semaphore, #tpu.memory_space<semaphore_mem>>) src(%dma_wait3A_97 : memref<256x64xf32, #tpu.memory_space<hbm>>) dst(%arg8 : memref<256x64xf32, #tpu.memory_space<vmem>>)
    %parallel_loop3A_98 = arith.constant 0 : i32
    %parallel_loop3A_99 = arith.constant 256 : i32
    %parallel_loop3A_100 = arith.constant 1 : i32
    scf.for %parallel_loop3A_136 = %parallel_loop3A_98 to %parallel_loop3A_99 step %parallel_loop3A_100  : i32 {
      %parallel_loop3A_137 = arith.index_cast %parallel_loop3A_136 : i32 to index
      %parallel_loop3A_138 = arith.constant 0 : index
      %parallel_loop3A_139 = tpu.vector_load %arg8[%parallel_loop3A_137, %parallel_loop3A_138] {strides = array<i32>} : memref<256x64xf32, #tpu.memory_space<vmem>>, vector<16xf32>,
      %parallel_loop3A_140 = arith.mulf %parallel_loop3A_139, %get3A_33 : vector<16xf32>
      %parallel_loop3A_141 = arith.index_cast %parallel_loop3A_136 : i32 to index
      %parallel_loop3A_142 = arith.constant 16 : index
      %parallel_loop3A_143 = tpu.vector_load %arg8[%parallel_loop3A_141, %parallel_loop3A_142] {strides = array<i32>} : memref<256x64xf32, #tpu.memory_space<vmem>>, vector<16xf32>,
      %parallel_loop3A_144 = arith.mulf %parallel_loop3A_143, %get3A_35 : vector<16xf32>
      %parallel_loop3A_145 = arith.index_cast %parallel_loop3A_136 : i32 to index
      %parallel_loop3A_146 = arith.constant 32 : index
      %parallel_loop3A_147 = tpu.vector_load %arg8[%parallel_loop3A_145, %parallel_loop3A_146] {strides = array<i32>} : memref<256x64xf32, #tpu.memory_space<vmem>>, vector<16xf32>,
      %parallel_loop3A_148 = arith.mulf %parallel_loop3A_147, %get3A_37 : vector<16xf32>
      %parallel_loop3A_149 = arith.index_cast %parallel_loop3A_136 : i32 to index
      %parallel_loop3A_150 = arith.constant 48 : index
      %parallel_loop3A_151 = tpu.vector_load %arg8[%parallel_loop3A_149, %parallel_loop3A_150] {strides = array<i32>} : memref<256x64xf32, #tpu.memory_space<vmem>>, vector<16xf32>,
      %parallel_loop3A_152 = arith.mulf %parallel_loop3A_151, %get3A_39 : vector<16xf32>
      %parallel_loop3A_153 = arith.constant dense<true> : vector<16xi1>
      %parallel_loop3A_154, %parallel_loop3A_155, %parallel_loop3A_156 = tpu.sort %parallel_loop3A_140, %iota3A masked %parallel_loop3A_153 {descending = true} : (vector<16xf32>, vector<16xi32>, vector<16xi1>) -> (vector<16xi1>, vector<16xf32>, vector<16xi32>)
      %parallel_loop3A_157 = arith.constant dense<true> : vector<16xi1>
      %parallel_loop3A_158, %parallel_loop3A_159, %parallel_loop3A_160 = tpu.sort %parallel_loop3A_144, %add3A_42 masked %parallel_loop3A_157 {descending = true} : (vector<16xf32>, vector<16xi32>, vector<16xi1>) -> (vector<16xi1>, vector<16xf32>, vector<16xi32>)
      %parallel_loop3A_161 = arith.constant dense<true> : vector<16xi1>
      %parallel_loop3A_162, %parallel_loop3A_163, %parallel_loop3A_164 = tpu.sort %parallel_loop3A_148, %add3A_45 masked %parallel_loop3A_161 {descending = true} : (vector<16xf32>, vector<16xi32>, vector<16xi1>) -> (vector<16xi1>, vector<16xf32>, vector<16xi32>)
      %parallel_loop3A_165 = arith.constant dense<true> : vector<16xi1>
      %parallel_loop3A_166, %parallel_loop3A_167, %parallel_loop3A_168 = tpu.sort %parallel_loop3A_152, %add3A_48 masked %parallel_loop3A_165 {descending = true} : (vector<16xf32>, vector<16xi32>, vector<16xi1>) -> (vector<16xi1>, vector<16xf32>, vector<16xi32>)
      %parallel_loop3A_169 = arith.constant 15 : i32
      %parallel_loop3A_170 = vector.broadcast %parallel_loop3A_169 : i32 to vector<16xi32>
      %parallel_loop3A_171 = tpu.iota {dimensions = array<i32: 0>} : vector<16xi32>
      %parallel_loop3A_172 = arith.subi %parallel_loop3A_170, %parallel_loop3A_171 : vector<16xi32>
      %parallel_loop3A_173 = tpu.dynamic_gather %parallel_loop3A_159[%parallel_loop3A_172] in [0] : vector<16xf32>, vector<16xi32> -> vector<16xf32>
      %parallel_loop3A_174 = arith.constant 15 : i32
      %parallel_loop3A_175 = vector.broadcast %parallel_loop3A_174 : i32 to vector<16xi32>
      %parallel_loop3A_176 = tpu.iota {dimensions = array<i32: 0>} : vector<16xi32>
      %parallel_loop3A_177 = arith.subi %parallel_loop3A_175, %parallel_loop3A_176 : vector<16xi32>
      %parallel_loop3A_178 = tpu.dynamic_gather %parallel_loop3A_160[%parallel_loop3A_177] in [0] : vector<16xi32>, vector<16xi32> -> vector<16xi32>
      %parallel_loop3A_179 = arith.cmpf oge, %parallel_loop3A_155, %parallel_loop3A_173 : vector<16xf32>
      %parallel_loop3A_180 = arith.select %parallel_loop3A_179, %parallel_loop3A_155, %parallel_loop3A_173 : vector<16xi1>, vector<16xf32>
      %parallel_loop3A_181 = arith.select %parallel_loop3A_179, %parallel_loop3A_156, %parallel_loop3A_178 : vector<16xi1>, vector<16xi32>
      %parallel_loop3A_182 = arith.constant 15 : i32
      %parallel_loop3A_183 = vector.broadcast %parallel_loop3A_182 : i32 to vector<16xi32>
      %parallel_loop3A_184 = tpu.iota {dimensions = array<i32: 0>} : vector<16xi32>
      %parallel_loop3A_185 = arith.subi %parallel_loop3A_183, %parallel_loop3A_184 : vector<16xi32>
      %parallel_loop3A_186 = tpu.dynamic_gather %parallel_loop3A_167[%parallel_loop3A_185] in [0] : vector<16xf32>, vector<16xi32> -> vector<16xf32>
      %parallel_loop3A_187 = arith.constant 15 : i32
      %parallel_loop3A_188 = vector.broadcast %parallel_loop3A_187 : i32 to vector<16xi32>
      %parallel_loop3A_189 = tpu.iota {dimensions = array<i32: 0>} : vector<16xi32>
      %parallel_loop3A_190 = arith.subi %parallel_loop3A_188, %parallel_loop3A_189 : vector<16xi32>
      %parallel_loop3A_191 = tpu.dynamic_gather %parallel_loop3A_168[%parallel_loop3A_190] in [0] : vector<16xi32>, vector<16xi32> -> vector<16xi32>
      %parallel_loop3A_192 = arith.cmpf oge, %parallel_loop3A_163, %parallel_loop3A_186 : vector<16xf32>
      %parallel_loop3A_193 = arith.select %parallel_loop3A_192, %parallel_loop3A_163, %parallel_loop3A_186 : vector<16xi1>, vector<16xf32>
      %parallel_loop3A_194 = arith.select %parallel_loop3A_192, %parallel_loop3A_164, %parallel_loop3A_191 : vector<16xi1>, vector<16xi32>
      %parallel_loop3A_195 = arith.constant dense<true> : vector<16xi1>
      %parallel_loop3A_196, %parallel_loop3A_197, %parallel_loop3A_198 = tpu.sort %parallel_loop3A_180, %parallel_loop3A_181 masked %parallel_loop3A_195 {descending = true} : (vector<16xf32>, vector<16xi32>, vector<16xi1>) -> (vector<16xi1>, vector<16xf32>, vector<16xi32>)
      %parallel_loop3A_199 = arith.constant dense<true> : vector<16xi1>
      %parallel_loop3A_200, %parallel_loop3A_201, %parallel_loop3A_202 = tpu.sort %parallel_loop3A_193, %parallel_loop3A_194 masked %parallel_loop3A_199 {descending = true} : (vector<16xf32>, vector<16xi32>, vector<16xi1>) -> (vector<16xi1>, vector<16xf32>, vector<16xi32>)
      %parallel_loop3A_203 = arith.constant 15 : i32
      %parallel_loop3A_204 = vector.broadcast %parallel_loop3A_203 : i32 to vector<16xi32>
      %parallel_loop3A_205 = tpu.iota {dimensions = array<i32: 0>} : vector<16xi32>
      %parallel_loop3A_206 = arith.subi %parallel_loop3A_204, %parallel_loop3A_205 : vector<16xi32>
      %parallel_loop3A_207 = tpu.dynamic_gather %parallel_loop3A_201[%parallel_loop3A_206] in [0] : vector<16xf32>, vector<16xi32> -> vector<16xf32>
      %parallel_loop3A_208 = arith.constant 15 : i32
      %parallel_loop3A_209 = vector.broadcast %parallel_loop3A_208 : i32 to vector<16xi32>
      %parallel_loop3A_210 = tpu.iota {dimensions = array<i32: 0>} : vector<16xi32>
      %parallel_loop3A_211 = arith.subi %parallel_loop3A_209, %parallel_loop3A_210 : vector<16xi32>
      %parallel_loop3A_212 = tpu.dynamic_gather %parallel_loop3A_202[%parallel_loop3A_211] in [0] : vector<16xi32>, vector<16xi32> -> vector<16xi32>
      %parallel_loop3A_213 = arith.cmpf oge, %parallel_loop3A_197, %parallel_loop3A_207 : vector<16xf32>
      %parallel_loop3A_214 = arith.select %parallel_loop3A_213, %parallel_loop3A_197, %parallel_loop3A_207 : vector<16xi1>, vector<16xf32>
      %parallel_loop3A_215 = arith.select %parallel_loop3A_213, %parallel_loop3A_198, %parallel_loop3A_212 : vector<16xi1>, vector<16xi32>
      %parallel_loop3A_216 = arith.constant dense<true> : vector<16xi1>
      %parallel_loop3A_217, %parallel_loop3A_218, %parallel_loop3A_219 = tpu.sort %parallel_loop3A_214, %parallel_loop3A_215 masked %parallel_loop3A_216 {descending = true} : (vector<16xf32>, vector<16xi32>, vector<16xi1>) -> (vector<16xi1>, vector<16xf32>, vector<16xi32>)
      %parallel_loop3A_220 = arith.constant -1.000000e+00 : f32
      %parallel_loop3A_221 = vector.broadcast %parallel_loop3A_220 : f32 to vector<16xf32>
      %parallel_loop3A_222 = arith.select %lt3A_51, %parallel_loop3A_221, %parallel_loop3A_218 : vector<16xi1>, vector<16xf32>
      %parallel_loop3A_223 = arith.constant true
      %parallel_loop3A_224 = vector.broadcast %parallel_loop3A_223 : i1 to vector<16xi1>
      %parallel_loop3A_225 = tpu.scan <max>, %parallel_loop3A_222 masked %parallel_loop3A_224 : vector<16xf32>, vector<16xi1> -> vector<16xf32>
      %parallel_loop3A_226 = vector.extract %parallel_loop3A_225[15] : f32 from vector<16xf32>
      %parallel_loop3A_227 = math.exp %parallel_loop3A_218 : vector<16xf32>
      %parallel_loop3A_228 = arith.constant 0.000000e+00 : f32
      %parallel_loop3A_229 = vector.broadcast %parallel_loop3A_228 : f32 to vector<16xf32>
      %parallel_loop3A_230 = arith.select %lt3A_51, %parallel_loop3A_227, %parallel_loop3A_229 : vector<16xi1>, vector<16xf32>
      %parallel_loop3A_231 = arith.constant true
      %parallel_loop3A_232 = vector.broadcast %parallel_loop3A_231 : i1 to vector<16xi1>
      %parallel_loop3A_233 = tpu.scan <sum>, %parallel_loop3A_230 masked %parallel_loop3A_232 : vector<16xf32>, vector<16xi1> -> vector<16xf32>
      %parallel_loop3A_234 = vector.extract %parallel_loop3A_233[15] : f32 from vector<16xf32>
      %parallel_loop3A_235 = vector.broadcast %parallel_loop3A_234 : f32 to vector<16xf32>
      %parallel_loop3A_236 = arith.divf %parallel_loop3A_230, %parallel_loop3A_235 : vector<16xf32>
      %parallel_loop3A_237 = arith.constant 256 : i32
      %parallel_loop3A_238 = arith.addi %parallel_loop3A_237, %parallel_loop3A_136 : i32
      %parallel_loop3A_239 = arith.constant 7 : i32
      %parallel_loop3A_240 = arith.shrsi %parallel_loop3A_238, %parallel_loop3A_239 : i32
      %parallel_loop3A_241 = arith.constant 1024 : i32
      %parallel_loop3A_242 = arith.muli %parallel_loop3A_240, %parallel_loop3A_241 : i32
      %parallel_loop3A_243 = arith.constant 127 : i32
      %parallel_loop3A_244 = arith.andi %parallel_loop3A_238, %parallel_loop3A_243 : i32
      %parallel_loop3A_245 = arith.addi %parallel_loop3A_242, %parallel_loop3A_244 : i32
      %parallel_loop3A_246 = vector.broadcast %parallel_loop3A_245 : i32 to vector<16xi32>
      %parallel_loop3A_247 = arith.addi %mul3A_57, %parallel_loop3A_246 : vector<16xi32>
      tpu.vector_store_idx %arg10[%parallel_loop3A_247], %parallel_loop3A_219 masked %lt3A_51 : memref<8192xi32, #tpu.memory_space<vmem>>[vector<16xi32>], vector<16xi32>, vector<16xi1>
      tpu.vector_store_idx %arg11[%parallel_loop3A_247], %parallel_loop3A_236 masked %lt3A_51 : memref<8192xf32, #tpu.memory_space<vmem>>[vector<16xi32>], vector<16xf32>, vector<16xi1>
      %parallel_loop3A_248 = vector.broadcast %parallel_loop3A_226 : f32 to vector<16xf32>
      tpu.vector_store_idx %arg12[%parallel_loop3A_247], %parallel_loop3A_248 masked %lt3A_51 : memref<8192xf32, #tpu.memory_space<vmem>>[vector<16xi32>], vector<16xf32>, vector<16xi1>
    } {sc.loop_unroll_factor = 3 : i64, sc.parallel_access}
    %add3A_101 = arith.constant 768 : i32
    %add3A_102 = arith.addi %mul3A_32, %add3A_101 : i32
    %dma_start3A_103 = arith.constant 0 : i32
    %dma_start3A_104 = tpu.memref_slice %arg2[%select_n3A, %add3A_102, %dma_start3A_103] : memref<4x8192x64xf32, #tpu.memory_space<hbm>> -> memref<1x256x64xf32, #tpu.memory_space<hbm>>
    %dma_start3A_105 = tpu.memref_squeeze %dma_start3A_104 : memref<1x256x64xf32, #tpu.memory_space<hbm>> -> memref<256x64xf32, #tpu.memory_space<hbm>>
    %dma_start3A_106 = arith.constant 0 : i32
    %dma_start3A_107 = tpu.memref_slice %arg2[%select_n3A, %add3A_102, %dma_start3A_106] : memref<4x8192x64xf32, #tpu.memory_space<hbm>> -> memref<1x256x64xf32, #tpu.memory_space<hbm>>
    %dma_start3A_108 = tpu.memref_squeeze %dma_start3A_107 : memref<1x256x64xf32, #tpu.memory_space<hbm>> -> memref<256x64xf32, #tpu.memory_space<hbm>>
    tpu.enqueue_dma source(%dma_start3A_108 : memref<256x64xf32, #tpu.memory_space<hbm>>) target(%arg8 : memref<256x64xf32, #tpu.memory_space<vmem>>) target_semaphore(%arg14 : memref<!tpu.dma_semaphore, #tpu.memory_space<semaphore_mem>>)
    %add3A_109 = arith.constant 512 : i32
    %add3A_110 = arith.addi %mul3A_32, %add3A_109 : i32
    %dma_wait3A_111 = arith.constant 0 : i32
    %dma_wait3A_112 = tpu.memref_slice %arg2[%select_n3A, %add3A_110, %dma_wait3A_111] : memref<4x8192x64xf32, #tpu.memory_space<hbm>> -> memref<1x256x64xf32, #tpu.memory_space<hbm>>
    %dma_wait3A_113 = tpu.memref_squeeze %dma_wait3A_112 : memref<1x256x64xf32, #tpu.memory_space<hbm>> -> memref<256x64xf32, #tpu.memory_space<hbm>>
    %dma_wait3A_114 = arith.constant 0 : i32
    %dma_wait3A_115 = tpu.memref_slice %arg2[%select_n3A, %add3A_110, %dma_wait3A_114] : memref<4x8192x64xf32, #tpu.memory_space<hbm>> -> memref<1x256x64xf32, #tpu.memory_space<hbm>>
    %dma_wait3A_116 = tpu.memref_squeeze %dma_wait3A_115 : memref<1x256x64xf32, #tpu.memory_space<hbm>> -> memref<256x64xf32, #tpu.memory_space<hbm>>
    tpu.wait_dma2 semaphore(%arg13 : memref<!tpu.dma_semaphore, #tpu.memory_space<semaphore_mem>>) src(%dma_wait3A_116 : memref<256x64xf32, #tpu.memory_space<hbm>>) dst(%arg7 : memref<256x64xf32, #tpu.memory_space<vmem>>)
    %parallel_loop3A_117 = arith.constant 0 : i32
    %parallel_loop3A_118 = arith.constant 256 : i32
    %parallel_loop3A_119 = arith.constant 1 : i32
    scf.for %parallel_loop3A_136 = %parallel_loop3A_117 to %parallel_loop3A_118 step %parallel_loop3A_119  : i32 {
      %parallel_loop3A_137 = arith.index_cast %parallel_loop3A_136 : i32 to index
      %parallel_loop3A_138 = arith.constant 0 : index
      %parallel_loop3A_139 = tpu.vector_load %arg7[%parallel_loop3A_137, %parallel_loop3A_138] {strides = array<i32>} : memref<256x64xf32, #tpu.memory_space<vmem>>, vector<16xf32>,
      %parallel_loop3A_140 = arith.mulf %parallel_loop3A_139, %get3A_33 : vector<16xf32>
      %parallel_loop3A_141 = arith.index_cast %parallel_loop3A_136 : i32 to index
      %parallel_loop3A_142 = arith.constant 16 : index
      %parallel_loop3A_143 = tpu.vector_load %arg7[%parallel_loop3A_141, %parallel_loop3A_142] {strides = array<i32>} : memref<256x64xf32, #tpu.memory_space<vmem>>, vector<16xf32>,
      %parallel_loop3A_144 = arith.mulf %parallel_loop3A_143, %get3A_35 : vector<16xf32>
      %parallel_loop3A_145 = arith.index_cast %parallel_loop3A_136 : i32 to index
      %parallel_loop3A_146 = arith.constant 32 : index
      %parallel_loop3A_147 = tpu.vector_load %arg7[%parallel_loop3A_145, %parallel_loop3A_146] {strides = array<i32>} : memref<256x64xf32, #tpu.memory_space<vmem>>, vector<16xf32>,
      %parallel_loop3A_148 = arith.mulf %parallel_loop3A_147, %get3A_37 : vector<16xf32>
      %parallel_loop3A_149 = arith.index_cast %parallel_loop3A_136 : i32 to index
      %parallel_loop3A_150 = arith.constant 48 : index
      %parallel_loop3A_151 = tpu.vector_load %arg7[%parallel_loop3A_149, %parallel_loop3A_150] {strides = array<i32>} : memref<256x64xf32, #tpu.memory_space<vmem>>, vector<16xf32>,
      %parallel_loop3A_152 = arith.mulf %parallel_loop3A_151, %get3A_39 : vector<16xf32>
      %parallel_loop3A_153 = arith.constant dense<true> : vector<16xi1>
      %parallel_loop3A_154, %parallel_loop3A_155, %parallel_loop3A_156 = tpu.sort %parallel_loop3A_140, %iota3A masked %parallel_loop3A_153 {descending = true} : (vector<16xf32>, vector<16xi32>, vector<16xi1>) -> (vector<16xi1>, vector<16xf32>, vector<16xi32>)
      %parallel_loop3A_157 = arith.constant dense<true> : vector<16xi1>
      %parallel_loop3A_158, %parallel_loop3A_159, %parallel_loop3A_160 = tpu.sort %parallel_loop3A_144, %add3A_42 masked %parallel_loop3A_157 {descending = true} : (vector<16xf32>, vector<16xi32>, vector<16xi1>) -> (vector<16xi1>, vector<16xf32>, vector<16xi32>)
      %parallel_loop3A_161 = arith.constant dense<true> : vector<16xi1>
      %parallel_loop3A_162, %parallel_loop3A_163, %parallel_loop3A_164 = tpu.sort %parallel_loop3A_148, %add3A_45 masked %parallel_loop3A_161 {descending = true} : (vector<16xf32>, vector<16xi32>, vector<16xi1>) -> (vector<16xi1>, vector<16xf32>, vector<16xi32>)
      %parallel_loop3A_165 = arith.constant dense<true> : vector<16xi1>
      %parallel_loop3A_166, %parallel_loop3A_167, %parallel_loop3A_168 = tpu.sort %parallel_loop3A_152, %add3A_48 masked %parallel_loop3A_165 {descending = true} : (vector<16xf32>, vector<16xi32>, vector<16xi1>) -> (vector<16xi1>, vector<16xf32>, vector<16xi32>)
      %parallel_loop3A_169 = arith.constant 15 : i32
      %parallel_loop3A_170 = vector.broadcast %parallel_loop3A_169 : i32 to vector<16xi32>
      %parallel_loop3A_171 = tpu.iota {dimensions = array<i32: 0>} : vector<16xi32>
      %parallel_loop3A_172 = arith.subi %parallel_loop3A_170, %parallel_loop3A_171 : vector<16xi32>
      %parallel_loop3A_173 = tpu.dynamic_gather %parallel_loop3A_159[%parallel_loop3A_172] in [0] : vector<16xf32>, vector<16xi32> -> vector<16xf32>
      %parallel_loop3A_174 = arith.constant 15 : i32
      %parallel_loop3A_175 = vector.broadcast %parallel_loop3A_174 : i32 to vector<16xi32>
      %parallel_loop3A_176 = tpu.iota {dimensions = array<i32: 0>} : vector<16xi32>
      %parallel_loop3A_177 = arith.subi %parallel_loop3A_175, %parallel_loop3A_176 : vector<16xi32>
      %parallel_loop3A_178 = tpu.dynamic_gather %parallel_loop3A_160[%parallel_loop3A_177] in [0] : vector<16xi32>, vector<16xi32> -> vector<16xi32>
      %parallel_loop3A_179 = arith.cmpf oge, %parallel_loop3A_155, %parallel_loop3A_173 : vector<16xf32>
      %parallel_loop3A_180 = arith.select %parallel_loop3A_179, %parallel_loop3A_155, %parallel_loop3A_173 : vector<16xi1>, vector<16xf32>
      %parallel_loop3A_181 = arith.select %parallel_loop3A_179, %parallel_loop3A_156, %parallel_loop3A_178 : vector<16xi1>, vector<16xi32>
      %parallel_loop3A_182 = arith.constant 15 : i32
      %parallel_loop3A_183 = vector.broadcast %parallel_loop3A_182 : i32 to vector<16xi32>
      %parallel_loop3A_184 = tpu.iota {dimensions = array<i32: 0>} : vector<16xi32>
      %parallel_loop3A_185 = arith.subi %parallel_loop3A_183, %parallel_loop3A_184 : vector<16xi32>
      %parallel_loop3A_186 = tpu.dynamic_gather %parallel_loop3A_167[%parallel_loop3A_185] in [0] : vector<16xf32>, vector<16xi32> -> vector<16xf32>
      %parallel_loop3A_187 = arith.constant 15 : i32
      %parallel_loop3A_188 = vector.broadcast %parallel_loop3A_187 : i32 to vector<16xi32>
      %parallel_loop3A_189 = tpu.iota {dimensions = array<i32: 0>} : vector<16xi32>
      %parallel_loop3A_190 = arith.subi %parallel_loop3A_188, %parallel_loop3A_189 : vector<16xi32>
      %parallel_loop3A_191 = tpu.dynamic_gather %parallel_loop3A_168[%parallel_loop3A_190] in [0] : vector<16xi32>, vector<16xi32> -> vector<16xi32>
      %parallel_loop3A_192 = arith.cmpf oge, %parallel_loop3A_163, %parallel_loop3A_186 : vector<16xf32>
      %parallel_loop3A_193 = arith.select %parallel_loop3A_192, %parallel_loop3A_163, %parallel_loop3A_186 : vector<16xi1>, vector<16xf32>
      %parallel_loop3A_194 = arith.select %parallel_loop3A_192, %parallel_loop3A_164, %parallel_loop3A_191 : vector<16xi1>, vector<16xi32>
      %parallel_loop3A_195 = arith.constant dense<true> : vector<16xi1>
      %parallel_loop3A_196, %parallel_loop3A_197, %parallel_loop3A_198 = tpu.sort %parallel_loop3A_180, %parallel_loop3A_181 masked %parallel_loop3A_195 {descending = true} : (vector<16xf32>, vector<16xi32>, vector<16xi1>) -> (vector<16xi1>, vector<16xf32>, vector<16xi32>)
      %parallel_loop3A_199 = arith.constant dense<true> : vector<16xi1>
      %parallel_loop3A_200, %parallel_loop3A_201, %parallel_loop3A_202 = tpu.sort %parallel_loop3A_193, %parallel_loop3A_194 masked %parallel_loop3A_199 {descending = true} : (vector<16xf32>, vector<16xi32>, vector<16xi1>) -> (vector<16xi1>, vector<16xf32>, vector<16xi32>)
      %parallel_loop3A_203 = arith.constant 15 : i32
      %parallel_loop3A_204 = vector.broadcast %parallel_loop3A_203 : i32 to vector<16xi32>
      %parallel_loop3A_205 = tpu.iota {dimensions = array<i32: 0>} : vector<16xi32>
      %parallel_loop3A_206 = arith.subi %parallel_loop3A_204, %parallel_loop3A_205 : vector<16xi32>
      %parallel_loop3A_207 = tpu.dynamic_gather %parallel_loop3A_201[%parallel_loop3A_206] in [0] : vector<16xf32>, vector<16xi32> -> vector<16xf32>
      %parallel_loop3A_208 = arith.constant 15 : i32
      %parallel_loop3A_209 = vector.broadcast %parallel_loop3A_208 : i32 to vector<16xi32>
      %parallel_loop3A_210 = tpu.iota {dimensions = array<i32: 0>} : vector<16xi32>
      %parallel_loop3A_211 = arith.subi %parallel_loop3A_209, %parallel_loop3A_210 : vector<16xi32>
      %parallel_loop3A_212 = tpu.dynamic_gather %parallel_loop3A_202[%parallel_loop3A_211] in [0] : vector<16xi32>, vector<16xi32> -> vector<16xi32>
      %parallel_loop3A_213 = arith.cmpf oge, %parallel_loop3A_197, %parallel_loop3A_207 : vector<16xf32>
      %parallel_loop3A_214 = arith.select %parallel_loop3A_213, %parallel_loop3A_197, %parallel_loop3A_207 : vector<16xi1>, vector<16xf32>
      %parallel_loop3A_215 = arith.select %parallel_loop3A_213, %parallel_loop3A_198, %parallel_loop3A_212 : vector<16xi1>, vector<16xi32>
      %parallel_loop3A_216 = arith.constant dense<true> : vector<16xi1>
      %parallel_loop3A_217, %parallel_loop3A_218, %parallel_loop3A_219 = tpu.sort %parallel_loop3A_214, %parallel_loop3A_215 masked %parallel_loop3A_216 {descending = true} : (vector<16xf32>, vector<16xi32>, vector<16xi1>) -> (vector<16xi1>, vector<16xf32>, vector<16xi32>)
      %parallel_loop3A_220 = arith.constant -1.000000e+00 : f32
      %parallel_loop3A_221 = vector.broadcast %parallel_loop3A_220 : f32 to vector<16xf32>
      %parallel_loop3A_222 = arith.select %lt3A_51, %parallel_loop3A_221, %parallel_loop3A_218 : vector<16xi1>, vector<16xf32>
      %parallel_loop3A_223 = arith.constant true
      %parallel_loop3A_224 = vector.broadcast %parallel_loop3A_223 : i1 to vector<16xi1>
      %parallel_loop3A_225 = tpu.scan <max>, %parallel_loop3A_222 masked %parallel_loop3A_224 : vector<16xf32>, vector<16xi1> -> vector<16xf32>
      %parallel_loop3A_226 = vector.extract %parallel_loop3A_225[15] : f32 from vector<16xf32>
      %parallel_loop3A_227 = math.exp %parallel_loop3A_218 : vector<16xf32>
      %parallel_loop3A_228 = arith.constant 0.000000e+00 : f32
      %parallel_loop3A_229 = vector.broadcast %parallel_loop3A_228 : f32 to vector<16xf32>
      %parallel_loop3A_230 = arith.select %lt3A_51, %parallel_loop3A_227, %parallel_loop3A_229 : vector<16xi1>, vector<16xf32>
      %parallel_loop3A_231 = arith.constant true
      %parallel_loop3A_232 = vector.broadcast %parallel_loop3A_231 : i1 to vector<16xi1>
      %parallel_loop3A_233 = tpu.scan <sum>, %parallel_loop3A_230 masked %parallel_loop3A_232 : vector<16xf32>, vector<16xi1> -> vector<16xf32>
      %parallel_loop3A_234 = vector.extract %parallel_loop3A_233[15] : f32 from vector<16xf32>
      %parallel_loop3A_235 = vector.broadcast %parallel_loop3A_234 : f32 to vector<16xf32>
      %parallel_loop3A_236 = arith.divf %parallel_loop3A_230, %parallel_loop3A_235 : vector<16xf32>
      %parallel_loop3A_237 = arith.constant 512 : i32
      %parallel_loop3A_238 = arith.addi %parallel_loop3A_237, %parallel_loop3A_136 : i32
      %parallel_loop3A_239 = arith.constant 7 : i32
      %parallel_loop3A_240 = arith.shrsi %parallel_loop3A_238, %parallel_loop3A_239 : i32
      %parallel_loop3A_241 = arith.constant 1024 : i32
      %parallel_loop3A_242 = arith.muli %parallel_loop3A_240, %parallel_loop3A_241 : i32
      %parallel_loop3A_243 = arith.constant 127 : i32
      %parallel_loop3A_244 = arith.andi %parallel_loop3A_238, %parallel_loop3A_243 : i32
      %parallel_loop3A_245 = arith.addi %parallel_loop3A_242, %parallel_loop3A_244 : i32
      %parallel_loop3A_246 = vector.broadcast %parallel_loop3A_245 : i32 to vector<16xi32>
      %parallel_loop3A_247 = arith.addi %mul3A_57, %parallel_loop3A_246 : vector<16xi32>
      tpu.vector_store_idx %arg10[%parallel_loop3A_247], %parallel_loop3A_219 masked %lt3A_51 : memref<8192xi32, #tpu.memory_space<vmem>>[vector<16xi32>], vector<16xi32>, vector<16xi1>
      tpu.vector_store_idx %arg11[%parallel_loop3A_247], %parallel_loop3A_236 masked %lt3A_51 : memref<8192xf32, #tpu.memory_space<vmem>>[vector<16xi32>], vector<16xf32>, vector<16xi1>
      %parallel_loop3A_248 = vector.broadcast %parallel_loop3A_226 : f32 to vector<16xf32>
      tpu.vector_store_idx %arg12[%parallel_loop3A_247], %parallel_loop3A_248 masked %lt3A_51 : memref<8192xf32, #tpu.memory_space<vmem>>[vector<16xi32>], vector<16xf32>, vector<16xi1>
    } {sc.loop_unroll_factor = 3 : i64, sc.parallel_access}
    %add3A_120 = arith.constant 768 : i32
    %add3A_121 = arith.addi %mul3A_32, %add3A_120 : i32
    %dma_wait3A_122 = arith.constant 0 : i32
    %dma_wait3A_123 = tpu.memref_slice %arg2[%select_n3A, %add3A_121, %dma_wait3A_122] : memref<4x8192x64xf32, #tpu.memory_space<hbm>> -> memref<1x256x64xf32, #tpu.memory_space<hbm>>
    %dma_wait3A_124 = tpu.memref_squeeze %dma_wait3A_123 : memref<1x256x64xf32, #tpu.memory_space<hbm>> -> memref<256x64xf32, #tpu.memory_space<hbm>>
    %dma_wait3A_125 = arith.constant 0 : i32
    %dma_wait3A_126 = tpu.memref_slice %arg2[%select_n3A, %add3A_121, %dma_wait3A_125] : memref<4x8192x64xf32, #tpu.memory_space<hbm>> -> memref<1x256x64xf32, #tpu.memory_space<hbm>>
    %dma_wait3A_127 = tpu.memref_squeeze %dma_wait3A_126 : memref<1x256x64xf32, #tpu.memory_space<hbm>> -> memref<256x64xf32, #tpu.memory_space<hbm>>
    tpu.wait_dma2 semaphore(%arg14 : memref<!tpu.dma_semaphore, #tpu.memory_space<semaphore_mem>>) src(%dma_wait3A_127 : memref<256x64xf32, #tpu.memory_space<hbm>>) dst(%arg8 : memref<256x64xf32, #tpu.memory_space<vmem>>)
    %parallel_loop3A_128 = arith.constant 0 : i32
    %parallel_loop3A_129 = arith.constant 256 : i32
    %parallel_loop3A_130 = arith.constant 1 : i32
    scf.for %parallel_loop3A_136 = %parallel_loop3A_128 to %parallel_loop3A_129 step %parallel_loop3A_130  : i32 {
      %parallel_loop3A_137 = arith.index_cast %parallel_loop3A_136 : i32 to index
      %parallel_loop3A_138 = arith.constant 0 : index
      %parallel_loop3A_139 = tpu.vector_load %arg8[%parallel_loop3A_137, %parallel_loop3A_138] {strides = array<i32>} : memref<256x64xf32, #tpu.memory_space<vmem>>, vector<16xf32>,
      %parallel_loop3A_140 = arith.mulf %parallel_loop3A_139, %get3A_33 : vector<16xf32>
      %parallel_loop3A_141 = arith.index_cast %parallel_loop3A_136 : i32 to index
      %parallel_loop3A_142 = arith.constant 16 : index
      %parallel_loop3A_143 = tpu.vector_load %arg8[%parallel_loop3A_141, %parallel_loop3A_142] {strides = array<i32>} : memref<256x64xf32, #tpu.memory_space<vmem>>, vector<16xf32>,
      %parallel_loop3A_144 = arith.mulf %parallel_loop3A_143, %get3A_35 : vector<16xf32>
      %parallel_loop3A_145 = arith.index_cast %parallel_loop3A_136 : i32 to index
      %parallel_loop3A_146 = arith.constant 32 : index
      %parallel_loop3A_147 = tpu.vector_load %arg8[%parallel_loop3A_145, %parallel_loop3A_146] {strides = array<i32>} : memref<256x64xf32, #tpu.memory_space<vmem>>, vector<16xf32>,
      %parallel_loop3A_148 = arith.mulf %parallel_loop3A_147, %get3A_37 : vector<16xf32>
      %parallel_loop3A_149 = arith.index_cast %parallel_loop3A_136 : i32 to index
      %parallel_loop3A_150 = arith.constant 48 : index
      %parallel_loop3A_151 = tpu.vector_load %arg8[%parallel_loop3A_149, %parallel_loop3A_150] {strides = array<i32>} : memref<256x64xf32, #tpu.memory_space<vmem>>, vector<16xf32>,
      %parallel_loop3A_152 = arith.mulf %parallel_loop3A_151, %get3A_39 : vector<16xf32>
      %parallel_loop3A_153 = arith.constant dense<true> : vector<16xi1>
      %parallel_loop3A_154, %parallel_loop3A_155, %parallel_loop3A_156 = tpu.sort %parallel_loop3A_140, %iota3A masked %parallel_loop3A_153 {descending = true} : (vector<16xf32>, vector<16xi32>, vector<16xi1>) -> (vector<16xi1>, vector<16xf32>, vector<16xi32>)
      %parallel_loop3A_157 = arith.constant dense<true> : vector<16xi1>
      %parallel_loop3A_158, %parallel_loop3A_159, %parallel_loop3A_160 = tpu.sort %parallel_loop3A_144, %add3A_42 masked %parallel_loop3A_157 {descending = true} : (vector<16xf32>, vector<16xi32>, vector<16xi1>) -> (vector<16xi1>, vector<16xf32>, vector<16xi32>)
      %parallel_loop3A_161 = arith.constant dense<true> : vector<16xi1>
      %parallel_loop3A_162, %parallel_loop3A_163, %parallel_loop3A_164 = tpu.sort %parallel_loop3A_148, %add3A_45 masked %parallel_loop3A_161 {descending = true} : (vector<16xf32>, vector<16xi32>, vector<16xi1>) -> (vector<16xi1>, vector<16xf32>, vector<16xi32>)
      %parallel_loop3A_165 = arith.constant dense<true> : vector<16xi1>
      %parallel_loop3A_166, %parallel_loop3A_167, %parallel_loop3A_168 = tpu.sort %parallel_loop3A_152, %add3A_48 masked %parallel_loop3A_165 {descending = true} : (vector<16xf32>, vector<16xi32>, vector<16xi1>) -> (vector<16xi1>, vector<16xf32>, vector<16xi32>)
      %parallel_loop3A_169 = arith.constant 15 : i32
      %parallel_loop3A_170 = vector.broadcast %parallel_loop3A_169 : i32 to vector<16xi32>
      %parallel_loop3A_171 = tpu.iota {dimensions = array<i32: 0>} : vector<16xi32>
      %parallel_loop3A_172 = arith.subi %parallel_loop3A_170, %parallel_loop3A_171 : vector<16xi32>
      %parallel_loop3A_173 = tpu.dynamic_gather %parallel_loop3A_159[%parallel_loop3A_172] in [0] : vector<16xf32>, vector<16xi32> -> vector<16xf32>
      %parallel_loop3A_174 = arith.constant 15 : i32
      %parallel_loop3A_175 = vector.broadcast %parallel_loop3A_174 : i32 to vector<16xi32>
      %parallel_loop3A_176 = tpu.iota {dimensions = array<i32: 0>} : vector<16xi32>
      %parallel_loop3A_177 = arith.subi %parallel_loop3A_175, %parallel_loop3A_176 : vector<16xi32>
      %parallel_loop3A_178 = tpu.dynamic_gather %parallel_loop3A_160[%parallel_loop3A_177] in [0] : vector<16xi32>, vector<16xi32> -> vector<16xi32>
      %parallel_loop3A_179 = arith.cmpf oge, %parallel_loop3A_155, %parallel_loop3A_173 : vector<16xf32>
      %parallel_loop3A_180 = arith.select %parallel_loop3A_179, %parallel_loop3A_155, %parallel_loop3A_173 : vector<16xi1>, vector<16xf32>
      %parallel_loop3A_181 = arith.select %parallel_loop3A_179, %parallel_loop3A_156, %parallel_loop3A_178 : vector<16xi1>, vector<16xi32>
      %parallel_loop3A_182 = arith.constant 15 : i32
      %parallel_loop3A_183 = vector.broadcast %parallel_loop3A_182 : i32 to vector<16xi32>
      %parallel_loop3A_184 = tpu.iota {dimensions = array<i32: 0>} : vector<16xi32>
      %parallel_loop3A_185 = arith.subi %parallel_loop3A_183, %parallel_loop3A_184 : vector<16xi32>
      %parallel_loop3A_186 = tpu.dynamic_gather %parallel_loop3A_167[%parallel_loop3A_185] in [0] : vector<16xf32>, vector<16xi32> -> vector<16xf32>
      %parallel_loop3A_187 = arith.constant 15 : i32
      %parallel_loop3A_188 = vector.broadcast %parallel_loop3A_187 : i32 to vector<16xi32>
      %parallel_loop3A_189 = tpu.iota {dimensions = array<i32: 0>} : vector<16xi32>
      %parallel_loop3A_190 = arith.subi %parallel_loop3A_188, %parallel_loop3A_189 : vector<16xi32>
      %parallel_loop3A_191 = tpu.dynamic_gather %parallel_loop3A_168[%parallel_loop3A_190] in [0] : vector<16xi32>, vector<16xi32> -> vector<16xi32>
      %parallel_loop3A_192 = arith.cmpf oge, %parallel_loop3A_163, %parallel_loop3A_186 : vector<16xf32>
      %parallel_loop3A_193 = arith.select %parallel_loop3A_192, %parallel_loop3A_163, %parallel_loop3A_186 : vector<16xi1>, vector<16xf32>
      %parallel_loop3A_194 = arith.select %parallel_loop3A_192, %parallel_loop3A_164, %parallel_loop3A_191 : vector<16xi1>, vector<16xi32>
      %parallel_loop3A_195 = arith.constant dense<true> : vector<16xi1>
      %parallel_loop3A_196, %parallel_loop3A_197, %parallel_loop3A_198 = tpu.sort %parallel_loop3A_180, %parallel_loop3A_181 masked %parallel_loop3A_195 {descending = true} : (vector<16xf32>, vector<16xi32>, vector<16xi1>) -> (vector<16xi1>, vector<16xf32>, vector<16xi32>)
      %parallel_loop3A_199 = arith.constant dense<true> : vector<16xi1>
      %parallel_loop3A_200, %parallel_loop3A_201, %parallel_loop3A_202 = tpu.sort %parallel_loop3A_193, %parallel_loop3A_194 masked %parallel_loop3A_199 {descending = true} : (vector<16xf32>, vector<16xi32>, vector<16xi1>) -> (vector<16xi1>, vector<16xf32>, vector<16xi32>)
      %parallel_loop3A_203 = arith.constant 15 : i32
      %parallel_loop3A_204 = vector.broadcast %parallel_loop3A_203 : i32 to vector<16xi32>
      %parallel_loop3A_205 = tpu.iota {dimensions = array<i32: 0>} : vector<16xi32>
      %parallel_loop3A_206 = arith.subi %parallel_loop3A_204, %parallel_loop3A_205 : vector<16xi32>
      %parallel_loop3A_207 = tpu.dynamic_gather %parallel_loop3A_201[%parallel_loop3A_206] in [0] : vector<16xf32>, vector<16xi32> -> vector<16xf32>
      %parallel_loop3A_208 = arith.constant 15 : i32
      %parallel_loop3A_209 = vector.broadcast %parallel_loop3A_208 : i32 to vector<16xi32>
      %parallel_loop3A_210 = tpu.iota {dimensions = array<i32: 0>} : vector<16xi32>
      %parallel_loop3A_211 = arith.subi %parallel_loop3A_209, %parallel_loop3A_210 : vector<16xi32>
      %parallel_loop3A_212 = tpu.dynamic_gather %parallel_loop3A_202[%parallel_loop3A_211] in [0] : vector<16xi32>, vector<16xi32> -> vector<16xi32>
      %parallel_loop3A_213 = arith.cmpf oge, %parallel_loop3A_197, %parallel_loop3A_207 : vector<16xf32>
      %parallel_loop3A_214 = arith.select %parallel_loop3A_213, %parallel_loop3A_197, %parallel_loop3A_207 : vector<16xi1>, vector<16xf32>
      %parallel_loop3A_215 = arith.select %parallel_loop3A_213, %parallel_loop3A_198, %parallel_loop3A_212 : vector<16xi1>, vector<16xi32>
      %parallel_loop3A_216 = arith.constant dense<true> : vector<16xi1>
      %parallel_loop3A_217, %parallel_loop3A_218, %parallel_loop3A_219 = tpu.sort %parallel_loop3A_214, %parallel_loop3A_215 masked %parallel_loop3A_216 {descending = true} : (vector<16xf32>, vector<16xi32>, vector<16xi1>) -> (vector<16xi1>, vector<16xf32>, vector<16xi32>)
      %parallel_loop3A_220 = arith.constant -1.000000e+00 : f32
      %parallel_loop3A_221 = vector.broadcast %parallel_loop3A_220 : f32 to vector<16xf32>
      %parallel_loop3A_222 = arith.select %lt3A_51, %parallel_loop3A_221, %parallel_loop3A_218 : vector<16xi1>, vector<16xf32>
      %parallel_loop3A_223 = arith.constant true
      %parallel_loop3A_224 = vector.broadcast %parallel_loop3A_223 : i1 to vector<16xi1>
      %parallel_loop3A_225 = tpu.scan <max>, %parallel_loop3A_222 masked %parallel_loop3A_224 : vector<16xf32>, vector<16xi1> -> vector<16xf32>
      %parallel_loop3A_226 = vector.extract %parallel_loop3A_225[15] : f32 from vector<16xf32>
      %parallel_loop3A_227 = math.exp %parallel_loop3A_218 : vector<16xf32>
      %parallel_loop3A_228 = arith.constant 0.000000e+00 : f32
      %parallel_loop3A_229 = vector.broadcast %parallel_loop3A_228 : f32 to vector<16xf32>
      %parallel_loop3A_230 = arith.select %lt3A_51, %parallel_loop3A_227, %parallel_loop3A_229 : vector<16xi1>, vector<16xf32>
      %parallel_loop3A_231 = arith.constant true
      %parallel_loop3A_232 = vector.broadcast %parallel_loop3A_231 : i1 to vector<16xi1>
      %parallel_loop3A_233 = tpu.scan <sum>, %parallel_loop3A_230 masked %parallel_loop3A_232 : vector<16xf32>, vector<16xi1> -> vector<16xf32>
      %parallel_loop3A_234 = vector.extract %parallel_loop3A_233[15] : f32 from vector<16xf32>
      %parallel_loop3A_235 = vector.broadcast %parallel_loop3A_234 : f32 to vector<16xf32>
      %parallel_loop3A_236 = arith.divf %parallel_loop3A_230, %parallel_loop3A_235 : vector<16xf32>
      %parallel_loop3A_237 = arith.constant 768 : i32
      %parallel_loop3A_238 = arith.addi %parallel_loop3A_237, %parallel_loop3A_136 : i32
      %parallel_loop3A_239 = arith.constant 7 : i32
      %parallel_loop3A_240 = arith.shrsi %parallel_loop3A_238, %parallel_loop3A_239 : i32
      %parallel_loop3A_241 = arith.constant 1024 : i32
      %parallel_loop3A_242 = arith.muli %parallel_loop3A_240, %parallel_loop3A_241 : i32
      %parallel_loop3A_243 = arith.constant 127 : i32
      %parallel_loop3A_244 = arith.andi %parallel_loop3A_238, %parallel_loop3A_243 : i32
      %parallel_loop3A_245 = arith.addi %parallel_loop3A_242, %parallel_loop3A_244 : i32
      %parallel_loop3A_246 = vector.broadcast %parallel_loop3A_245 : i32 to vector<16xi32>
      %parallel_loop3A_247 = arith.addi %mul3A_57, %parallel_loop3A_246 : vector<16xi32>
      tpu.vector_store_idx %arg10[%parallel_loop3A_247], %parallel_loop3A_219 masked %lt3A_51 : memref<8192xi32, #tpu.memory_space<vmem>>[vector<16xi32>], vector<16xi32>, vector<16xi1>
      tpu.vector_store_idx %arg11[%parallel_loop3A_247], %parallel_loop3A_236 masked %lt3A_51 : memref<8192xf32, #tpu.memory_space<vmem>>[vector<16xi32>], vector<16xf32>, vector<16xi1>
      %parallel_loop3A_248 = vector.broadcast %parallel_loop3A_226 : f32 to vector<16xf32>
      tpu.vector_store_idx %arg12[%parallel_loop3A_247], %parallel_loop3A_248 masked %lt3A_51 : memref<8192xf32, #tpu.memory_space<vmem>>[vector<16xi32>], vector<16xf32>, vector<16xi1>
    } {sc.loop_unroll_factor = 3 : i64, sc.parallel_access}
    %mul3A_131 = arith.constant 8192 : i32
    %mul3A_132 = arith.muli %select_n3A, %mul3A_131 : i32
    %add3A_133 = arith.addi %mul3A_132, %mul3A_32 : i32
    %mul3A_134 = arith.constant 8 : i32
    %mul3A_135 = arith.muli %add3A_133, %mul3A_134 : i32
    "tpu.region"() ({
      %run_scoped3A = tpu.sem_alloc : memref<!tpu.dma_semaphore, #tpu.memory_space<semaphore_mem>>
      %dma_start3A_136 = tpu.memref_slice %arg4[%mul3A_135] : memref<262144xi32, #tpu.memory_space<hbm>> -> memref<8192xi32, #tpu.memory_space<hbm>>
      %dma_start3A_137 = tpu.memref_slice %arg4[%mul3A_135] : memref<262144xi32, #tpu.memory_space<hbm>> -> memref<8192xi32, #tpu.memory_space<hbm>>
      tpu.enqueue_dma source(%arg10 : memref<8192xi32, #tpu.memory_space<vmem>>) target(%dma_start3A_137 : memref<8192xi32, #tpu.memory_space<hbm>>) target_semaphore(%run_scoped3A : memref<!tpu.dma_semaphore, #tpu.memory_space<semaphore_mem>>)
      %dma_wait3A_138 = tpu.memref_slice %arg4[%mul3A_135] : memref<262144xi32, #tpu.memory_space<hbm>> -> memref<8192xi32, #tpu.memory_space<hbm>>
      %dma_wait3A_139 = tpu.memref_slice %arg4[%mul3A_135] : memref<262144xi32, #tpu.memory_space<hbm>> -> memref<8192xi32, #tpu.memory_space<hbm>>
      tpu.wait_dma2 semaphore(%run_scoped3A : memref<!tpu.dma_semaphore, #tpu.memory_space<semaphore_mem>>) src(%arg10 : memref<8192xi32, #tpu.memory_space<vmem>>) dst(%dma_wait3A_139 : memref<8192xi32, #tpu.memory_space<hbm>>)
      tpu.yield
    }) : () -> ()
    "tpu.region"() ({
      %run_scoped3A = tpu.sem_alloc : memref<!tpu.dma_semaphore, #tpu.memory_space<semaphore_mem>>
      %dma_start3A_136 = tpu.memref_slice %arg5[%mul3A_135] : memref<262144xf32, #tpu.memory_space<hbm>> -> memref<8192xf32, #tpu.memory_space<hbm>>
      %dma_start3A_137 = tpu.memref_slice %arg5[%mul3A_135] : memref<262144xf32, #tpu.memory_space<hbm>> -> memref<8192xf32, #tpu.memory_space<hbm>>
      tpu.enqueue_dma source(%arg11 : memref<8192xf32, #tpu.memory_space<vmem>>) target(%dma_start3A_137 : memref<8192xf32, #tpu.memory_space<hbm>>) target_semaphore(%run_scoped3A : memref<!tpu.dma_semaphore, #tpu.memory_space<semaphore_mem>>)
      %dma_wait3A_138 = tpu.memref_slice %arg5[%mul3A_135] : memref<262144xf32, #tpu.memory_space<hbm>> -> memref<8192xf32, #tpu.memory_space<hbm>>
      %dma_wait3A_139 = tpu.memref_slice %arg5[%mul3A_135] : memref<262144xf32, #tpu.memory_space<hbm>> -> memref<8192xf32, #tpu.memory_space<hbm>>
      tpu.wait_dma2 semaphore(%run_scoped3A : memref<!tpu.dma_semaphore, #tpu.memory_space<semaphore_mem>>) src(%arg11 : memref<8192xf32, #tpu.memory_space<vmem>>) dst(%dma_wait3A_139 : memref<8192xf32, #tpu.memory_space<hbm>>)
      tpu.yield
    }) : () -> ()
    "tpu.region"() ({
      %run_scoped3A = tpu.sem_alloc : memref<!tpu.dma_semaphore, #tpu.memory_space<semaphore_mem>>
      %dma_start3A_136 = tpu.memref_slice %arg6[%mul3A_135] : memref<262144xf32, #tpu.memory_space<hbm>> -> memref<8192xf32, #tpu.memory_space<hbm>>
      %dma_start3A_137 = tpu.memref_slice %arg6[%mul3A_135] : memref<262144xf32, #tpu.memory_space<hbm>> -> memref<8192xf32, #tpu.memory_space<hbm>>
      tpu.enqueue_dma source(%arg12 : memref<8192xf32, #tpu.memory_space<vmem>>) target(%dma_start3A_137 : memref<8192xf32, #tpu.memory_space<hbm>>) target_semaphore(%run_scoped3A : memref<!tpu.dma_semaphore, #tpu.memory_space<semaphore_mem>>)
      %dma_wait3A_138 = tpu.memref_slice %arg6[%mul3A_135] : memref<262144xf32, #tpu.memory_space<hbm>> -> memref<8192xf32, #tpu.memory_space<hbm>>
      %dma_wait3A_139 = tpu.memref_slice %arg6[%mul3A_135] : memref<262144xf32, #tpu.memory_space<hbm>> -> memref<8192xf32, #tpu.memory_space<hbm>>
      tpu.wait_dma2 semaphore(%run_scoped3A : memref<!tpu.dma_semaphore, #tpu.memory_space<semaphore_mem>>) src(%arg12 : memref<8192xf32, #tpu.memory_space<vmem>>) dst(%dma_wait3A_139 : memref<8192xf32, #tpu.memory_space<hbm>>)
      tpu.yield
    }) : () -> ()
    return
  }
}

</mosaic_0001>

<sc_bundles>
// kernel: kernel.3.cloned.1.call-start
scs
__scs_entry_jumppad:
0x0: {  	(pc) =	sbr.rel $0x88, $3  }
0x1: {  	(tag) =	ssettag $0x0;
	lr =	simm.s32 $0x1  }
0x2: {  	[smem:$0x3F9F] =	sst lr;
	_ =	strace $0xD0000000  }
0x3: {  	_ = 	snop  }
0x4: {  	_ = 	snop  }
0x5: {  	_ = 	snop  }
0x6: {  	_ = 	snop  }
0x7: {  	_ = 	snop  }
__scs_overlays_trampoline_lowered:
0x8: {  	[smem:$0x3FAE] =	sst s0  }
0x9: {  	[smem:$0x3FAF] =	sst s1  }
0xa: {  	[smem:$0x3FB0] =	sst s2  }
0xb: {  	[smem:$0x3FB1] =	sst s3  }
0xc: {  	[smem:$0x3FB2] =	sst s4  }
0xd: {  	[smem:$0x3FB3] =	sst s5  }
0xe: {  	[smem:$0x3FB4] =	sst s6  }
0xf: {  	[smem:$0x3FB5] =	sst s7  }
0x10: {  	[smem:$0x3FB6] =	sst s8  }
0x11: {  	[smem:$0x3FB7] =	sst s9;
	s0 =	simm.s32 @!p0 $0x0  }
0x12: {  	s1 =	sld [smem:$0x3F9D];
	s0 =	simm.s32 @p0 $0x1  }
0x13: {  	[smem:$0x3FB8] =	sst s0;
	s0 =	simm.s32 @!p1 $0x0  }
0x14: {  	s2 =	sld [smem:$0x3F9C];
	s0 =	simm.s32 @p1 $0x1  }
0x15: {  	[smem:$0x3FB9] =	sst s0;
	s0 =	simm.s32 @!p2 $0x0  }
0x16: {  	s3 =	sld [smem:$0x3FDB];
	s0 =	simm.s32 @p2 $0x1  }
0x17: {  	s4 =	simm.s32 $0x1BF5;
	[smem:$0x3FBB] =	sst s0  }
0x18: {  	s0 =	sld [smem:$0x3F9E];
	_ =	swait.ge [sflag:s4], $0x0  }
0x19: {  	s7 =	sld [smem:$0x3F9F]  }
0x1a: {  	s8 =	sadd.s32 $0xFFFFE003, lr  }
0x1b: {  	s9 =	sadd.s32 $0xFFFFFEF7, lr;
	s5 =	simm.s32 $0xFFFFFFFF;
	p2 =	slt.u32 s8, $0xFFFFF086  }
0x1c: {  	p1 =	slt.u32 s9, $0xF7A;
	s5 =	simm.s32 @!p2 $0x0  }
0x1d: {  	s5 =	simm.s32 @p1 $0x1;
	p0 =	seq.s32 s7, s2  }
0x1e: {  	s7 =	smul.u32 @!p0 $0xF7A, s2;
	p2 =	seq.s32 @!p0 s5, $0x0  }
0x1f: {  	s9 =	smul.u32 $0xF7A, s1;
	s8 =	simm.s32 @!p0 $0x1BF5;
	p2 =	por !p2, p0  }
0x20: {  	[sflag:s8] =	ssyncset.s32 @!p0 $0xFFFFF086;
	s6 =	sadd.s32 @!p0 s3, s7;
	s7 =	simm.s32 @!p0 $0x108  }
0x21: {  	s3 =	sadd.s32 s3, s9;
	s6 =	sadd.s32 @!p0 $0x88, s6;
	s7 =	simm.s32 @p2 $0x1082  }
0x22: {  	[simem:s7], [sflag:s8] =	dma.local @!p0 [hbm:s6], $0xF7A  }
0x23: {  	s9 =	sor.u32 $0xD0000000, s2;
	s6 =	simm.s32 $0x108;
	_ =	swait.ge @!p0 [sflag:s8], $0x0  }
0x24: {  	s3 =	sadd.s32 $0x88, s3;
	s6 =	simm.s32 @!p1 $0x1082;
	[sflag:s4] =	ssyncset.s32 $0xFFFFF086  }
0x25: {  	[simem:s6], [sflag:s4] =	dma.local [hbm:s3], $0xF7A  }
0x26: {  	[smem:$0x3F9F] =	sst s1;
	(tag) =	ssettag s2;
	_ =	strace s9  }
0x27: {  	s1 =	sld [smem:$0x3FAF]  }
0x28: {  	s2 =	sld [smem:$0x3FB0]  }
0x29: {  	s4 =	sld [smem:$0x3FB2]  }
0x2a: {  	p0 =	seq.s32 s5, $0x0;
	s5 =	sld [smem:$0x3FB3]  }
0x2b: {  	s6 =	sld [smem:$0x3FB4]  }
0x2c: {  	s7 =	sld [smem:$0x3FB5]  }
0x2d: {  	s3 =	simm.s32 $0x108;
	s8 =	sld [smem:$0x3FB6]  }
0x2e: {  	s3 =	simm.s32 @!p0 $0x1082;
	s9 =	sld [smem:$0x3FB7]  }
0x2f: {  	lr =	sadd.s32 s0, s3;
	s0 =	sld [smem:$0x3FAE]  }
0x30: {  	s3 =	sld [smem:$0x3FB1]  }
0x31: {  	[smem:$0x3FBA] =	sst s10  }
0x32: {  	s10 =	sld [smem:$0x3FB8];
	_ =	sdelay $0x3  }
0x33: {  	p0 =	seq.s32 s10, $0x1;
	s10 =	sld [smem:$0x3FBA];
	_ =	sdelay $0x3  }
0x34: {  	[smem:$0x3FBA] =	sst s10  }
0x35: {  	s10 =	sld [smem:$0x3FB9];
	_ =	sdelay $0x3  }
0x36: {  	p1 =	seq.s32 s10, $0x1;
	s10 =	sld [smem:$0x3FBA];
	_ =	sdelay $0x3  }
0x37: {  	[smem:$0x3FBA] =	sst s10  }
0x38: {  	s10 =	sld [smem:$0x3FBB]  }
0x39: {  	_ = 	snop;
	(pc) =	sbr.ind lr, $3  }
0x3a: {  	_ = 	snop  }
0x3b: {  	_ = 	snop  }
0x3c: {  	p2 =	seq.s32 s10, $0x1;
	s10 =	sld [smem:$0x3FBA]  }
0x3d: {  	_ =	shalt  }
0x3e: {  	_ =	shalt  }
0x3f: {  	_ =	shalt  }
0x40: {  	_ =	shalt  }
0x41: {  	_ =	shalt  }
0x42: {  	_ =	shalt  }
0x43: {  	_ =	shalt  }
0x44: {  	_ =	shalt  }
0x45: {  	_ =	shalt  }
0x46: {  	_ =	shalt  }
0x47: {  	_ =	shalt  }
0x48: {  	_ =	shalt  }
0x49: {  	_ =	shalt  }
0x4a: {  	_ =	shalt  }
0x4b: {  	_ =	shalt  }
0x4c: {  	_ =	shalt  }
0x4d: {  	_ =	shalt  }
0x4e: {  	_ =	shalt  }
0x4f: {  	_ =	shalt  }
0x50: {  	_ =	shalt  }
0x51: {  	_ =	shalt  }
0x52: {  	_ =	shalt  }
0x53: {  	_ =	shalt  }
0x54: {  	_ =	shalt  }
0x55: {  	_ =	shalt  }
0x56: {  	_ =	shalt  }
0x57: {  	_ =	shalt  }
0x58: {  	_ =	shalt  }
0x59: {  	_ =	shalt  }
0x5a: {  	_ =	shalt  }
0x5b: {  	_ =	shalt  }
0x5c: {  	_ =	shalt  }
0x5d: {  	_ =	shalt  }
0x5e: {  	_ =	shalt  }
0x5f: {  	_ =	shalt  }
0x60: {  	_ =	shalt  }
0x61: {  	_ =	shalt  }
0x62: {  	_ =	shalt  }
0x63: {  	_ =	shalt  }
0x64: {  	_ =	shalt  }
0x65: {  	_ =	shalt  }
0x66: {  	_ =	shalt  }
0x67: {  	_ =	shalt  }
0x68: {  	_ =	shalt  }
0x69: {  	_ =	shalt  }
0x6a: {  	_ =	shalt  }
0x6b: {  	_ =	shalt  }
0x6c: {  	_ =	shalt  }
0x6d: {  	_ =	shalt  }
0x6e: {  	_ =	shalt  }
0x6f: {  	_ =	shalt  }
0x70: {  	_ =	shalt  }
0x71: {  	_ =	shalt  }
0x72: {  	_ =	shalt  }
0x73: {  	_ =	shalt  }
0x74: {  	_ =	shalt  }
0x75: {  	_ =	shalt  }
0x76: {  	_ =	shalt  }
0x77: {  	_ =	shalt  }
0x78: {  	_ =	shalt  }
0x79: {  	_ =	shalt  }
0x7a: {  	_ =	shalt  }
0x7b: {  	_ =	shalt  }
0x7c: {  	_ =	shalt  }
0x7d: {  	_ =	shalt  }
0x7e: {  	_ =	shalt  }
0x7f: {  	_ =	shalt  }
0x80: {  	_ =	shalt  }
0x81: {  	_ =	shalt  }
0x82: {  	_ =	shalt  }
0x83: {  	_ =	shalt  }
0x84: {  	_ =	shalt  }
0x85: {  	_ =	shalt  }
0x86: {  	_ =	shalt  }
0x87: {  	_ =	shalt  }
.Lfunc_end0:
.L_simem_size_0:
called_computation_lowered:
.L_overlay_start_0:
0x88: {  	s2 =	sld [smem:$0x3FD9]  }
0x89: {  	s3 =	sld [smem:$0x3FFE];
	_ =	sdelay $0x1  }
0x8a: {  	s1 =	srdreg.scid  }
0x8b: {  	s0 =	sand.u32 $0x1, s1  }
0x8c: {  	s14 =	sshll.u32 s0, $0xA;
	s2 =	sadd.s32 s3, s2  }
0x8d: {  	s2 =	sadd.s32 s2, s14  }
0x8e: {  	[smem:$0x3FC6] =	sst s2  }
0x8f: {  	_ = 	snop  }
0x90: {  	s2 =	sld [smem:$0x3FD0];
	_ =	sdelay $0x2  }
0x91: {  	s4 =	simm.s32 $0xA;
	s5 =	simm.s32 $0x10;
	s15 =	sld [smem:$0x3FC8]  }
0x92: {  	[smem:s5], [sflag:s4] =	dma.local [hbm:s2], $0x1  }
0x93: {  	_ =	swait.eq [sflag:s4], $0x1  }
0x94: {  	s16 =	sld [smem:$0x10];
	[sflag:s4] =	ssyncset.done $0x0  }
0x95: {  	s17 =	sld [smem:$0x11];
	[sflag:s4] =	ssyncadd.s32 $0xFFFFFFFF  }
0x96: {  	s18 =	sld [smem:$0x12];
	(tm) =	ssettm $0x1  }
0x97: {  	s6 =	sld [smem:$0x3FFB];
	_ =	sdelay $0x3  }
0x98: {  	_ =	strace s6  }
0x99: {  	s6 =	sld [smem:$0x3FFC];
	_ =	sdelay $0x3  }
0x9a: {  	_ =	strace s6  }
0x9b: {  	s6 =	sld [smem:$0x3FFD];
	_ =	sdelay $0x3  }
0x9c: {  	_ =	strace s6  }
0x9d: {  	_ =	strace $0x8FFFFFFF  }
0x9e: {  	s19 =	sld [smem:$0x3FDB];
	_ =	sdelay $0x1  }
0x9f: {  	s7 =	simm.s32 $_scs_section_size  }
0xa0: {  	s8 =	simm.s32 $_size__tile_overlayer_lowered;
	s9 =	simm.s32 $_tile_overlayer_lowered  }
0xa1: {  	s22 =	simm.s32 $0x1BFF;
	s21 =	sshll.u32 s9, $0x1;
	s6 =	sadd.s32 s7, s19  }
0xa2: {  	s10 =	simm.s32 $0x0;
	s20 =	sshll.u32 s8, $0x1;
	s8 =	sadd.s32 s21, s6  }
0xa3: {  	[timem:s10], [sflag:s22] =	dma.local [hbm:s8], s20  }
0xa4: {  	_ =	swait.ge [sflag:s22], s20  }
0xa5: {  	s7 =	ssub.s32 $0x0, s20;
	[sflag:s22] =	ssyncset.done $0x0  }
0xa6: {  	[sflag:s22] =	ssyncadd.s32 s7;
	_ =	sdelay $0x1  }
0xa7: {  	s23 =	simm.s32 $0x1B8B  }
0xa8: {  	_ =	swait.ge [sflag:s23], $0x1  }
0xa9: {  	[sflag:s23] =	ssyncset.done $0x0  }
0xaa: {  	s25 =	simm.s32 $0x1B8E;
	s24 =	sld [smem:$0x3FFE];
	[sflag:s23] =	ssyncadd.s32 $0xFFFFFFFF  }
0xab: {  	s26 =	simm.s32 $execute0_lowered;
	[smem:$0x3FD2] =	sst s25  }
0xac: {  	s8 =	sshll.u32 s26, $0x1;
	_ =	strace $0x80000046;
	[dreg:$0x1] =	wrdreg $0xFFFFFFFF  }
0xad: {  	s28 =	simm.s32 $_size_execute0_lowered;
	s6 =	sadd.s32 s6, s8;
	[dreg:$0x0] =	wrdreg $0x0  }
0xae: {  	s8 =	sshll.u32 s28, $0x1;
	[dreg:$0x2] =	wrdreg s6  }
0xaf: {  	[dreg:$0x3] =	wrdreg s8  }
0xb0: {  	[dreg:$0x4] =	wrdreg $0xC0  }
0xb1: {  	_ =	task [dreg:s10], $0x5FFFF  }
0xb2: {  	[dreg:$0x1] =	wrdreg $0xFFFFFFFF  }
0xb3: {  	[dreg:$0x0] =	wrdreg $0x60  }
0xb4: {  	[dreg:$0x2] =	wrdreg s24  }
0xb5: {  	[dreg:$0x3] =	wrdreg s15  }
0xb6: {  	[dreg:$0x4] =	wrdreg s16  }
0xb7: {  	[dreg:$0x5] =	wrdreg s17  }
0xb8: {  	[dreg:$0x6] =	wrdreg s18  }
0xb9: {  	[dreg:$0x7] =	wrdreg $0x9  }
0xba: {  	_ =	task.clear_ibuf [dreg:s10], $0x8FFFF;
	_ =	strace $0x90000046  }
0xbb: {  	s29 =	simm.s32 $0x9;
	_ =	strace $0x80000048  }
0xbc: {  	_ =	swait.ge [sflag:s29], $0x1  }
0xbd: {  	[sflag:s29] =	ssyncadd.s32 $0xFFFFFFFF  }
0xbe: {  	_ =	strace $0x90000048  }
0xbf: {  	_ =	sfence  }
0xc0: {  	s30 =	sld [smem:$0x0];
	_ =	sdelay $0x2  }
0xc1: {  	s31 =	sshll.u32 s1, $0xD;
	s1 =	sshrl.u32 s1, $0x2  }
0xc2: {  	s3 =	sand.u32 $0x4000, s31;
	s1 =	sadd.s32 s1, s30  }
0xc3: {  	s0 =	sor.u32 s3, s0;
	s1 =	sshll.u32 s1, $0x11  }
0xc4: {  	s0 =	sor.u32 s1, s0  }
0xc5: {  	s0 =	sadd.s32 $0x8F2B, s0  }
0xc6: {  	[sflag:s0] =	ssyncadd.remote.s32 $0x1  }
0xc7: {  	_ =	sfence.sel $0xFFFF  }
0xc8: {  	[dreg:$0x0] =	wrdreg $0xFFFFFFFF;
	(pc) =	sbr.abs _section_cstart, $3  }
0xc9: {  	[dreg:$0x1] =	wrdreg $0xFFFFFFFF  }
0xca: {  	_ =	task.clear_ibuf [dreg:s10], $0x2FFFF;
	_ =	strace $0x9FFFFFFF  }
0xcb: {  	(tm) =	ssettm $0x7FFFFFFF  }
tec
execute0_lowered:
.L_overlay_start_1:
0x0: {  	(tag) =	ssettag $0x1  }
0x1: {  	s0 =	rddreg [dreg:$0x0]  }
0x2: {  	s1 =	rddreg [dreg:$0x2]  }
0x3: {  	s6 =	stileid.u32;
	s2 =	rddreg [dreg:$0x3]  }
0x4: {  	s3 =	srdreg.scid;
	s10 =	rddreg [dreg:$0x4]  }
0x5: {  	s13 =	simm.s32 $0x3;
	s15 =	simm.s32 $0x1;
	s16 =	simm.s32 $0x10080  }
0x6: {  	s17 =	simm.s32 $0x12080;
	s18 =	simm.s32 $0x14080;
	s19 =	simm.s32 $0x2  }
0x7: {  	s20 =	simm.s32 $0x0;
	s4 =	sshll.u32 s6, $0x1;
	s5 =	sand.u32 $0x1, s3  }
0x8: {  	s28 =	sshrl.u32 s6, $0x2;
	s3 =	simm.s32 $0x0;
	s26 =	sand.u32 $0x6, s4  }
0x9: {  	s7 =	sshll.u32 s28, $0x11;
	[smem:$0x7FF] =	sst s3;
	s31 =	sshll.u32 s28, $0xD  }
0xa: {  	s29 =	sor.u32 s5, s26;
	s5 =	ssub.s32 $0x2, s5;
	_ =	strace $0x80000047  }
0xb: {  	v0 =	vlaneseq.u32;
	s8 =	sshll.u32 s29, $0xE;
	s30 =	sshrl.u32 s5, $0x1;
	s6 =	sshll.u32 s29, $0xA  }
0xc: {  	v1 =	vand.u32 $0x7, v0;
	s7 =	sor.u32 s7, s8;
	s11 =	ssub.s32 s5, s30;
	s12 =	sor.u32 s31, s6  }
0xd: {  	v5 =	vmul.u32 $0xFFFFFFFF, v0;
	v1 =	vmul.u32 $0x80, v1;
	s0 =	sadd.s32 s7, s0;
	s8 =	sadd.s32 s1, s12;
	s9 =	sadd.s32 s2, s12  }
0xe: {  	vm0 =	vmmov $0xff;
	v2 =	vor.u32 $0x10, v0;
	v3 =	vor.u32 $0x20, v0;
	s10 =	sadd.s32 s10, s12;
	s11 =	smax.u32 s11, $0x1;
	s4 =	sadd.s32 $0x800, s0  }
0xf: {  	v4 =	vor.u32 $0x30, v0;
	v5 =	vadd.s32 $0xF, v5;
	v6 =	vor.u32 $0x47F, v1;
	s5 =	sadd.s32 $0x1800, s0;
	s6 =	sadd.s32 $0x2800, s0;
	s7 =	sadd.s32 $0x3800, s0  }
.LBB2_1:
0x10: {  	s0 =	rddreg [dreg:$0x1];
	s1 =	simm.s32 $0x10000  }
0x11: {  	[tilespmem:s1], [sflag:$0x3] =	stream.linear.gather [hbm4b:s0+s3], $0x80, $0x38;
	[tilespmem:$0x16080] =	vst v63  }
0x12: {  	_ =	swait.ge [sflag:s13], $0x80  }
0x13: {  	[sflag:s13] =	ssyncset.done $0x0  }
0x14: {  	[sflag:s13] =	ssyncadd.s32 $0xFFFFFF80  }
0x15: {  	v8 =	vld [tilespmem:$0x10000]  }
0x16: {  	v9 =	vld [tilespmem:$0x10010]  }
0x17: {  	v10 =	vld [tilespmem:$0x10020]  }
0x18: {  	v7 =	vld [tilespmem:$0x10030];
	[tilespmem:s3], [sflag:$0x1] =	stream.linear.gather [hbm4b:s4+s3], $0x8000, $0x38  }
0x19: {  	s14 =	simm.s32 $0x8000  }
0x1a: {  	[tilespmem:s14], [sflag:$0x2] =	stream.linear.gather [hbm4b:s5+s3], $0x8000, $0x38;
	[tilespmem:$0x16080] =	vst v63  }
0x1b: {  	_ =	swait.ge [sflag:s15], $0x8000  }
0x1c: {  	[sflag:s15] =	ssyncset.done $0x0  }
0x1d: {  	s21 =	simm.s32 $0xA0;
	[sflag:s15] =	ssyncadd.s32 $0xFFFF8000  }
0x1e: {  	v11 =	vld [tilespmem:s21+$0xFFFFFF90]  }
0x1f: {  	v12 =	vld [tilespmem:s21+$0x70]  }
0x20: {  	v13 =	vld [tilespmem:s21+$0x10]  }
0x21: {  	v14 =	vld [tilespmem:s21+$0x90]  }
0x22: {  	v15 =	vld [tilespmem:s21+$0x80]  }
0x23: {  	v16 =	vld [tilespmem:s21+$0xFFFFFFF0];
	v11 =	vmul.f32 v11, v7  }
0x24: {  	v17 =	vld [tilespmem:s21+$0x60];
	v12 =	vmul.f32 v12, v9  }
0x25: {  	v18 =	vld [tilespmem:s21+$0x0];
	v13 =	vmul.f32 v13, v7;
	(xrf1) =	vsort.dscd.msk.f32 $0xffff, v11, v4  }
0x26: {  	v11 =	vmul.f32 v14, v7;
	(xrf1) =	vsort.dscd.msk.f32 $0xffff, v12, v2  }
0x27: {  	v12 =	vmul.f32 v15, v10;
	(xrf1) =	vsort.dscd.msk.f32 $0xffff, v13, v4  }
0x28: {  	v13 =	vmul.f32 v16, v9;
	(xrf1) =	vsort.dscd.msk.f32 $0xffff, v11, v4  }
0x29: {  	v14 =	vmul.f32 v17, v8;
	v11 =	vld [tilespmem:s21+$0xFFFFFF80];
	(xrf1) =	vsort.dscd.msk.f32 $0xffff, v12, v3  }
0x2a: {  	v12 =	vmul.f32 v18, v10;
	(xrf1) =	vsort.dscd.msk.f32 $0xffff, v13, v2  }
0x2b: {  	v13 =	vld [tilespmem:s21+$0xFFFFFF60];
	(xrf1) =	vsort.dscd.msk.f32 $0xffff, v14, v0  }
0x2c: {  	v15 =	vld [tilespmem:s21+$0xFFFFFF70];
	(xrf1) =	vsort.dscd.msk.f32 $0xffff, v12, v3;
	_ =	sdelay $0x1  }
0x2d: {  	v11 =	vmul.f32 v11, v10;
	_ =	sdelay $0x1  }
0x2e: {  	(xrf1) =	vsort.dscd.msk.f32 $0xffff, v11, v3;
	v11 =	vmul.f32 v13, v8  }
0x2f: {  	v12 =	vmul.f32 v15, v9;
	_ =	sdelay $0x1  }
0x30: {  	(xrf1) =	vsort.dscd.msk.f32 $0xffff, v12, v2;
	v13, v14, _ =	vpop (xrf1)  }
0x31: {  	(xrf1) =	vsort.dscd.msk.f32 $0xffff, v11, v0;
	v11, v15, _ =	vpop (xrf1)  }
0x32: {  	s22 =	simm.s32 $0x220;
	v16, v17, _ =	vpop (xrf1)  }
0x33: {  	v22 =	vld [tilespmem:s22+$0xFFFFFF90];
	v18, v19, _ =	vpop (xrf1)  }
0x34: {  	v12 =	vld [tilespmem:s21+$0xFFFFFFE0];
	v20, v21, _ =	vpop (xrf1)  }
0x35: {  	v23, v24, _ =	vpop (xrf1)  }
0x36: {  	v16 =	vperm.xlane v16, v5;
	v26, v27, _ =	vpop (xrf1)  }
0x37: {  	v25 =	vld [tilespmem:s22+$0x70];
	v17 =	vperm.xlane v17, v5;
	v29, v30, _ =	vpop (xrf1)  }
0x38: {  	v22 =	vmul.f32 v22, v7;
	vm2 =	vge.f32 v29, v16  }
0x39: {  	v28 =	vld [tilespmem:s22+$0x10];
	v12 =	vmul.f32 v12, v8;
	v18 =	vperm.xlane v18, v5;
	v17 =	vsel vm2, v30, v17  }
0x3a: {  	v11 =	vperm.xlane v11, v5;
	v19 =	vperm.xlane v19, v5;
	v16 =	vsel vm2, v29, v16  }
0x3b: {  	v15 =	vperm.xlane v15, v5;
	(xrf1) =	vsort.dscd.msk.f32 $0xffff, v12, v0;
	v12 =	vld [tilespmem:s22+$0x90];
	vm1 =	vge.f32 v20, v18  }
0x3c: {  	v19 =	vsel vm1, v21, v19;
	v21 =	vmul.f32 v25, v9;
	v29 =	vld [tilespmem:s22+$0x80];
	(xrf1) =	vsort.dscd.msk.f32 $0xffff, v16, v17  }
0x3d: {  	v18 =	vsel vm1, v20, v18;
	vm2 =	vge.f32 v26, v11;
	(xrf1) =	vsort.dscd.msk.f32 $0xffff, v22, v4;
	v16, v17, _ =	vpop (xrf1)  }
0x3e: {  	v20 =	vmul.f32 v28, v7;
	v11 =	vsel vm2, v26, v11;
	v26 =	vld [tilespmem:s22+$0xFFFFFFF0];
	(xrf1) =	vsort.dscd.msk.f32 $0xffff, v18, v19;
	v22, v25, _ =	vpop (xrf1)  }
0x3f: {  	v15 =	vsel vm2, v27, v15;
	v18 =	vld [tilespmem:s22+$0x60];
	(xrf1) =	vsort.dscd.msk.f32 $0xffff, v21, v2;
	v19 =	vperm.xlane v22, v5  }
0x40: {  	v12 =	vmul.f32 v12, v7;
	v21 =	vld [tilespmem:s22+$0x0];
	(xrf1) =	vsort.dscd.msk.f32 $0xffff, v11, v15;
	v22, v27, _ =	vpop (xrf1);
	v25 =	vperm.xlane v25, v5  }
0x41: {  	v11 =	vmul.f32 v29, v10;
	(xrf1) =	vsort.dscd.msk.f32 $0xffff, v20, v4;
	vm1 =	vge.f32 v22, v19  }
0x42: {  	(xrf1) =	vsort.dscd.msk.f32 $0xffff, v12, v4;
	v15 =	vsel vm1, v27, v25;
	v19 =	vsel vm1, v22, v19  }
0x43: {  	v12 =	vmul.f32 v26, v9;
	(xrf1) =	vsort.dscd.msk.f32 $0xffff, v19, v15;
	v15 =	vld [tilespmem:s22+$0xFFFFFF80]  }
0x44: {  	v18 =	vmul.f32 v18, v8;
	(xrf1) =	vsort.dscd.msk.f32 $0xffff, v11, v3  }
0x45: {  	v11 =	vmul.f32 v21, v10;
	(xrf1) =	vsort.dscd.msk.f32 $0xffff, v12, v2;
	v12 =	vld [tilespmem:s22+$0xFFFFFF60]  }
0x46: {  	v19 =	vld [tilespmem:s22+$0xFFFFFF70];
	(xrf1) =	vsort.dscd.msk.f32 $0xffff, v18, v0  }
0x47: {  	(xrf1) =	vsort.dscd.msk.f32 $0xffff, v11, v3  }
0x48: {  	v11 =	vmul.f32 v15, v10  }
0x49: {  	v15, v18, _ =	vpop (xrf1)  }
0x4a: {  	v23 =	vperm.xlane v23, v5;
	v20, v21, _ =	vpop (xrf1);
	(xrf1) =	vsort.dscd.msk.f32 $0xffff, v11, v3;
	v11 =	vmul.f32 v12, v8  }
0x4b: {  	v24 =	vperm.xlane v24, v5;
	v19 =	vmul.f32 v19, v9;
	v22, v25, _ =	vpop (xrf1)  }
0x4c: {  	vm1 =	vge.f32 v15, v23;
	v12, v26, _ =	vpop (xrf1)  }
0x4d: {  	v18 =	vsel vm1, v18, v24;
	(xrf1) =	vsort.dscd.msk.f32 $0xffff, v19, v2;
	v27, v28, _ =	vpop (xrf1)  }
0x4e: {  	v15 =	vsel vm1, v15, v23;
	v19 =	vld [tilespmem:s22+$0xFFFFFFE0];
	(xrf1) =	vsort.dscd.msk.f32 $0xffff, v11, v0;
	v11, v29, _ =	vpop (xrf1)  }
0x4f: {  	v13 =	vperm.xlane v13, v5;
	v30, v31, _ =	vpop (xrf1)  }
0x50: {  	s23 =	simm.s32 $0x3A0;
	v14 =	vperm.xlane v14, v5;
	v23, v24, _ =	vpop (xrf1)  }
0x51: {  	v34 =	vld [tilespmem:s23+$0xFFFFFF90];
	vm1 =	vge.f32 v16, v13;
	(xrf1) =	vsort.dscd.msk.f32 $0xffff, v15, v18;
	v15, v18, _ =	vpop (xrf1)  }
0x52: {  	v14 =	vsel vm1, v17, v14;
	v17 =	vperm.xlane v27, v5;
	v32, v33, _ =	vpop (xrf1)  }
0x53: {  	v19 =	vmul.f32 v19, v8;
	v27 =	vperm.xlane v31, v5;
	v31, v35, _ =	vpop (xrf1)  }
0x54: {  	v36 =	vld [tilespmem:s23+$0x70];
	v13 =	vsel vm1, v16, v13;
	v30 =	vperm.xlane v30, v5;
	v16 =	vperm.xlane v24, v5;
	v24, v37, _ =	vpop (xrf1)  }
0x55: {  	v38 =	vld [tilespmem:s23+$0x10];
	v23 =	vperm.xlane v23, v5;
	(xrf1) =	vsort.dscd.msk.f32 $0xffff, v13, v14;
	v13 =	vperm.xlane v20, v5;
	v14, v20, _ =	vpop (xrf1)  }
0x56: {  	v34 =	vmul.f32 v34, v7;
	(xrf1) =	vsort.dscd.msk.f32 $0xffff, v19, v0;
	vm2 =	vge.f32 v14, v30  }
0x57: {  	vm1 =	vge.f32 v32, v23;
	v19 =	vld [tilespmem:s23+$0x90];
	v14 =	vsel vm2, v14, v30;
	v20 =	vsel vm2, v20, v27  }
0x58: {  	v28 =	vperm.xlane v28, v5;
	v16 =	vsel vm1, v33, v16;
	(xrf1) =	vsort.dscd.msk.f32 $0xffff, v14, v20  }
0x59: {  	v27 =	vld [tilespmem:s23+$0x80];
	v30 =	vmul.f32 v36, v9;
	v14 =	vsel vm1, v32, v23;
	(xrf1) =	vsort.dscd.msk.f32 $0xffff, v34, v4  }
0x5a: {  	vm2 =	vge.f32 v24, v17;
	v23 =	vmul.f32 v38, v7;
	v20, v53, _ =	vpop (xrf1);
	(xrf1) =	vsort.dscd.msk.f32 $0xffff, v14, v16  }
0x5b: {  	v17 =	vsel vm2, v24, v17;
	v24 =	vld [tilespmem:s23+$0xFFFFFFF0];
	v28 =	vsel vm2, v37, v28;
	v54, v55, _ =	vpop (xrf1);
	(xrf1) =	vsort.dscd.msk.f32 $0xffff, v30, v2  }
0x5c: {  	v19 =	vmul.f32 v19, v7;
	v16 =	vperm.xlane v54, v5;
	(xrf1) =	vsort.dscd.msk.f32 $0xffff, v17, v28  }
0x5d: {  	v14 =	vld [tilespmem:s23+$0x60];
	v30, v56, _ =	vpop (xrf1);
	v34 =	vperm.xlane v55, v5;
	(xrf1) =	vsort.dscd.msk.f32 $0xffff, v23, v4  }
0x5e: {  	v17 =	vmul.f32 v27, v10;
	v27 =	vld [tilespmem:s23+$0x0];
	vm1 =	vge.f32 v30, v16;
	(xrf1) =	vsort.dscd.msk.f32 $0xffff, v19, v4  }
0x5f: {  	v19 =	vperm.xlane v21, v5;
	v21, v28, _ =	vpop (xrf1);
	v23 =	vsel vm1, v56, v34;
	v16 =	vsel vm1, v30, v16  }
0x60: {  	v24 =	vmul.f32 v24, v9;
	vm1 =	vge.f32 v21, v13;
	(xrf1) =	vsort.dscd.msk.f32 $0xffff, v16, v23  }
0x61: {  	v16 =	vsel vm1, v28, v19;
	(xrf1) =	vsort.dscd.msk.f32 $0xffff, v17, v3  }
0x62: {  	v13 =	vsel vm1, v21, v13;
	v17 =	vld [tilespmem:s23+$0xFFFFFF80];
	(xrf1) =	vsort.dscd.msk.f32 $0xffff, v24, v2  }
0x63: {  	v14 =	vmul.f32 v14, v8;
	v19 =	vmul.f32 v27, v10;
	(xrf1) =	vsort.dscd.msk.f32 $0xffff, v13, v16;
	v13 =	vld [tilespmem:s23+$0xFFFFFF70]  }
0x64: {  	v16, v21, _ =	vpop (xrf1)  }
0x65: {  	(xrf1) =	vsort.dscd.msk.f32 $0xffff, v14, v0;
	v14 =	vperm.xlane v16, v5  }
0x66: {  	v23 =	vld [tilespmem:s23+$0xFFFFFF60];
	v21 =	vperm.xlane v21, v5  }
0x67: {  	v27 =	vld [tilespmem:s23+$0xFFFFFFE0];
	(xrf1) =	vsort.dscd.msk.f32 $0xffff, v19, v3;
	vm1 =	vge.f32 v15, v14;
	v17 =	vmul.f32 v17, v10  }
0x68: {  	v16, v19, _ =	vpop (xrf1);
	v18 =	vsel vm1, v18, v21;
	v14 =	vsel vm1, v15, v14;
	v15 =	vmul.f32 v13, v9  }
0x69: {  	v25 =	vperm.xlane v25, v5;
	v22 =	vperm.xlane v22, v5;
	v28, v30, _ =	vpop (xrf1)  }
0x6a: {  	v31 =	vperm.xlane v31, v5;
	v24 =	vperm.xlane v12, v5;
	v21, v12, _ =	vpop (xrf1)  }
0x6b: {  	v57 =	vperm.xlane v35, v5;
	v23 =	vmul.f32 v23, v8;
	(xrf1) =	vsort.dscd.msk.f32 $0xffff, v14, v18;
	v18, v13, _ =	vpop (xrf1)  }
0x6c: {  	v27 =	vmul.f32 v27, v8;
	vm1 =	vge.f32 v20, v22;
	(xrf1) =	vsort.dscd.msk.f32 $0xffff, v17, v3;
	v17, v58, _ =	vpop (xrf1)  }
0x6d: {  	vm2 =	vge.f32 v16, v31;
	v25 =	vsel vm1, v53, v25;
	(xrf1) =	vsort.dscd.msk.f32 $0xffff, v15, v2;
	v14, v15, _ =	vpop (xrf1)  }
0x6e: {  	v16 =	vsel vm2, v16, v31;
	v19 =	vsel vm2, v19, v57;
	(xrf1) =	vsort.dscd.msk.f32 $0xffff, v23, v0;
	v60, v59, _ =	vpop (xrf1)  }
0x6f: {  	v20 =	vsel vm1, v20, v22;
	(xrf1) =	vsort.dscd.msk.f32 $0xffff, v16, v19;
	v16 =	vperm.xlane v26, v5;
	v23, v31, _ =	vpop (xrf1)  }
0x70: {  	vm1 =	vge.f32 v11, v24;
	(xrf1) =	vsort.dscd.msk.f32 $0xffff, v20, v25;
	v22, v61, _ =	vpop (xrf1)  }
0x71: {  	s24 =	simm.s32 $0x520;
	(xrf1) =	vsort.dscd.msk.f32 $0xffff, v27, v0;
	v27 =	vsel vm1, v29, v16;
	v26, v62, _ =	vpop (xrf1)  }
0x72: {  	v20 =	vld [tilespmem:s24+$0xFFFFFF90];
	v25, v63, _ =	vpop (xrf1)  }
0x73: {  	v11 =	vsel vm1, v11, v24;
	v16 =	vperm.xlane v18, v5;
	v18, v19, _ =	vpop (xrf1)  }
0x74: {  	v24 =	vperm.xlane v60, v5;
	(xrf1) =	vsort.dscd.msk.f32 $0xffff, v11, v27;
	v27, v46, _ =	vpop (xrf1)  }
0x75: {  	v47 =	vld [tilespmem:s24+$0x10];
	v35 =	vperm.xlane v59, v5;
	v39, v40, _ =	vpop (xrf1)  }
0x76: {  	v29 =	vld [tilespmem:s24+$0x90];
	v23 =	vperm.xlane v23, v5;
	v11 =	vperm.xlane v17, v5;
	vm2 =	vge.f32 v39, v24  }
0x77: {  	v17 =	vld [tilespmem:s24+$0x70];
	v20 =	vmul.f32 v20, v7;
	v24 =	vsel vm2, v39, v24;
	v35 =	vsel vm2, v40, v35  }
0x78: {  	v31 =	vperm.xlane v31, v5;
	(xrf1) =	vsort.dscd.msk.f32 $0xffff, v24, v35;
	v24 =	vmul.f32 $1.442695020e+00, v18  }
0x79: {  	v34 =	vperm.xlane v58, v5;
	vm1 =	vge.f32 v26, v23;
	(xrf1) =	vsort.dscd.msk.f32 $0xffff, v20, v4;
	v20 =	vld [tilespmem:s24+$0x80]  }
0x7a: {  	v31 =	vsel vm1, v62, v31;
	v23 =	vsel vm1, v26, v23;
	vm1 =	vge.f32 v27, v11  }
0x7b: {  	v26 =	vmul.f32 v47, v7;
	v49, v48, _ =	vpop (xrf1);
	(xrf1) =	vsort.dscd.msk.f32 $0xffff, v23, v31;
	v31 =	vsel vm1, v46, v34  }
0x7c: {  	v29 =	vmul.f32 v29, v7;
	v17 =	vmul.f32 v17, v9;
	v51, v50, _ =	vpop (xrf1)  }
0x7d: {  	v11 =	vsel vm1, v27, v11;
	v27 =	vld [tilespmem:s24+$0xFFFFFFF0];
	v52 =	vmul.f32 $1.442695020e+00, v49;
	(erf) = vpow2.f32 v24;
	v23, v24, _ =	vpop (xrf1)  }
0x7e: {  	(xrf1) =	vsort.dscd.msk.f32 $0xffff, v17, v2;
	v17 =	vld [tilespmem:s24+$0x0];
	v23 =	vperm.xlane v23, v5;
	v20 =	vmul.f32 v20, v10  }
0x7f: {  	(xrf1) =	vsort.dscd.msk.f32 $0xffff, v11, v31;
	v11 =	vperm.xlane v30, v5;
	v30, v31, _ =	vpop (xrf1);
	v24 =	vperm.xlane v24, v5  }
0x80: {  	(erf) = vpow2.f32 v52;
	(xrf1) =	vsort.dscd.msk.f32 $0xffff, v26, v4;
	v26 =	vperm.xlane v28, v5;
	v28 =	vld [tilespmem:s24+$0x60];
	v33, v34, _ =	vpop (xrf1);
	vm1 =	vge.f32 v30, v23  }
0x81: {  	(xrf1) =	vsort.dscd.msk.f32 $0xffff, v29, v4;
	v53, v41, _ =	vpop (xrf1);
	v24 =	vsel vm1, v31, v24;
	v23 =	vsel vm1, v30, v23;
	v30 =	vld [tilespmem:s24+$0xFFFFFF80]  }
0x82: {  	v27 =	vmul.f32 v27, v9;
	v31, v42, _ =	vpop (xrf1);
	(xrf1) =	vsort.dscd.msk.f32 $0xffff, v23, v24  }
0x83: {  	v17 =	vmul.f32 v17, v10;
	vm1 =	vge.f32 v33, v26;
	(xrf1) =	vsort.dscd.msk.f32 $0xffff, v20, v3;
	v29, v20, _ =	vpop (xrf1)  }
0x84: {  	v23 =	vsel vm1, v33, v26;
	v11 =	vsel vm1, v34, v11;
	v24 =	vmul.f32 $1.442695020e+00, v29  }
0x85: {  	v26 =	vld [tilespmem:s24+$0xFFFFFF70];
	(xrf1) =	vsort.dscd.msk.f32 $0xffff, v27, v2;
	v27 =	vmul.f32 v28, v8;
	v28 =	vperm.xlane v53, v5  }
0x86: {  	(xrf1) =	vsort.dscd.msk.f32 $0xffff, v23, v11;
	(erf) = vpow2.f32 v24;
	v24 =	vmul.f32 v30, v10;
	v30 =	vld [tilespmem:s24+$0xFFFFFF60]  }
0x87: {  	v54 =	vpop (erf);
	v23 =	vperm.xlane v41, v5;
	vm1 =	vge.f32 v22, v28;
	(xrf1) =	vsort.dscd.msk.f32 $0xffff, v27, v0  }
0x88: {  	v57, v56, _ =	vpop (xrf1);
	(xrf1) =	vsort.dscd.msk.f32 $0xffff, v17, v3;
	v17 =	vsel vm1, v22, v28;
	v28 =	vperm.xlane v12, v5  }
0x89: {  	s25 =	simm.s32 $0x0;
	v21 =	vperm.xlane v21, v5;
	v55 =	vpop (erf);
	v27 =	vld [tilespmem:s24+$0xFFFFFFE0];
	v23 =	vsel vm1, v61, v23  }
0x8a: {  	s2 =	sand.u32 $0x400, s3;
	s1 =	sand.u32 $0x7F, s25;
	v41, v43, _ =	vpop (xrf1);
	(xrf1) =	vsort.dscd.msk.f32 $0xffff, v17, v23;
	v17 =	vmul.f32 v26, v9  }
0x8b: {  	s26 =	simm.s32 $0x1;
	s1 =	sor.u32 s1, s2;
	s14 =	simm.s32 $0x8;
	vm1 =	vge.f32 v51, v21;
	v26 =	vperm.xlane v25, v5;
	v44, v22, _ =	vpop (xrf1);
	v30 =	vmul.f32 v30, v8  }
0x8c: {  	s28 =	simm.s32 $0x6A0;
	s0 =	sand.u32 $0xC00, s14;
	v11 =	vor.u32 s1, v1;
	s1 =	sand.u32 $0x7F, s26;
	(xrf1) =	vsort.dscd.msk.f32 $0xffff, v24, v3;
	v58 =	vsel vm1, v50, v28;
	v28, v39, _ =	vpop (xrf1)  }
0x8d: {  	v37 =	vperm.xlane v63, v5;
	v62 =	vld [tilespmem:s28+$0x90];
	s0 =	sor.u32 s1, s0;
	vm2 =	vge.f32 v31, v26;
	(xrf1) =	vsort.dscd.msk.f32 $0xffff, v17, v2;
	v17 =	vnsel vm0, $0x0, v54;
	v23, v24, _ =	vpop (xrf1)  }
0x8e: {  	v25 =	vor.u32 s0, v1;
	v45 =	vmul.f32 v27, v8;
	v26 =	vsel vm2, v31, v26;
	(xrf2) =	vadd.scan.msk.f32 $0xffff, v17;
	v27, v46, _ =	vpop (xrf1)  }
0x8f: {  	v38 =	vsel vm1, v51, v21;
	v37 =	vsel vm2, v42, v37;
	(xrf1) =	vsort.dscd.msk.f32 $0xffff, v30, v0;
	v30, v59, _ =	vpop (xrf1)  }
0x90: {  	v61 =	vld [tilespmem:s28+$0x80];
	v21 =	vperm.xlane v44, v5;
	v44 =	vperm.xlane v27, v5;
	v27 =	vnsel vm0, $0x0, v55;
	v60 =	vpop (erf);
	(xrf1) =	vsort.dscd.msk.f32 $0xffff, v26, v37  }
0x91: {  	s12 =	simm.s32 $0x2;
	s21 =	simm.s32 $0x10;
	v47 =	vperm.xlane v28, v5;
	(xrf2) =	vadd.scan.msk.f32 $0xffff, v27;
	v26, v28, _ =	vpop (xrf1)  }
0x92: {  	s2 =	sand.u32 $0x7F, s12;
	s21 =	sand.u32 $0xC00, s21;
	v35 =	vsel vm0, $0xBF800000, v49;
	v34 =	vmul.f32 v62, v7;
	v53 =	vperm.xlane v13, v5;
	[tilespmem:v11+s16+$0x0] =	vst.idx.msk $0xff, v48;
	v48, v49, _ =	vpop (xrf1)  }
0x93: {  	s2 =	sor.u32 s2, s21;
	v18 =	vsel vm0, $0xBF800000, v18;
	v50 =	vld [tilespmem:s28+$0x10];
	vm1 =	vge.f32 v14, v16;
	[tilespmem:v25+s16+$0x0] =	vst.idx.msk $0xff, v19;
	v63 =	vperm.xlane v59, v5;
	v19, v59, _ =	vpop (xrf1)  }
0x94: {  	v12 =	vor.u32 s2, v1;
	v52 =	vperm.xlane v57, v5;
	v15 =	vsel vm1, v15, v53;
	v53 =	vld [tilespmem:s28+$0x60];
	(xrf1) =	vsort.dscd.msk.f32 $0xffff, v38, v58;
	v36, v38, _ =	vpop (xrf1)  }
0x95: {  	v43 =	vperm.xlane v43, v5;
	v40 =	vmul.f32 v61, v10;
	v32 =	vnsel vm0, $0x0, v60;
	v61, v55, _ =	vpop (xrf1)  }
0x96: {  	s21 =	simm.s32 $0x3;
	s22 =	simm.s32 $0x18;
	v51 =	vld [tilespmem:s28+$0xFFFFFF90];
	v41 =	vperm.xlane v41, v5;
	v14 =	vsel vm1, v14, v16;
	v37 =	vperm.xlane v46, v5;
	(xrf2) =	vadd.scan.msk.f32 $0xffff, v32;
	v57, v58, _ =	vpop (xrf1)  }
0x97: {  	(xrf0) =	vmax.scan.msk.f32 $0xffff, v35;
	s1 =	sand.u32 $0x400, s22;
	s0 =	sand.u32 $0x7F, s21;
	v31 =	vperm.xlane v56, v5;
	v39 =	vperm.xlane v39, v5;
	vm1 =	vge.f32 v57, v44  }
0x98: {  	(xrf0) =	vmax.scan.msk.f32 $0xffff, v18;
	s0 =	sor.u32 s0, s1;
	v30 =	vperm.xlane v30, v5;
	v60 =	vmul.f32 $1.442695020e+00, v36;
	v37 =	vsel vm1, v58, v37  }
0x99: {  	v13 =	vor.u32 s0, v1;
	v54 =	vld [tilespmem:s28+$0x70];
	v35 =	vmul.f32 v50, v7;
	v53 =	vmul.f32 v53, v8;
	(xrf1) =	vsort.dscd.msk.f32 $0xffff, v45, v0;
	v62, _, _ =	vpop (xrf2)  }
0x9a: {  	v56 =	vld [tilespmem:s28+$0x0];
	vm3 =	vge.f32 v48, v30;
	(xrf1) =	vsort.dscd.msk.f32 $0xffff, v14, v15;
	v50, v16, _ =	vpop (xrf1);
	(erf) = vpow2.f32 v60;
	v18 =	vsel vm1, v57, v44  }
0x9b: {  	v46 =	vsel vm3, v49, v63;
	v49 =	vmul.f32 v51, v7;
	v15 =	vld [tilespmem:s28+$0xFFFFFF80];
	v63 =	vmul.f32 $1.442695020e+00, v50;
	(xrf1) =	vsort.dscd.msk.f32 $0xffff, v18, v37;
	v37, _, _ =	vpop (xrf2)  }
0x9c: {  	[tilespmem:v12+s16+$0x0] =	vst.idx.msk $0xff, v20;
	v33 =	vperm.xlane v59, v5;
	v20 =	vsel vm3, v48, v30;
	v37 =	vbroadcast v37, $0xF  }
0x9d: {  	vm2 =	vge.f32 v61, v47;
	v30 =	vbroadcast v62, $0xF;
	v62 =	vld [tilespmem:s28+$0xFFFFFF70];
	v42, v14, _ =	vpop (xrf1);
	(erf) = vpow2.f32 v63  }
0x9e: {  	v51 =	vmul.f32 v54, v9;
	v45 =	vsel vm2, v61, v47;
	v44, v57, _ =	vpop (xrf1);
	(erf) = vrcp.f32 v37  }
0x9f: {  	v29 =	vsel vm0, $0xBF800000, v29;
	v47 =	vmul.f32 v56, v10;
	[tilespmem:v13+s16+$0x0] =	vst.idx.msk $0xff, v16;
	v18 =	vld [tilespmem:s28+$0xFFFFFFF0];
	(xrf1) =	vsort.dscd.msk.f32 $0xffff, v49, v4;
	v49, _, _ =	vpop (xrf0)  }
0xa0: {  	vm1 =	vge.f32 v42, v41;
	v59 =	vmul.f32 v15, v10;
	v15 =	vld [tilespmem:s28+$0xFFFFFFE0];
	(xrf0) =	vmax.scan.msk.f32 $0xffff, v29;
	v44 =	vperm.xlane v44, v5;
	v48, _, _ =	vpop (xrf2)  }
0xa1: {  	(xrf1) =	vsort.dscd.msk.f32 $0xffff, v20, v46;
	v20 =	vsel vm2, v55, v39;
	v55 =	vperm.xlane v57, v5;
	v57 =	vld [tilespmem:s28+$0xFFFFFF60];
	v61, v60, _ =	vpop (xrf1);
	v37 =	vbroadcast v48, $0xF  }
0xa2: {  	v29 =	vsel vm1, v14, v43;
	(xrf1) =	vsort.dscd.msk.f32 $0xffff, v51, v2;
	v51 =	vmul.f32 v62, v9;
	v16, v63, _ =	vpop (xrf1);
	(erf) = vrcp.f32 v30  }
0xa3: {  	s23 =	simm.s32 $0x4;
	s24 =	simm.s32 $0x20;
	v62 =	vperm.xlane v19, v5;
	vm3 =	vge.f32 v61, v44;
	(xrf1) =	vsort.dscd.msk.f32 $0xffff, v45, v20;
	v58 =	vpop (erf);
	(erf) = vrcp.f32 v37  }
0xa4: {  	s1 =	sand.u32 $0xC00, s24;
	s0 =	sand.u32 $0x7F, s23;
	v46, _, _ =	vpop (xrf0);
	v18 =	vmul.f32 v18, v9;
	v39 =	vsel vm3, v60, v55;
	v60 =	vsel vm3, v61, v44  }
0xa5: {  	s0 =	sor.u32 s0, s1;
	vm2 =	vge.f32 v16, v52;
	v30 =	vmul.f32 v15, v8;
	(xrf1) =	vsort.dscd.msk.f32 $0xffff, v35, v4;
	v20, v45, _ =	vpop (xrf1)  }
0xa6: {  	s25 =	simm.s32 $0x5;
	s26 =	simm.s32 $0x28;
	v14 =	vor.u32 s0, v1;
	(xrf1) =	vsort.dscd.msk.f32 $0xffff, v34, v4;
	v52 =	vsel vm2, v16, v52;
	v56 =	vmul.f32 v57, v8;
	v57 =	vpop (erf)  }
0xa7: {  	s1 =	sand.u32 $0xC00, s26;
	s0 =	sand.u32 $0x7F, s25;
	v31 =	vsel vm2, v63, v31;
	v34 =	vsel vm1, v42, v41;
	(xrf1) =	vsort.dscd.msk.f32 $0xffff, v60, v39;
	v16 =	vnsel vm0, $0x0, v58;
	v58 =	vpop (erf)  }
0xa8: {  	s0 =	sor.u32 s0, s1;
	v61, v44, _ =	vpop (xrf1);
	v41 =	vperm.xlane v20, v5;
	(xrf1) =	vsort.dscd.msk.f32 $0xffff, v40, v3;
	v27 =	vmul.f32 v58, v27  }
0xa9: {  	v15 =	vor.u32 s0, v1;
	v54 =	vperm.xlane v45, v5;
	v20, v63, _ =	vpop (xrf1);
	(xrf1) =	vsort.dscd.msk.f32 $0xffff, v18, v2;
	vm2 =	vge.f32 v61, v62  }
0xaa: {  	s29 =	simm.s32 $0x40;
	v43, _, _ =	vpop (xrf0);
	vm1 =	vge.f32 v26, v41;
	v40 =	vsel vm2, v61, v62;
	(xrf1) =	vsort.dscd.msk.f32 $0xffff, v52, v31;
	v61 =	vmul.f32 $1.442695020e+00, v20  }
0xab: {  	s30 =	simm.s32 $0x50;
	s31 =	simm.s32 $0xB;
	s12 =	simm.s32 $0x30;
	[tilespmem:v14+s16+$0x0] =	vst.idx.msk $0xff, v38;
	v28 =	vsel vm1, v28, v54;
	(xrf1) =	vsort.dscd.msk.f32 $0xffff, v53, v0;
	v60 =	vpop (erf)  }
0xac: {  	s14 =	simm.s32 $0x7;
	s22 =	simm.s32 $0x9;
	s2 =	simm.s32 $0x6;
	v26 =	vsel vm1, v26, v41;
	(xrf1) =	vsort.dscd.msk.f32 $0xffff, v47, v3;
	[tilespmem:v11+s17+$0x0] =	vst.idx.msk $0xff, v27;
	v27 =	vpop (erf);
	(erf) = vpow2.f32 v61  }
0xad: {  	s21 =	simm.s32 $0xC;
	s24 =	simm.s32 $0x8;
	s23 =	simm.s32 $0x38;
	v18 =	vsel vm0, $0xBF800000, v36;
	v37, v38, _ =	vpop (xrf1);
	(xrf1) =	vsort.dscd.msk.f32 $0xffff, v26, v28;
	v26 =	vbroadcast v46, $0xF;
	v36 =	vmul.f32 v60, v17  }
0xae: {  	s24 =	sand.u32 $0x7F, s24;
	s1 =	sand.u32 $0x400, s12;
	s0 =	sand.u32 $0x7F, s2;
	[tilespmem:v15+s16+$0x0] =	vst.idx.msk $0xff, v63;
	v42 =	vsel vm2, v44, v33;
	v31, v35, _ =	vpop (xrf1)  }
0xaf: {  	s23 =	sand.u32 $0xC00, s23;
	v19 =	vsel vm0, $0xBF800000, v50;
	s2 =	sand.u32 $0x7F, s14;
	s26 =	sor.u32 s0, s1;
	(xrf1) =	vsort.dscd.msk.f32 $0xffff, v59, v3;
	v62, v28, _ =	vpop (xrf1);
	[tilespmem:v25+s17+$0x0] =	vst.idx.msk $0xff, v36;
	v63 =	vmul.f32 v27, v32  }
0xb0: {  	s25 =	sor.u32 s2, s23;
	s23 =	sand.u32 $0xC00, s29;
	s2 =	simm.s32 $0xA;
	v33 =	vbroadcast v49, $0xF;
	(xrf1) =	vsort.dscd.msk.f32 $0xffff, v51, v2;
	[tilespmem:v25+s18+$0x0] =	vst.idx.msk $0xff, v26;
	v32 =	vbroadcast v43, $0xF;
	v43, v41, _ =	vpop (xrf1)  }
0xb1: {  	s29 =	sor.u32 s24, s23;
	s23 =	simm.s32 $0x48;
	s24 =	simm.s32 $0x9;
	v17 =	vnsel vm0, $0x0, v57;
	v27 =	vperm.xlane v62, v5;
	(xrf1) =	vsort.dscd.msk.f32 $0xffff, v56, v0;
	v26, v25, _ =	vpop (xrf1);
	[tilespmem:v12+s17+$0x0] =	vst.idx.msk $0xff, v63  }
.LBB2_2:
0xb2: {  	s0 =	sand.u32 $0x7F, s22;
	s1 =	sand.u32 $0x7F, s31;
	s22 =	smov.u32 s21  }
0xb3: {  	v36, v44, _ =	vpop (xrf1);
	[tilespmem:v12+s18+$0x0] =	vst.idx.msk $0xff, v32;
	v12 =	vmov v15;
	s31 =	smov.u32 s24;
	s24 =	smov.u32 s21;
	s21 =	sadd.s32 $0x3, s21  }
0xb4: {  	s12 =	sand.u32 $0x400, s23;
	s2 =	sand.u32 $0x7F, s2;
	p0 =	slt.u32 s21, $0xFC;
	v45, v46, _ =	vpop (xrf1);
	(xrf2) =	vadd.scan.msk.f32 $0xffff, v16;
	[tilespmem:v11+s18+$0x0] =	vst.idx.msk $0xff, v33;
	v11 =	vmov v13  }
0xb5: {  	s28 =	sadd.s32 $0x180, s28;
	v39 =	vperm.xlane v38, v5;
	s30 =	sand.u32 $0xC00, s30;
	s14 =	sadd.s32 $0x10, s23;
	(xrf1) =	vsort.dscd.msk.f32 $0xffff, v40, v42;
	v33 =	vpop (erf)  }
0xb6: {  	v43 =	vperm.xlane v43, v5;
	v15 =	vor.u32 s29, v1;
	s0 =	sor.u32 s0, s12;
	s2 =	sor.u32 s2, s30;
	s12 =	sand.u32 $0xC00, s14;
	v42 =	vperm.xlane v36, v5;
	v40 =	vld [tilespmem:s28+$0x80];
	v32, v38, _ =	vpop (xrf1)  }
0xb7: {  	v44 =	vperm.xlane v44, v5;
	v13 =	vor.u32 s26, v1;
	v46 =	vperm.xlane v46, v5;
	s29 =	sor.u32 s1, s12;
	s26 =	smov.u32 s0;
	v47 =	vld [tilespmem:s28+$0x90];
	v48, v49, _ =	vpop (xrf1);
	(xrf2) =	vadd.scan.msk.f32 $0xffff, v17  }
0xb8: {  	v51 =	vperm.xlane v35, v5;
	v41 =	vperm.xlane v41, v5;
	v36 =	vor.u32 s25, v1;
	s25 =	smov.u32 s2;
	v50 =	vld [tilespmem:s28+$0x10];
	v52, v35, _ =	vpop (xrf1);
	(xrf1) =	vsort.dscd.msk.f32 $0xffff, v34, v29  }
0xb9: {  	v22 =	vperm.xlane v22, v5;
	v33 =	vnsel vm0, $0x0, v33;
	v34 =	vperm.xlane v37, v5;
	v29 =	vld [tilespmem:s28+$0xFFFFFF90];
	v37, v53, _ =	vpop (xrf1)  }
0xba: {  	v20 =	vsel vm0, $0xBF800000, v20;
	v45 =	vperm.xlane v45, v5;
	v35 =	vperm.xlane v35, v5;
	v54 =	vld [tilespmem:s28+$0x70];
	v55, v56, _ =	vpop (xrf1);
	(xrf2) =	vadd.scan.msk.f32 $0xffff, v33  }
0xbb: {  	vm1 =	vge.f32 v23, v21;
	v63 =	vmul.f32 $1.442695020e+00, v37;
	v40 =	vmul.f32 v40, v10;
	(xrf1) =	vsort.dscd.msk.f32 $0xffff, v30, v0;
	v30, v57, _ =	vpop (xrf1)  }
0xbc: {  	v22 =	vsel vm1, v24, v22;
	vm2 =	vge.f32 v48, v45;
	v59 =	vld [tilespmem:s28+$0x0];
	v47 =	vmul.f32 v47, v7;
	v24, v60, _ =	vpop (xrf1);
	(xrf0) =	vmax.scan.msk.f32 $0xffff, v19  }
0xbd: {  	v62 =	vsel vm1, v23, v21;
	v46 =	vsel vm2, v49, v46;
	v19 =	vmul.f32 v50, v7;
	v50 =	vld [tilespmem:s28+$0x60];
	v49, v61, _ =	vpop (xrf1)  }
0xbe: {  	vm1 =	vge.f32 v30, v42;
	v23 =	vld [tilespmem:s28+$0xFFFFFF80];
	v29 =	vmul.f32 v29, v7;
	(erf) = vpow2.f32 v63;
	(xrf1) =	vsort.dscd.msk.f32 $0xffff, v62, v22;
	v21, _, _ =	vpop (xrf2)  }
0xbf: {  	v31 =	vperm.xlane v31, v5;
	vm3 =	vge.f32 v55, v43;
	v22 =	vmul.f32 v54, v9;
	v54, v58, _ =	vpop (xrf1);
	(xrf0) =	vmax.scan.msk.f32 $0xffff, v18  }
0xc0: {  	v18 =	vsel vm1, v30, v42;
	v30 =	vsel vm1, v57, v44;
	v42 =	vsel vm3, v55, v43;
	v43, v44, _ =	vpop (xrf1)  }
0xc1: {  	v45 =	vsel vm2, v48, v45;
	v55 =	vld [tilespmem:s28+$0xFFFFFFF0];
	v57 =	vmul.f32 v59, v10;
	(xrf1) =	vsort.dscd.msk.f32 $0xffff, v18, v30;
	v18 =	vbroadcast v21, $0xF;
	v21, _, _ =	vpop (xrf2)  }
0xc2: {  	vm1 =	vge.f32 v49, v31;
	v30 =	vld [tilespmem:s28+$0xFFFFFF70];
	v48 =	vmul.f32 v50, v8;
	v50 =	vmul.f32 $1.442695020e+00, v24;
	[tilespmem:v13+s16+$0x0] =	vst.idx.msk $0xff, v60;
	v59, _, _ =	vpop (xrf0)  }
0xc3: {  	v21 =	vbroadcast v21, $0xF;
	v60 =	vmul.f32 v23, v10;
	v23 =	vld [tilespmem:s28+$0xFFFFFFE0];
	(xrf1) =	vsort.dscd.msk.f32 $0xffff, v29, v4;
	v29 =	vsel vm1, v61, v51;
	v51, v61, _ =	vpop (xrf1)  }
0xc4: {  	v41 =	vsel vm3, v56, v41;
	v54 =	vperm.xlane v54, v5;
	(erf) = vpow2.f32 v50;
	(xrf0) =	vmax.scan.msk.f32 $0xffff, v20;
	v20, _, _ =	vpop (xrf2)  }
0xc5: {  	v50 =	vperm.xlane v58, v5;
	vm2 =	vge.f32 v51, v34;
	(xrf1) =	vsort.dscd.msk.f32 $0xffff, v45, v46;
	(erf) = vrcp.f32 v21;
	v45, _, _ =	vpop (xrf0)  }
0xc6: {  	vm3 =	vge.f32 v43, v54;
	v20 =	vbroadcast v20, $0xF;
	v21 =	vmul.f32 v55, v9;
	(xrf1) =	vsort.dscd.msk.f32 $0xffff, v22, v2;
	v22, v46, _ =	vpop (xrf1)  }
0xc7: {  	v44 =	vsel vm3, v44, v50;
	v55 =	vld [tilespmem:s28+$0xFFFFFF60];
	v56 =	vmul.f32 v30, v9;
	(xrf1) =	vsort.dscd.msk.f32 $0xffff, v42, v41;
	v41 =	vpop (erf);
	(erf) = vrcp.f32 v18  }
0xc8: {  	v18 =	vsel vm3, v43, v54;
	v30 =	vmul.f32 v23, v8;
	(xrf1) =	vsort.dscd.msk.f32 $0xffff, v19, v4;
	v23 =	vnsel vm0, $0x0, v41  }
0xc9: {  	v39 =	vsel vm2, v61, v39;
	v43 =	vsel vm2, v51, v34;
	(xrf1) =	vsort.dscd.msk.f32 $0xffff, v47, v4;
	v41, v42, _ =	vpop (xrf1);
	(erf) = vrcp.f32 v20  }
0xca: {  	v34 =	vsel vm1, v49, v31;
	v31 =	vperm.xlane v22, v5;
	v19 =	vsel vm0, $0xBF800000, v24;
	[tilespmem:v36+s16+$0x0] =	vst.idx.msk $0xff, v53;
	v47, _, _ =	vpop (xrf0)  }
0xcb: {  	v50 =	vperm.xlane v52, v5;
	(xrf1) =	vsort.dscd.msk.f32 $0xffff, v18, v44;
	v44 =	vperm.xlane v46, v5;
	v18 =	vsel vm0, $0xBF800000, v37  }
0xcc: {  	v22 =	vmov v28;
	vm1 =	vge.f32 v32, v31;
	v46 =	vmul.f32 v55, v8;
	(xrf1) =	vsort.dscd.msk.f32 $0xffff, v40, v3;
	v20, v37, _ =	vpop (xrf1)  }
0xcd: {  	vm2 =	vge.f32 v41, v50;
	(xrf1) =	vsort.dscd.msk.f32 $0xffff, v21, v2;
	v28 =	vsel vm1, v38, v44;
	v44 =	vmul.f32 $1.442695020e+00, v20;
	v49 =	vpop (erf)  }
0xce: {  	v40 =	vsel vm2, v41, v50;
	v21 =	vmov v27;
	(xrf1) =	vsort.dscd.msk.f32 $0xffff, v43, v39;
	[tilespmem:v15+s16+$0x0] =	vst.idx.msk $0xff, v37;
	v24 =	vpop (erf)  }
0xcf: {  	v42 =	vsel vm2, v42, v35;
	v27 =	vnsel vm0, $0x0, v49;
	(xrf1) =	vsort.dscd.msk.f32 $0xffff, v48, v0;
	v37, v38, _ =	vpop (xrf1);
	(erf) = vpow2.f32 v44  }
0xd0: {  	v41 =	vsel vm1, v32, v31;
	v43 =	vmul.f32 v24, v17;
	v17 =	vmov v27;
	(xrf1) =	vsort.dscd.msk.f32 $0xffff, v57, v3;
	v39 =	vpop (erf)  }
0xd1: {  	v31, v35, _ =	vpop (xrf1)  }
.Ltmp0:
0xd2: {  	(xrf1) =	vsort.dscd.msk.f32 $0xffff, v41, v28;
	v27 =	vmul.f32 v39, v16;
	v16 =	vmovc v23;
	v23 =	vmov v26;
	v26 =	vbroadcast v45, $0xF;
	(pc) =	sbr.rel @p0 .LBB2_2-.Ltmp0, $4  }
0xd3: {  	v24 =	vmov v25;
	(xrf1) =	vsort.dscd.msk.f32 $0xffff, v60, v3;
	[tilespmem:v11+s17+$0x0] =	vst.idx.msk $0xff, v43;
	v32 =	vpop (erf)  }
0xd4: {  	v25, v28, _ =	vpop (xrf1);
	[tilespmem:v14+s17+$0x0] =	vst.idx.msk $0xff, v27;
	v39 =	vmul.f32 v32, v33;
	v32 =	vbroadcast v47, $0xF  }
0xd5: {  	s23 =	sadd.s32 $0x18, s23;
	v33 =	vbroadcast v59, $0xF;
	(xrf1) =	vsort.dscd.msk.f32 $0xffff, v56, v2;
	v43, v41, _ =	vpop (xrf1);
	v27 =	vperm.xlane v25, v5;
	[tilespmem:v14+s18+$0x0] =	vst.idx.msk $0xff, v26  }
0xd6: {  	s30 =	sadd.s32 $0x8, s23;
	s2 =	sadd.s32 $0x4, s31;
	s31 =	sadd.s32 $0x5, s31;
	v14 =	vmov v36;
	(xrf1) =	vsort.dscd.msk.f32 $0xffff, v46, v0;
	v26, v25, _ =	vpop (xrf1);
	[tilespmem:v12+s17+$0x0] =	vst.idx.msk $0xff, v39  }
0xd7: {  	(xrf2) =	vadd.scan.msk.f32 $0xffff, v16  }
0xd8: {  	v36, v39, _ =	vpop (xrf1);
	(xrf1) =	vsort.dscd.msk.f32 $0xffff, v40, v42  }
0xd9: {  	v22 =	vperm.xlane v22, v5;
	vm1 =	vge.f32 v23, v21;
	v44, v45, _ =	vpop (xrf1);
	(xrf2) =	vadd.scan.msk.f32 $0xffff, v17  }
0xda: {  	v60 =	vpop (erf);
	(xrf1) =	vsort.dscd.msk.f32 $0xffff, v34, v29;
	v23 =	vsel vm1, v23, v21  }
0xdb: {  	v42, v46, _ =	vpop (xrf1);
	(xrf1) =	vsort.dscd.msk.f32 $0xffff, v30, v0;
	v22 =	vsel vm1, v24, v22  }
0xdc: {  	v21 =	vnsel vm0, $0x0, v60;
	v61, v47, _ =	vpop (xrf1);
	(xrf1) =	vsort.dscd.msk.f32 $0xffff, v23, v22  }
0xdd: {  	(xrf2) =	vadd.scan.msk.f32 $0xffff, v21;
	v30, v48, _ =	vpop (xrf1)  }
0xde: {  	v22, v23, _ =	vpop (xrf1)  }
0xdf: {  	v62, v49, _ =	vpop (xrf1)  }
0xe0: {  	v50, v51, _ =	vpop (xrf1)  }
0xe1: {  	v43 =	vperm.xlane v43, v5;
	v41 =	vperm.xlane v41, v5;
	v24, v29, _ =	vpop (xrf1)  }
0xe2: {  	v37 =	vperm.xlane v37, v5;
	v44 =	vperm.xlane v44, v5;
	v52, v53, _ =	vpop (xrf1)  }
0xe3: {  	v36 =	vperm.xlane v36, v5;
	v45 =	vperm.xlane v45, v5;
	v55, _, _ =	vpop (xrf2)  }
0xe4: {  	v39 =	vperm.xlane v39, v5;
	vm1 =	vge.f32 v61, v44;
	v54 =	vmul.f32 $1.442695020e+00, v22;
	v56, v57, _ =	vpop (xrf1)  }
0xe5: {  	v45 =	vsel vm1, v47, v45;
	v44 =	vsel vm1, v61, v44;
	v60, _, _ =	vpop (xrf2);
	v57 =	vperm.xlane v57, v5  }
0xe6: {  	vm3 =	vge.f32 v62, v43;
	vm2 =	vge.f32 v50, v36;
	(erf) = vpow2.f32 v54;
	v47, v63, _ =	vpop (xrf1)  }
0xe7: {  	v40 =	vsel vm3, v62, v43;
	v36 =	vsel vm2, v50, v36;
	v56 =	vperm.xlane v56, v5;
	v50, _, _ =	vpop (xrf2)  }
0xe8: {  	v41 =	vsel vm3, v49, v41;
	v39 =	vsel vm2, v51, v39;
	v61 =	vmul.f32 $1.442695020e+00, v24;
	v51, v58, _ =	vpop (xrf1)  }
0xe9: {  	v55 =	vbroadcast v55, $0xF;
	v62 =	vbroadcast v60, $0xF;
	vm1 =	vge.f32 v47, v56;
	v49, v59, _ =	vpop (xrf1)  }
0xea: {  	(erf) = vpow2.f32 v61;
	v60 =	vperm.xlane v38, v5;
	v43 =	vsel vm1, v63, v57;
	v54, v57, _ =	vpop (xrf1)  }
0xeb: {  	(xrf1) =	vsort.dscd.msk.f32 $0xffff, v36, v39;
	(erf) = vrcp.f32 v62;
	v50 =	vbroadcast v50, $0xF;
	v34, v38, _ =	vpop (xrf1)  }
0xec: {  	(xrf1) =	vsort.dscd.msk.f32 $0xffff, v44, v45;
	(erf) = vrcp.f32 v55;
	v47 =	vsel vm1, v47, v56;
	v63 =	vmul.f32 $1.442695020e+00, v34  }
0xed: {  	(xrf1) =	vsort.dscd.msk.f32 $0xffff, v40, v41;
	vm1 =	vge.f32 v51, v37;
	(erf) = vrcp.f32 v50;
	v50 =	vperm.xlane v49, v5  }
0xee: {  	v37 =	vsel vm1, v51, v37;
	v51 =	vsel vm1, v58, v60;
	(xrf1) =	vsort.dscd.msk.f32 $0xffff, v47, v43;
	(erf) = vpow2.f32 v63  }
0xef: {  	v55 =	vperm.xlane v59, v5;
	(xrf1) =	vsort.dscd.msk.f32 $0xffff, v37, v51  }
0xf0: {  	v56 =	vperm.xlane v30, v5;
	vm1 =	vge.f32 v42, v50  }
0xf1: {  	v59 =	vperm.xlane v48, v5;
	v60 =	vpop (erf);
	v30 =	vsel vm1, v46, v55;
	v58 =	vsel vm1, v42, v50  }
0xf2: {  	v61 =	vperm.xlane v31, v5;
	vm1 =	vge.f32 v54, v56;
	(xrf1) =	vsort.dscd.msk.f32 $0xffff, v58, v30;
	v30 =	vnsel vm0, $0x0, v60  }
0xf3: {  	v35 =	vperm.xlane v35, v5;
	v36 =	vsel vm1, v54, v56;
	v39 =	vsel vm1, v57, v59;
	v31 =	vpop (erf);
	(xrf2) =	vadd.scan.msk.f32 $0xffff, v30  }
0xf4: {  	v28 =	vperm.xlane v28, v5;
	vm1 =	vge.f32 v52, v61;
	(xrf1) =	vsort.dscd.msk.f32 $0xffff, v36, v39;
	v31 =	vnsel vm0, $0x0, v31;
	v42 =	vpop (erf)  }
0xf5: {  	v35 =	vsel vm1, v53, v35;
	v62 =	vsel vm1, v52, v61;
	vm1 =	vge.f32 v26, v27;
	(xrf2) =	vadd.scan.msk.f32 $0xffff, v31;
	v43 =	vpop (erf)  }
0xf6: {  	(xrf1) =	vsort.dscd.msk.f32 $0xffff, v62, v35;
	v25 =	vsel vm1, v25, v28;
	v26 =	vsel vm1, v26, v27;
	v44 =	vpop (erf)  }
0xf7: {  	(xrf1) =	vsort.dscd.msk.f32 $0xffff, v26, v25;
	v27 =	vpop (erf)  }
0xf8: {  	v25 =	vnsel vm0, $0x0, v27  }
0xf9: {  	v27, v28, _ =	vpop (xrf1);
	(xrf2) =	vadd.scan.msk.f32 $0xffff, v25  }
0xfa: {  	v35, v37, _ =	vpop (xrf1)  }
0xfb: {  	v39, v40, _ =	vpop (xrf1)  }
0xfc: {  	v45, v46, _ =	vpop (xrf1)  }
0xfd: {  	v26, v41, _ =	vpop (xrf1)  }
0xfe: {  	v63, _, _ =	vpop (xrf2);
	v48 =	vperm.xlane v28, v5;
	v28 =	vmul.f32 $1.442695020e+00, v26  }
0xff: {  	v56, _, _ =	vpop (xrf2)  }
0x100: {  	v36, v47, _ =	vpop (xrf1);
	(erf) = vpow2.f32 v28;
	v28 =	vbroadcast v56, $0xF  }
0x101: {  	v57 =	vmul.f32 $1.442695020e+00, v36  }
0x102: {  	v59, v58, _ =	vpop (xrf1)  }
0x103: {  	v49 =	vbroadcast v63, $0xF;
	(erf) = vpow2.f32 v57;
	v60, _, _ =	vpop (xrf2)  }
0x104: {  	v27 =	vperm.xlane v27, v5;
	(erf) = vrcp.f32 v28;
	v28, v61, _ =	vpop (xrf1)  }
0x105: {  	v50 =	vbroadcast v60, $0xF;
	v62 =	vperm.xlane v28, v5;
	v28, v54, _ =	vpop (xrf1)  }
0x106: {  	vm1 =	vge.f32 v59, v27;
	(erf) = vrcp.f32 v49;
	v63 =	vmul.f32 $1.442695020e+00, v28  }
0x107: {  	v27 =	vsel vm1, v59, v27;
	v51 =	vperm.xlane v61, v5;
	(erf) = vrcp.f32 v50  }
0x108: {  	v48 =	vsel vm1, v58, v48;
	vm1 =	vge.f32 v45, v62;
	(erf) = vpow2.f32 v63  }
0x109: {  	(xrf1) =	vsort.dscd.msk.f32 $0xffff, v27, v48;
	v46 =	vsel vm1, v46, v51;
	v27 =	vsel vm1, v45, v62  }
0x10a: {  	v35 =	vperm.xlane v35, v5;
	(xrf1) =	vsort.dscd.msk.f32 $0xffff, v27, v46  }
0x10b: {  	v37 =	vperm.xlane v37, v5  }
0x10c: {  	vm1 =	vge.f32 v39, v35;
	v27 =	vpop (erf)  }
0x10d: {  	v40 =	vsel vm1, v40, v37;
	v35 =	vsel vm1, v39, v35;
	v53 =	vpop (erf)  }
0x10e: {  	(xrf1) =	vsort.dscd.msk.f32 $0xffff, v35, v40;
	v27 =	vnsel vm0, $0x0, v27;
	v46 =	vpop (erf)  }
0x10f: {  	(xrf2) =	vadd.scan.msk.f32 $0xffff, v27;
	v37 =	vnsel vm0, $0x0, v53;
	v48 =	vpop (erf)  }
0x110: {  	(xrf2) =	vadd.scan.msk.f32 $0xffff, v37;
	v45 =	vpop (erf)  }
0x111: {  	v55 =	vpop (erf)  }
0x112: {  	v35 =	vnsel vm0, $0x0, v55  }
0x113: {  	(xrf2) =	vadd.scan.msk.f32 $0xffff, v35;
	_ =	sdelay $0x3  }
0x114: {  	v39, v40, _ =	vpop (xrf1)  }
0x115: {  	v50, v51, _ =	vpop (xrf1)  }
0x116: {  	v56 =	vmul.f32 $1.442695020e+00, v39;
	v58, _, _ =	vpop (xrf2)  }
0x117: {  	v57 =	vmul.f32 $1.442695020e+00, v50;
	v59, _, _ =	vpop (xrf2)  }
0x118: {  	(erf) = vpow2.f32 v56;
	v52 =	vbroadcast v59, $0xF  }
0x119: {  	(xrf0) =	vmax.scan.msk.f32 $0xffff, v19;
	(erf) = vpow2.f32 v57  }
0x11a: {  	(xrf0) =	vmax.scan.msk.f32 $0xffff, v18;
	v49 =	vbroadcast v58, $0xF;
	(erf) = vrcp.f32 v52;
	v60, _, _ =	vpop (xrf2)  }
0x11b: {  	v61, v62, _ =	vpop (xrf1);
	v19 =	vbroadcast v60, $0xF  }
0x11c: {  	v18 =	vmul.f32 $1.442695020e+00, v61;
	(erf) = vrcp.f32 v49  }
0x11d: {  	v20 =	vsel vm0, $0xBF800000, v20;
	(erf) = vrcp.f32 v19  }
0x11e: {  	(xrf0) =	vmax.scan.msk.f32 $0xffff, v20;
	(erf) = vpow2.f32 v18  }
0x11f: {  	[tilespmem:v11+s18+$0x0] =	vst.idx.msk $0xff, v33;
	v11, _, _ =	vpop (xrf0);
	v19 =	vor.u32 s25, v1  }
0x120: {  	[tilespmem:v12+s18+$0x0] =	vst.idx.msk $0xff, v32;
	v12, _, _ =	vpop (xrf0);
	v24 =	vsel vm0, $0xBF800000, v24;
	v17 =	vmul.f32 v42, v17;
	v63 =	vor.u32 s26, v1  }
0x121: {  	v16 =	vmul.f32 v43, v16;
	v18 =	vpop (erf)  }
0x122: {  	v20 =	vor.u32 s29, v1;
	(xrf0) =	vmax.scan.msk.f32 $0xffff, v24;
	[tilespmem:v13+s17+$0x0] =	vst.idx.msk $0xff, v17;
	v18 =	vnsel vm0, $0x0, v18;
	v57 =	vpop (erf)  }
0x123: {  	[tilespmem:v14+s17+$0x0] =	vst.idx.msk $0xff, v16;
	(xrf2) =	vadd.scan.msk.f32 $0xffff, v18;
	v24 =	vpop (erf);
	v17 =	vnsel vm0, $0x0, v57  }
0x124: {  	s2 =	sand.u32 $0x7F, s2;
	s12 =	sand.u32 $0xC00, s30;
	v22 =	vsel vm0, $0xBF800000, v22;
	v12 =	vbroadcast v12, $0xF;
	[tilespmem:v19+s16+$0x0] =	vst.idx.msk $0xff, v23;
	v23, _, _ =	vpop (xrf0);
	(xrf2) =	vadd.scan.msk.f32 $0xffff, v17  }
0x125: {  	s0 =	sand.u32 $0x7F, s22;
	s1 =	sand.u32 $0x400, s23;
	s2 =	sor.u32 s2, s12;
	v11 =	vbroadcast v11, $0xF;
	[tilespmem:v63+s16+$0x0] =	vst.idx.msk $0xff, v29;
	v59 =	vsel vm0, $0xBF800000, v34;
	v29 =	vpop (erf);
	(xrf0) =	vmax.scan.msk.f32 $0xffff, v22  }
0x126: {  	s0 =	sor.u32 s0, s1;
	v16 =	vmul.f32 v44, v21;
	[tilespmem:v14+s18+$0x0] =	vst.idx.msk $0xff, v12;
	v12 =	vor.u32 s2, v1;
	(xrf0) =	vmax.scan.msk.f32 $0xffff, v59;
	v21 =	vpop (erf)  }
0x127: {  	[tilespmem:v20+s16+$0x0] =	vst.idx.msk $0xff, v38;
	v58 =	vor.u32 s0, v1;
	v22 =	vpop (erf)  }
0x128: {  	[tilespmem:v13+s18+$0x0] =	vst.idx.msk $0xff, v11;
	v23 =	vbroadcast v23, $0xF;
	v14 =	vnsel vm0, $0x0, v22  }
0x129: {  	[tilespmem:v15+s17+$0x0] =	vst.idx.msk $0xff, v16;
	(xrf2) =	vadd.scan.msk.f32 $0xffff, v14  }
0x12a: {  	v11, _, _ =	vpop (xrf0);
	[tilespmem:v15+s18+$0x0] =	vst.idx.msk $0xff, v23;
	v23 =	vmul.f32 v48, v30  }
0x12b: {  	s14 =	sadd.s32 $0x10, s23;
	[tilespmem:v12+s16+$0x0] =	vst.idx.msk $0xff, v41;
	v15 =	vmul.f32 v46, v31;
	v13, _, _ =	vpop (xrf0)  }
0x12c: {  	s26 =	sand.u32 $0xC00, s14;
	[tilespmem:v58+s16+$0x0] =	vst.idx.msk $0xff, v47;
	s25 =	sand.u32 $0x7F, s31;
	v22, _, _ =	vpop (xrf0)  }
0x12d: {  	s12 =	sor.u32 s25, s26;
	[tilespmem:v63+s17+$0x0] =	vst.idx.msk $0xff, v15;
	v15 =	vmul.f32 v45, v25;
	v13 =	vbroadcast v13, $0xF;
	v25, _, _ =	vpop (xrf2)  }
0x12e: {  	s14 =	sadd.s32 $0x18, s23;
	v16 =	vor.u32 s12, v1;
	[tilespmem:v19+s17+$0x0] =	vst.idx.msk $0xff, v23;
	v23, _, _ =	vpop (xrf2)  }
0x12f: {  	s22 =	sadd.s32 $0x4, s24;
	s23 =	sadd.s32 $0x8, s14;
	v30 =	vsel vm0, $0xBF800000, v36;
	v22 =	vbroadcast v22, $0xF;
	[tilespmem:v19+s18+$0x0] =	vst.idx.msk $0xff, v13;
	v19 =	vbroadcast v23, $0xF  }
0x130: {  	s1 =	sand.u32 $0x7F, s22;
	v26 =	vsel vm0, $0xBF800000, v26;
	s2 =	sand.u32 $0xC00, s23;
	(xrf0) =	vmax.scan.msk.f32 $0xffff, v30;
	[tilespmem:v20+s17+$0x0] =	vst.idx.msk $0xff, v15;
	v23 =	vbroadcast v25, $0xF  }
0x131: {  	s1 =	sor.u32 s1, s2;
	(xrf0) =	vmax.scan.msk.f32 $0xffff, v26;
	[tilespmem:v20+s18+$0x0] =	vst.idx.msk $0xff, v22;
	v22 =	vsel vm0, $0xBF800000, v28;
	(erf) = vrcp.f32 v19  }
0x132: {  	v11 =	vbroadcast v11, $0xF;
	v15 =	vor.u32 s1, v1;
	(xrf0) =	vmax.scan.msk.f32 $0xffff, v22;
	(erf) = vrcp.f32 v23  }
0x133: {  	[tilespmem:v16+s16+$0x0] =	vst.idx.msk $0xff, v54;
	v21 =	vmul.f32 v21, v35;
	v25, _, _ =	vpop (xrf2)  }
0x134: {  	[tilespmem:v63+s18+$0x0] =	vst.idx.msk $0xff, v11;
	v22 =	vbroadcast v25, $0xF  }
0x135: {  	s25 =	sand.u32 $0x7F, s21;
	s26 =	sand.u32 $0x400, s14;
	[tilespmem:v16+s17+$0x0] =	vst.idx.msk $0xff, v21;
	v19 =	vsel vm0, $0xBF800000, v50  }
0x136: {  	s0 =	sadd.s32 $0x10, s14;
	s14 =	sor.u32 s25, s26;
	v11, _, _ =	vpop (xrf0);
	(xrf0) =	vmax.scan.msk.f32 $0xffff, v19;
	v19 =	vsel vm0, $0xBF800000, v39;
	(erf) = vrcp.f32 v22;
	v22 =	vmul.f32 v24, v37  }
0x137: {  	v13 =	vor.u32 s14, v1;
	[tilespmem:v15+s16+$0x0] =	vst.idx.msk $0xff, v40;
	v23, _, _ =	vpop (xrf0);
	(xrf0) =	vmax.scan.msk.f32 $0xffff, v19;
	v24 =	vmul.f32 v29, v27  }
0x138: {  	v19 =	vbroadcast v23, $0xF;
	v23, _, _ =	vpop (xrf0);
	[tilespmem:v58+s17+$0x0] =	vst.idx.msk $0xff, v22  }
0x139: {  	s24 =	sadd.s32 $0x5, s24;
	v11 =	vbroadcast v11, $0xF;
	v23 =	vbroadcast v23, $0xF;
	v22 =	vsel vm0, $0xBF800000, v61;
	[tilespmem:v12+s17+$0x0] =	vst.idx.msk $0xff, v24  }
0x13a: {  	s0 =	sand.u32 $0xC00, s0;
	s12 =	sand.u32 $0x7F, s24;
	[tilespmem:v12+s18+$0x0] =	vst.idx.msk $0xff, v19;
	v12 =	vpop (erf)  }
0x13b: {  	s0 =	sor.u32 s12, s0;
	[tilespmem:v16+s18+$0x0] =	vst.idx.msk $0xff, v23;
	(xrf0) =	vmax.scan.msk.f32 $0xffff, v22;
	v16 =	vpop (erf)  }
0x13c: {  	v20 =	vor.u32 s0, v1;
	[tilespmem:v13+s16+$0x0] =	vst.idx.msk $0xff, v51;
	v12 =	vmul.f32 v12, v17;
	v22, _, _ =	vpop (xrf0)  }
0x13d: {  	[tilespmem:v58+s18+$0x0] =	vst.idx.msk $0xff, v11;
	v16 =	vmul.f32 v16, v18;
	v11, _, _ =	vpop (xrf0)  }
0x13e: {  	[tilespmem:v13+s17+$0x0] =	vst.idx.msk $0xff, v12;
	v11 =	vbroadcast v11, $0xF  }
0x13f: {  	[tilespmem:v15+s17+$0x0] =	vst.idx.msk $0xff, v16  }
0x140: {  	v12 =	vpop (erf);
	[tilespmem:v15+s18+$0x0] =	vst.idx.msk $0xff, v11;
	v11 =	vbroadcast v22, $0xF  }
0x141: {  	[tilespmem:v20+s16+$0x0] =	vst.idx.msk $0xff, v62;
	v17, _, _ =	vpop (xrf0);
	v12 =	vmul.f32 v12, v14  }
0x142: {  	v14 =	vbroadcast v17, $0xF;
	[tilespmem:v13+s18+$0x0] =	vst.idx.msk $0xff, v11  }
0x143: {  	[tilespmem:v20+s17+$0x0] =	vst.idx.msk $0xff, v12  }
0x144: {  	[tilespmem:v20+s18+$0x0] =	vst.idx.msk $0xff, v14  }
0x145: {  	v11 =	vld [tilespmem:$0x7F80]  }
0x146: {  	v12 =	vld [tilespmem:$0x7F90]  }
0x147: {  	v13 =	vld [tilespmem:$0x7FA0]  }
0x148: {  	v14 =	vld [tilespmem:$0x7FB0];
	_ =	sdelay $0x1  }
0x149: {  	v11 =	vmul.f32 v11, v8  }
0x14a: {  	v12 =	vmul.f32 v12, v9  }
0x14b: {  	v13 =	vmul.f32 v13, v10;
	(xrf1) =	vsort.dscd.msk.f32 $0xffff, v11, v0  }
0x14c: {  	v11 =	vmul.f32 v14, v7;
	(xrf1) =	vsort.dscd.msk.f32 $0xffff, v12, v2  }
0x14d: {  	(xrf1) =	vsort.dscd.msk.f32 $0xffff, v13, v3  }
0x14e: {  	(xrf1) =	vsort.dscd.msk.f32 $0xffff, v11, v4;
	_ =	sdelay $0xa  }
0x14f: {  	v11, v12, _ =	vpop (xrf1)  }
0x150: {  	v13, v14, _ =	vpop (xrf1)  }
0x151: {  	v15, v16, _ =	vpop (xrf1)  }
0x152: {  	v13 =	vperm.xlane v13, v5;
	v17, v18, _ =	vpop (xrf1)  }
0x153: {  	v14 =	vperm.xlane v14, v5;
	v17 =	vperm.xlane v17, v5  }
0x154: {  	vm1 =	vge.f32 v11, v13;
	v18 =	vperm.xlane v18, v5  }
0x155: {  	v11 =	vsel vm1, v11, v13;
	v12 =	vsel vm1, v12, v14;
	vm1 =	vge.f32 v15, v17  }
0x156: {  	(xrf1) =	vsort.dscd.msk.f32 $0xffff, v11, v12;
	v13 =	vsel vm1, v15, v17;
	v14 =	vsel vm1, v16, v18  }
0x157: {  	(xrf1) =	vsort.dscd.msk.f32 $0xffff, v13, v14;
	_ =	sdelay $0xc  }
0x158: {  	v11, v12, _ =	vpop (xrf1)  }
0x159: {  	v13, v14, _ =	vpop (xrf1)  }
0x15a: {  	v13 =	vperm.xlane v13, v5  }
0x15b: {  	v14 =	vperm.xlane v14, v5  }
0x15c: {  	vm1 =	vge.f32 v11, v13  }
0x15d: {  	v11 =	vsel vm1, v11, v13;
	v12 =	vsel vm1, v12, v14  }
0x15e: {  	(xrf1) =	vsort.dscd.msk.f32 $0xffff, v11, v12;
	_ =	sdelay $0xd  }
0x15f: {  	v11, v12, _ =	vpop (xrf1)  }
0x160: {  	v13 =	vmul.f32 $1.442695020e+00, v11;
	_ =	sdelay $0x1  }
0x161: {  	(erf) = vpow2.f32 v13;
	_ =	sdelay $0x8  }
0x162: {  	v13 =	vpop (erf)  }
0x163: {  	v13 =	vnsel vm0, $0x0, v13  }
0x164: {  	(xrf2) =	vadd.scan.msk.f32 $0xffff, v13;
	_ =	sdelay $0x9  }
0x165: {  	v14, _, _ =	vpop (xrf2)  }
0x166: {  	v14 =	vbroadcast v14, $0xF;
	_ =	sdelay $0x1  }
0x167: {  	(erf) = vrcp.f32 v14;
	_ =	sdelay $0x2  }
0x168: {  	v11 =	vsel vm0, $0xBF800000, v11  }
0x169: {  	(xrf0) =	vmax.scan.msk.f32 $0xffff, v11;
	_ =	sdelay $0x4  }
0x16a: {  	v11 =	vpop (erf)  }
0x16b: {  	v14, _, _ =	vpop (xrf0);
	v11 =	vmul.f32 v11, v13  }
0x16c: {  	[tilespmem:v6+s16+$0x0] =	vst.idx.msk $0xff, v12;
	v12 =	vbroadcast v14, $0xF  }
0x16d: {  	[tilespmem:v6+s17+$0x0] =	vst.idx.msk $0xff, v11  }
0x16e: {  	s21 =	simm.s32 $0x0;
	[tilespmem:v6+s18+$0x0] =	vst.idx.msk $0xff, v12  }
0x16f: {  	[tilespmem:s21], [sflag:$0x1] =	stream.linear.gather [hbm4b:s6+s21], $0x8000, $0x38;
	[tilespmem:$0x16080] =	vst v63  }
0x170: {  	_ =	swait.ge [sflag:s19], $0x8000  }
0x171: {  	[sflag:s19] =	ssyncset.done $0x0  }
0x172: {  	s14 =	simm.s32 $0x80A0;
	[sflag:s19] =	ssyncadd.s32 $0xFFFF8000  }
0x173: {  	v11 =	vld [tilespmem:s14+$0xFFFFFFE0]  }
0x174: {  	v12 =	vld [tilespmem:s14+$0xFFFFFFF0]  }
0x175: {  	v13 =	vld [tilespmem:s14+$0x70]  }
0x176: {  	v14 =	vld [tilespmem:s14+$0x10]  }
0x177: {  	v15 =	vld [tilespmem:s14+$0x80]  }
0x178: {  	v16 =	vld [tilespmem:s14+$0x60];
	v11 =	vmul.f32 v11, v8  }
0x179: {  	v17 =	vld [tilespmem:s14+$0x90];
	v12 =	vmul.f32 v12, v9  }
0x17a: {  	v18 =	vld [tilespmem:s14+$0x0];
	(xrf1) =	vsort.dscd.msk.f32 $0xffff, v11, v0;
	v11 =	vmul.f32 v13, v9  }
0x17b: {  	(xrf1) =	vsort.dscd.msk.f32 $0xffff, v12, v2;
	v12 =	vmul.f32 v14, v7  }
0x17c: {  	v13 =	vmul.f32 v15, v10;
	(xrf1) =	vsort.dscd.msk.f32 $0xffff, v11, v2  }
0x17d: {  	v11 =	vmul.f32 v16, v8;
	(xrf1) =	vsort.dscd.msk.f32 $0xffff, v12, v4  }
0x17e: {  	v12 =	vmul.f32 v17, v7;
	(xrf1) =	vsort.dscd.msk.f32 $0xffff, v13, v3  }
0x17f: {  	v13 =	vmul.f32 v18, v10;
	(xrf1) =	vsort.dscd.msk.f32 $0xffff, v11, v0  }
0x180: {  	v14 =	vld [tilespmem:s14+$0xFFFFFF70];
	(xrf1) =	vsort.dscd.msk.f32 $0xffff, v12, v4  }
0x181: {  	v11 =	vld [tilespmem:s14+$0xFFFFFF80];
	(xrf1) =	vsort.dscd.msk.f32 $0xffff, v13, v3  }
0x182: {  	s22 =	simm.s32 $0x8220;
	v12 =	vld [tilespmem:s14+$0xFFFFFF90]  }
0x183: {  	v13 =	vld [tilespmem:s22+$0xFFFFFFE0];
	_ =	sdelay $0x1  }
0x184: {  	v15 =	vld [tilespmem:s14+$0xFFFFFF60]  }
0x185: {  	v16 =	vld [tilespmem:s22+$0xFFFFFFF0];
	v11 =	vmul.f32 v11, v10  }
0x186: {  	v12 =	vmul.f32 v12, v7  }
0x187: {  	v21 =	vld [tilespmem:s22+$0x70];
	(xrf1) =	vsort.dscd.msk.f32 $0xffff, v11, v3;
	v11 =	vmul.f32 v13, v8;
	v13 =	vmul.f32 v14, v9;
	v17, v18, _ =	vpop (xrf1)  }
0x188: {  	(xrf1) =	vsort.dscd.msk.f32 $0xffff, v12, v4;
	v14, v19, _ =	vpop (xrf1)  }
0x189: {  	v12 =	vmul.f32 v15, v8;
	(xrf1) =	vsort.dscd.msk.f32 $0xffff, v11, v0;
	v15, v20, _ =	vpop (xrf1)  }
0x18a: {  	v25 =	vld [tilespmem:s22+$0x10];
	v16 =	vmul.f32 v16, v9;
	(xrf1) =	vsort.dscd.msk.f32 $0xffff, v13, v2;
	v11 =	vperm.xlane v14, v5;
	v14, v22, _ =	vpop (xrf1)  }
0x18b: {  	v28 =	vld [tilespmem:s22+$0x60];
	(xrf1) =	vsort.dscd.msk.f32 $0xffff, v12, v0;
	v12 =	vperm.xlane v19, v5;
	v13, v23, _ =	vpop (xrf1)  }
0x18c: {  	v21 =	vmul.f32 v21, v9;
	(xrf1) =	vsort.dscd.msk.f32 $0xffff, v16, v2;
	v16 =	vld [tilespmem:s22+$0x80];
	vm1 =	vge.f32 v17, v11;
	v19, v24, _ =	vpop (xrf1)  }
0x18d: {  	v14 =	vperm.xlane v14, v5;
	v11 =	vsel vm1, v17, v11;
	v12 =	vsel vm1, v18, v12;
	v17, v26, _ =	vpop (xrf1)  }
0x18e: {  	v22 =	vperm.xlane v22, v5;
	(xrf1) =	vsort.dscd.msk.f32 $0xffff, v11, v12;
	v18, v27, _ =	vpop (xrf1)  }
0x18f: {  	v29 =	vld [tilespmem:s22+$0x90];
	(xrf1) =	vsort.dscd.msk.f32 $0xffff, v21, v2;
	vm1 =	vge.f32 v18, v14  }
0x190: {  	v11 =	vld [tilespmem:s22+$0x0];
	v21 =	vmul.f32 v25, v7;
	v12 =	vsel vm1, v27, v22;
	v14 =	vsel vm1, v18, v14  }
0x191: {  	v22 =	vmul.f32 v28, v8;
	(xrf1) =	vsort.dscd.msk.f32 $0xffff, v14, v12;
	v14 =	vmul.f32 v16, v10;
	v16 =	vld [tilespmem:s22+$0xFFFFFF80];
	_ =	sdelay $0x1  }
0x192: {  	v15 =	vperm.xlane v15, v5;
	v20 =	vperm.xlane v20, v5;
	v18 =	vld [tilespmem:s22+$0xFFFFFF90];
	(xrf1) =	vsort.dscd.msk.f32 $0xffff, v21, v4  }
0x193: {  	v17 =	vperm.xlane v17, v5;
	v21 =	vmul.f32 v29, v7;
	(xrf1) =	vsort.dscd.msk.f32 $0xffff, v14, v3  }
0x194: {  	vm1 =	vge.f32 v19, v15;
	v11 =	vmul.f32 v11, v10;
	v14, v25, _ =	vpop (xrf1);
	(xrf1) =	vsort.dscd.msk.f32 $0xffff, v22, v0  }
0x195: {  	v15 =	vsel vm1, v19, v15;
	v19, v22, _ =	vpop (xrf1);
	(xrf1) =	vsort.dscd.msk.f32 $0xffff, v21, v4;
	v16 =	vmul.f32 v16, v10  }
0x196: {  	v27, v28, _ =	vpop (xrf1);
	(xrf1) =	vsort.dscd.msk.f32 $0xffff, v11, v3;
	v11 =	vsel vm1, v24, v20;
	v20 =	vperm.xlane v26, v5  }
0x197: {  	v18 =	vmul.f32 v18, v7;
	v19 =	vperm.xlane v19, v5;
	vm1 =	vge.f32 v13, v17;
	v24, v26, _ =	vpop (xrf1)  }
0x198: {  	v21 =	vld [tilespmem:s22+$0xFFFFFF70];
	v13 =	vsel vm1, v13, v17;
	(xrf1) =	vsort.dscd.msk.f32 $0xffff, v16, v3;
	v29, v30, _ =	vpop (xrf1);
	v20 =	vsel vm1, v23, v20  }
0x199: {  	s23 =	simm.s32 $0x83A0;
	v22 =	vperm.xlane v22, v5;
	v16, v17, _ =	vpop (xrf1);
	(xrf1) =	vsort.dscd.msk.f32 $0xffff, v13, v20  }
0x19a: {  	vm1 =	vge.f32 v14, v19;
	v13 =	vperm.xlane v16, v5;
	(xrf1) =	vsort.dscd.msk.f32 $0xffff, v18, v4;
	v18 =	vld [tilespmem:s23+$0xFFFFFFE0]  }
0x19b: {  	v12 =	vld [tilespmem:s22+$0xFFFFFF60];
	v23 =	vperm.xlane v26, v5;
	v14 =	vsel vm1, v14, v19;
	v19 =	vsel vm1, v25, v22  }
0x19c: {  	v22 =	vperm.xlane v24, v5;
	v24 =	vld [tilespmem:s23+$0xFFFFFFF0];
	v17 =	vperm.xlane v17, v5;
	(xrf1) =	vsort.dscd.msk.f32 $0xffff, v15, v11  }
0x19d: {  	v16 =	vmul.f32 v21, v9;
	v20, v21, _ =	vpop (xrf1);
	vm1 =	vge.f32 v27, v13;
	(xrf1) =	vsort.dscd.msk.f32 $0xffff, v14, v19  }
0x19e: {  	v11 =	vsel vm1, v27, v13;
	v17 =	vsel vm1, v28, v17;
	vm1 =	vge.f32 v29, v22;
	v13, v15, _ =	vpop (xrf1)  }
0x19f: {  	v22 =	vsel vm1, v29, v22;
	v23 =	vsel vm1, v30, v23;
	v14, v19, _ =	vpop (xrf1);
	v18 =	vmul.f32 v18, v8  }
0x1a0: {  	v12 =	vmul.f32 v12, v8;
	v27 =	vld [tilespmem:s23+$0x70];
	(xrf1) =	vsort.dscd.msk.f32 $0xffff, v22, v23;
	v14 =	vperm.xlane v14, v5  }
0x1a1: {  	v24 =	vmul.f32 v24, v9;
	v13 =	vperm.xlane v13, v5;
	v25, v26, _ =	vpop (xrf1);
	(xrf1) =	vsort.dscd.msk.f32 $0xffff, v18, v0;
	v18 =	vld [tilespmem:s23+$0x10]  }
0x1a2: {  	v19 =	vperm.xlane v19, v5;
	v28, v29, _ =	vpop (xrf1);
	v26 =	vperm.xlane v26, v5;
	vm1 =	vge.f32 v20, v14  }
0x1a3: {  	v25 =	vperm.xlane v25, v5;
	(xrf1) =	vsort.dscd.msk.f32 $0xffff, v16, v2;
	v16 =	vld [tilespmem:s23+$0x80];
	v14 =	vsel vm1, v20, v14;
	v20, v22, _ =	vpop (xrf1)  }
0x1a4: {  	v15 =	vperm.xlane v15, v5;
	v19 =	vsel vm1, v21, v19;
	(xrf1) =	vsort.dscd.msk.f32 $0xffff, v12, v0;
	v12 =	vld [tilespmem:s23+$0x60];
	v23, v30, _ =	vpop (xrf1)  }
0x1a5: {  	(xrf1) =	vsort.dscd.msk.f32 $0xffff, v24, v2;
	v24 =	vmul.f32 v27, v9;
	vm2 =	vge.f32 v20, v13;
	v27 =	vld [tilespmem:s23+$0x90];
	v31, v60, _ =	vpop (xrf1)  }
0x1a6: {  	v61 =	vld [tilespmem:s23+$0x0];
	(xrf1) =	vsort.dscd.msk.f32 $0xffff, v11, v17;
	vm1 =	vge.f32 v31, v25;
	v18 =	vmul.f32 v18, v7  }
0x1a7: {  	(xrf1) =	vsort.dscd.msk.f32 $0xffff, v24, v2;
	v11 =	vsel vm1, v60, v26;
	v17, v26, _ =	vpop (xrf1);
	v24 =	vsel vm1, v31, v25  }
0x1a8: {  	v13 =	vsel vm2, v20, v13;
	v31 =	vld [tilespmem:s23+$0xFFFFFF80];
	v16 =	vmul.f32 v16, v10;
	v20, v25, _ =	vpop (xrf1);
	(xrf1) =	vsort.dscd.msk.f32 $0xffff, v24, v11  }
0x1a9: {  	v11 =	vsel vm2, v22, v15;
	v12 =	vmul.f32 v12, v8;
	v15, v22, _ =	vpop (xrf1);
	(xrf1) =	vsort.dscd.msk.f32 $0xffff, v18, v4  }
0x1aa: {  	v21 =	vld [tilespmem:s23+$0xFFFFFF90];
	v18 =	vmul.f32 v27, v7;
	v15 =	vperm.xlane v15, v5;
	(xrf1) =	vsort.dscd.msk.f32 $0xffff, v14, v19  }
0x1ab: {  	v19 =	vmul.f32 v61, v10;
	(xrf1) =	vsort.dscd.msk.f32 $0xffff, v16, v3;
	v16 =	vperm.xlane v23, v5  }
0x1ac: {  	v14 =	vperm.xlane v22, v5;
	v23 =	vperm.xlane v30, v5;
	(xrf1) =	vsort.dscd.msk.f32 $0xffff, v12, v0  }
0x1ad: {  	v12, v22, _ =	vpop (xrf1);
	v24 =	vmul.f32 v31, v10;
	(xrf1) =	vsort.dscd.msk.f32 $0xffff, v18, v4;
	vm1 =	vge.f32 v28, v16  }
0x1ae: {  	v18 =	vperm.xlane v20, v5;
	v20, v27, _ =	vpop (xrf1);
	(xrf1) =	vsort.dscd.msk.f32 $0xffff, v19, v3;
	v23 =	vsel vm1, v29, v23  }
0x1af: {  	v21 =	vmul.f32 v21, v7;
	v19, v30, _ =	vpop (xrf1);
	v16 =	vsel vm1, v28, v16;
	(xrf1) =	vsort.dscd.msk.f32 $0xffff, v24, v3  }
0x1b0: {  	vm2 =	vge.f32 v17, v15;
	v24 =	vld [tilespmem:s23+$0xFFFFFF60];
	v28, v29, _ =	vpop (xrf1);
	(xrf1) =	vsort.dscd.msk.f32 $0xffff, v16, v23  }
0x1b1: {  	v15 =	vsel vm2, v17, v15;
	(xrf1) =	vsort.dscd.msk.f32 $0xffff, v21, v4;
	v21 =	vperm.xlane v25, v5  }
0x1b2: {  	v14 =	vsel vm2, v26, v14;
	v20 =	vperm.xlane v20, v5;
	vm1 =	vge.f32 v12, v18;
	v16, v23, _ =	vpop (xrf1)  }
0x1b3: {  	v17, v25, _ =	vpop (xrf1);
	(xrf1) =	vsort.dscd.msk.f32 $0xffff, v13, v11;
	v11 =	vsel vm1, v12, v18;
	v16 =	vperm.xlane v16, v5  }
0x1b4: {  	s24 =	simm.s32 $0x8520;
	v26 =	vld [tilespmem:s23+$0xFFFFFF70];
	(xrf1) =	vsort.dscd.msk.f32 $0xffff, v15, v14;
	v14 =	vsel vm1, v22, v21;
	v15 =	vperm.xlane v27, v5  }
0x1b5: {  	v12, v13, _ =	vpop (xrf1);
	v24 =	vmul.f32 v24, v8;
	vm1 =	vge.f32 v19, v20;
	(xrf1) =	vsort.dscd.msk.f32 $0xffff, v11, v14;
	v11 =	vld [tilespmem:s24+$0xFFFFFFE0]  }
0x1b6: {  	v19 =	vsel vm1, v19, v20;
	v20 =	vperm.xlane v23, v5;
	v12 =	vperm.xlane v12, v5;
	v18, v21, _ =	vpop (xrf1)  }
0x1b7: {  	v13 =	vperm.xlane v13, v5;
	v15 =	vsel vm1, v30, v15;
	vm1 =	vge.f32 v17, v16;
	v14, v22, _ =	vpop (xrf1)  }
0x1b8: {  	(xrf1) =	vsort.dscd.msk.f32 $0xffff, v19, v15;
	v16 =	vsel vm1, v17, v16;
	v17 =	vsel vm1, v25, v20;
	v27, v31, _ =	vpop (xrf1)  }
0x1b9: {  	v15 =	vld [tilespmem:s24+$0xFFFFFFF0];
	vm1 =	vge.f32 v28, v12;
	(xrf1) =	vsort.dscd.msk.f32 $0xffff, v16, v17;
	v16 =	vmul.f32 v26, v9;
	v23, v30, _ =	vpop (xrf1)  }
0x1ba: {  	v53 =	vld [tilespmem:s24+$0xFFFFFF60];
	v12 =	vsel vm1, v28, v12;
	v22 =	vperm.xlane v22, v5;
	v19, v62, _ =	vpop (xrf1);
	v11 =	vmul.f32 v11, v8  }
0x1bb: {  	v28 =	vld [tilespmem:s24+$0x70];
	v13 =	vsel vm1, v29, v13;
	v17 =	vperm.xlane v27, v5;
	v29 =	vperm.xlane v31, v5;
	v20, v25, _ =	vpop (xrf1)  }
0x1bc: {  	v31 =	vld [tilespmem:s24+$0xFFFFFF90];
	v23 =	vperm.xlane v23, v5;
	v48 =	vmul.f32 $1.442695020e+00, v19;
	v26, v27, _ =	vpop (xrf1);
	(xrf1) =	vsort.dscd.msk.f32 $0xffff, v11, v0  }
0x1bd: {  	vm1 =	vge.f32 v18, v17;
	v19 =	vsel vm0, $0xBF800000, v19;
	v11 =	vperm.xlane v14, v5;
	v63, v34, _ =	vpop (xrf1);
	(xrf1) =	vsort.dscd.msk.f32 $0xffff, v16, v2;
	v16 =	vld [tilespmem:s24+$0x10]  }
0x1be: {  	v15 =	vmul.f32 v15, v9;
	v18 =	vsel vm1, v18, v17;
	v17 =	vperm.xlane v30, v5;
	(xrf0) =	vmax.scan.msk.f32 $0xffff, v19;
	v19 =	vld [tilespmem:s24+$0x90];
	v14, v49, _ =	vpop (xrf1)  }
0x1bf: {  	v21 =	vsel vm1, v21, v29;
	(erf) = vpow2.f32 v48;
	(xrf1) =	vsort.dscd.msk.f32 $0xffff, v24, v0;
	v24 =	vld [tilespmem:s24+$0x80];
	vm1 =	vge.f32 v26, v11;
	v54, v55, _ =	vpop (xrf1)  }
0x1c0: {  	v34 =	vperm.xlane v34, v5;
	(xrf1) =	vsort.dscd.msk.f32 $0xffff, v15, v2;
	v15 =	vld [tilespmem:s24+$0xFFFFFF70];
	vm2 =	vge.f32 v14, v23;
	v50, v56, _ =	vpop (xrf1)  }
0x1c1: {  	s25 =	simm.s32 $0x808;
	s26 =	simm.s32 $0x101;
	v26 =	vsel vm1, v26, v11;
	v30, v51, _ =	vpop (xrf1);
	(xrf1) =	vsort.dscd.msk.f32 $0xffff, v12, v13;
	v12 =	vmul.f32 v28, v9;
	v28 =	vld [tilespmem:s24+$0x60]  }
0x1c2: {  	s2 =	sand.u32 $0x7F, s26;
	s0 =	sand.u32 $0x1C00, s25;
	v36 =	vsel vm2, v49, v17;
	v13 =	vmul.f32 v53, v8;
	v29, v52, _ =	vpop (xrf1);
	v16 =	vmul.f32 v16, v7  }
0x1c3: {  	s0 =	sor.u32 s2, s0;
	v57, v58, _ =	vpop (xrf1);
	(xrf1) =	vsort.dscd.msk.f32 $0xffff, v12, v2;
	v12 =	vsel vm2, v14, v23;
	v23 =	vmul.f32 v31, v7;
	v31 =	vld [tilespmem:s24+$0x0]  }
0x1c4: {  	s12 =	simm.s32 $0x102;
	s14 =	simm.s32 $0x810;
	v17 =	vor.u32 s0, v1;
	v30 =	vperm.xlane v30, v5;
	v11 =	vmul.f32 v24, v10;
	v14, v59, _ =	vpop (xrf1);
	(xrf1) =	vsort.dscd.msk.f32 $0xffff, v12, v36;
	v12 =	vld [tilespmem:s24+$0xFFFFFF80]  }
0x1c5: {  	s1 =	sand.u32 $0x1C00, s14;
	s0 =	sand.u32 $0x7F, s12;
	v24 =	vsel vm1, v27, v22;
	v15 =	vmul.f32 v15, v9;
	v60 =	vmul.f32 $1.442695020e+00, v14;
	(xrf1) =	vsort.dscd.msk.f32 $0xffff, v16, v4  }
0x1c6: {  	s0 =	sor.u32 s0, s1;
	v16 =	vmul.f32 v28, v8;
	(xrf1) =	vsort.dscd.msk.f32 $0xffff, v18, v21;
	v18 =	vmul.f32 v19, v7  }
0x1c7: {  	v22 =	vor.u32 s0, v1;
	v27, v28, _ =	vpop (xrf1);
	v19 =	vperm.xlane v63, v5;
	(erf) = vpow2.f32 v60;
	(xrf1) =	vsort.dscd.msk.f32 $0xffff, v11, v3  }
0x1c8: {  	v21 =	vpop (erf);
	v11 =	vmul.f32 $1.442695020e+00, v27;
	v31 =	vmul.f32 v31, v10;
	(xrf1) =	vsort.dscd.msk.f32 $0xffff, v16, v0  }
0x1c9: {  	[tilespmem:v17+s16+$0x0] =	vst.idx.msk $0xff, v62;
	v62, v61, _ =	vpop (xrf1);
	v12 =	vmul.f32 v12, v10;
	(xrf1) =	vsort.dscd.msk.f32 $0xffff, v18, v4  }
0x1ca: {  	vm2 =	vge.f32 v54, v30;
	vm1 =	vge.f32 v20, v19;
	(erf) = vpow2.f32 v11;
	v16, _, _ =	vpop (xrf0);
	(xrf1) =	vsort.dscd.msk.f32 $0xffff, v31, v3  }
0x1cb: {  	s22 =	sand.u32 $0x400, s21;
	s23 =	sand.u32 $0x7F, s21;
	v18 =	vperm.xlane v50, v5;
	v48, v63, _ =	vpop (xrf1);
	(xrf1) =	vsort.dscd.msk.f32 $0xffff, v12, v3;
	v12 =	vsel vm1, v25, v34  }
0x1cc: {  	s0 =	sor.u32 s22, s23;
	[tilespmem:v22+s16+$0x0] =	vst.idx.msk $0xff, v59;
	v11 =	vsel vm1, v20, v19;
	v19 =	vperm.xlane v51, v5;
	v31, v49, _ =	vpop (xrf1)  }
0x1cd: {  	s0 =	sor.u32 $0x800, s0;
	v20 =	vnsel vm0, $0x0, v21;
	v25 =	vperm.xlane v57, v5;
	vm1 =	vge.f32 v29, v18;
	(xrf1) =	vsort.dscd.msk.f32 $0xffff, v11, v12;
	v50, v51, _ =	vpop (xrf1)  }
0x1ce: {  	v19 =	vsel vm2, v55, v19;
	v18 =	vsel vm1, v29, v18;
	v11 =	vor.u32 s0, v1;
	(xrf1) =	vsort.dscd.msk.f32 $0xffff, v23, v4;
	v12, v53, _ =	vpop (xrf1)  }
0x1cf: {  	(xrf2) =	vadd.scan.msk.f32 $0xffff, v20;
	s0 =	simm.s32 $0x86A0;
	v23 =	vsel vm2, v54, v30;
	v54 =	vperm.xlane v58, v5;
	vm2 =	vge.f32 v62, v25;
	v29, v30, _ =	vpop (xrf1)  }
0x1d0: {  	v58 =	vld [tilespmem:s0+$0xFFFFFFE0];
	(xrf1) =	vsort.dscd.msk.f32 $0xffff, v26, v24;
	v26 =	vperm.xlane v56, v5;
	v12 =	vperm.xlane v12, v5;
	v24 =	vpop (erf)  }
0x1d1: {  	v27 =	vsel vm0, $0xBF800000, v27;
	v25 =	vsel vm2, v62, v25;
	v21 =	vsel vm2, v61, v54;
	(xrf1) =	vsort.dscd.msk.f32 $0xffff, v23, v19;
	v55, v56, _ =	vpop (xrf1)  }
0x1d2: {  	(xrf0) =	vmax.scan.msk.f32 $0xffff, v27;
	v62 =	vld [tilespmem:s0+$0xFFFFFFF0];
	v23 =	vperm.xlane v53, v5;
	v26 =	vsel vm1, v52, v26;
	vm2 =	vge.f32 v48, v12;
	v19, v57, _ =	vpop (xrf1)  }
0x1d3: {  	v59 =	vperm.xlane v49, v5;
	v61 =	vld [tilespmem:s0+$0xFFFFFF90];
	(xrf1) =	vsort.dscd.msk.f32 $0xffff, v18, v26;
	v35 =	vsel vm2, v48, v12;
	v18 =	vpop (erf)  }
0x1d4: {  	v12 =	vperm.xlane v31, v5;
	v31 =	vsel vm2, v63, v23;
	(xrf1) =	vsort.dscd.msk.f32 $0xffff, v25, v21;
	v25 =	vnsel vm0, $0x0, v24;
	v33, v37, _ =	vpop (xrf1)  }
0x1d5: {  	[tilespmem:v11+s16+$0x0] =	vst.idx.msk $0xff, v28;
	v24 =	vperm.xlane v55, v5;
	v36 =	vmul.f32 v58, v8;
	v23 =	vnsel vm0, $0x0, v18;
	v21, v60, _ =	vpop (xrf1)  }
0x1d6: {  	v19 =	vperm.xlane v19, v5;
	v18 =	vperm.xlane v57, v5;
	vm1 =	vge.f32 v50, v12;
	(xrf2) =	vadd.scan.msk.f32 $0xffff, v23;
	v28, v26, _ =	vpop (xrf1)  }
0x1d7: {  	v54 =	vld [tilespmem:s0+$0xFFFFFF60];
	v44 =	vmul.f32 v62, v9;
	v12 =	vsel vm1, v50, v12;
	v53 =	vsel vm1, v51, v59;
	(xrf2) =	vadd.scan.msk.f32 $0xffff, v25;
	v52, v63, _ =	vpop (xrf1)  }
0x1d8: {  	v57 =	vld [tilespmem:s0+$0x80];
	v43 =	vmul.f32 v61, v7;
	v33 =	vperm.xlane v33, v5;
	(xrf1) =	vsort.dscd.msk.f32 $0xffff, v12, v53;
	v40, v41, _ =	vpop (xrf1)  }
0x1d9: {  	v62 =	vld [tilespmem:s0+$0x60];
	v37 =	vperm.xlane v37, v5;
	vm1 =	vge.f32 v29, v19;
	(xrf1) =	vsort.dscd.msk.f32 $0xffff, v36, v0;
	v34, v39, _ =	vpop (xrf1)  }
0x1da: {  	s25 =	simm.s32 $0x104;
	s24 =	simm.s32 $0x820;
	v14 =	vsel vm0, $0xBF800000, v14;
	v29 =	vsel vm1, v29, v19;
	v19 =	vperm.xlane v56, v5;
	(xrf1) =	vsort.dscd.msk.f32 $0xffff, v15, v2;
	v15, _, _ =	vpop (xrf2)  }
0x1db: {  	s2 =	sand.u32 $0x7F, s25;
	s1 =	sand.u32 $0x1C00, s24;
	v55 =	vmul.f32 $1.442695020e+00, v21;
	v59 =	vld [tilespmem:s0+$0x70];
	v30 =	vsel vm1, v30, v18;
	vm2 =	vge.f32 v52, v24;
	v48, v49, _ =	vpop (xrf1)  }
0x1dc: {  	s1 =	sor.u32 s2, s1;
	v21 =	vsel vm0, $0xBF800000, v21;
	v18 =	vmul.f32 v54, v8;
	v27 =	vsel vm2, v52, v24;
	(xrf1) =	vsort.dscd.msk.f32 $0xffff, v13, v0;
	v24, v50, _ =	vpop (xrf1)  }
0x1dd: {  	s26 =	simm.s32 $0x3;
	s21 =	simm.s32 $0x105;
	s22 =	simm.s32 $0x828;
	v12 =	vor.u32 s1, v1;
	(erf) = vpow2.f32 v55;
	v15 =	vbroadcast v15, $0xF;
	(xrf1) =	vsort.dscd.msk.f32 $0xffff, v44, v2;
	v44, _, _ =	vpop (xrf0)  }
0x1de: {  	s23 =	simm.s32 $0x18;
	s12 =	sand.u32 $0x1C00, s22;
	s2 =	sand.u32 $0x7F, s21;
	(xrf0) =	vmax.scan.msk.f32 $0xffff, v14;
	v56 =	vld [tilespmem:s0+$0xFFFFFF70];
	v32 =	vsel vm2, v63, v19;
	v51 =	vmul.f32 v57, v10;
	v45 =	vmul.f32 v62, v8;
	v19, v58, _ =	vpop (xrf1)  }
0x1df: {  	s24 =	sand.u32 $0x400, s23;
	s2 =	sor.u32 s2, s12;
	s1 =	sand.u32 $0x7F, s26;
	v63 =	vld [tilespmem:s0+$0x10];
	v40 =	vperm.xlane v40, v5;
	(erf) = vrcp.f32 v15;
	v46, v52, _ =	vpop (xrf1)  }
0x1e0: {  	s1 =	sor.u32 s24, s1;
	v13 =	vor.u32 s2, v1;
	vm2 =	vge.f32 v34, v33;
	v14 =	vmul.f32 v59, v9;
	(xrf1) =	vsort.dscd.msk.f32 $0xffff, v35, v31;
	v31, v35, _ =	vpop (xrf1)  }
0x1e1: {  	s1 =	sor.u32 $0x800, s1;
	v37 =	vsel vm2, v39, v37;
	(xrf0) =	vmax.scan.msk.f32 $0xffff, v21;
	v33 =	vsel vm2, v34, v33;
	vm3 =	vge.f32 v28, v40;
	v61, _, _ =	vpop (xrf2)  }
0x1e2: {  	[tilespmem:v12+s16+$0x0] =	vst.idx.msk $0xff, v60;
	v24 =	vperm.xlane v24, v5;
	v15 =	vor.u32 s1, v1;
	v42 =	vperm.xlane v19, v5;
	v39, v21, _ =	vpop (xrf1)  }
0x1e3: {  	v60 =	vld [tilespmem:s0+$0x90];
	v28 =	vsel vm3, v28, v40;
	v19 =	vmul.f32 v56, v9;
	(xrf1) =	vsort.dscd.msk.f32 $0xffff, v14, v2;
	v14 =	vbroadcast v61, $0xF;
	v62, _, _ =	vpop (xrf2)  }
0x1e4: {  	v36 =	vperm.xlane v58, v5;
	vm1 =	vge.f32 v46, v24;
	v47 =	vmul.f32 v63, v7;
	v61, _, _ =	vpop (xrf0)  }
0x1e5: {  	v38 =	vld [tilespmem:s0+$0x0];
	(xrf1) =	vsort.dscd.msk.f32 $0xffff, v33, v37;
	v55 =	vperm.xlane v31, v5;
	v24 =	vsel vm1, v46, v24;
	v31, v56, _ =	vpop (xrf1);
	v63 =	vbroadcast v62, $0xF  }
0x1e6: {  	v57 =	vld [tilespmem:s0+$0xFFFFFF80];
	vm2 =	vge.f32 v48, v42;
	v37 =	vpop (erf);
	v58 =	vmul.f32 $1.442695020e+00, v39;
	(xrf1) =	vsort.dscd.msk.f32 $0xffff, v47, v4;
	(erf) = vrcp.f32 v14  }
0x1e7: {  	v35 =	vperm.xlane v35, v5;
	v42 =	vsel vm2, v48, v42;
	(erf) = vrcp.f32 v63;
	v14, _, _ =	vpop (xrf0)  }
0x1e8: {  	v53 =	vmul.f32 v60, v7;
	[tilespmem:v13+s16+$0x0] =	vst.idx.msk $0xff, v21;
	(xrf1) =	vsort.dscd.msk.f32 $0xffff, v29, v30;
	(erf) = vpow2.f32 v58;
	v21 =	vpop (erf)  }
0x1e9: {  	v29 =	vperm.xlane v41, v5;
	(xrf1) =	vsort.dscd.msk.f32 $0xffff, v51, v3;
	v60, v59, _ =	vpop (xrf1);
	v20 =	vmul.f32 v21, v20  }
0x1ea: {  	v62 =	vmul.f32 v38, v10;
	v63 =	vsel vm2, v49, v36;
	(xrf1) =	vsort.dscd.msk.f32 $0xffff, v45, v0;
	v36, v49, _ =	vpop (xrf1)  }
0x1eb: {  	[tilespmem:v15+s16+$0x0] =	vst.idx.msk $0xff, v56;
	v56 =	vmul.f32 v57, v10;
	v51 =	vmul.f32 $1.442695020e+00, v31;
	(xrf1) =	vsort.dscd.msk.f32 $0xffff, v53, v4;
	v38, v34, _ =	vpop (xrf1)  }
0x1ec: {  	v57 =	vbroadcast v16, $0xF;
	v16 =	vsel vm3, v26, v29;
	v21 =	vsel vm0, $0xBF800000, v31;
	(xrf1) =	vsort.dscd.msk.f32 $0xffff, v62, v3;
	v31, v30, _ =	vpop (xrf1)  }
0x1ed: {  	(erf) = vpow2.f32 v51;
	vm2 =	vge.f32 v60, v55;
	[tilespmem:v17+s17+$0x0] =	vst.idx.msk $0xff, v20;
	(xrf1) =	vsort.dscd.msk.f32 $0xffff, v56, v3;
	v20, v58, _ =	vpop (xrf1)  }
0x1ee: {  	v35 =	vsel vm2, v59, v35;
	(xrf1) =	vsort.dscd.msk.f32 $0xffff, v28, v16;
	[tilespmem:v17+s18+$0x0] =	vst.idx.msk $0xff, v57;
	v33, v29, _ =	vpop (xrf1)  }
0x1ef: {  	s28 =	simm.s32 $0x6;
	s30 =	simm.s32 $0xF;
	s29 =	simm.s32 $0x30;
	v16 =	vnsel vm0, $0x0, v37;
	v28 =	vperm.xlane v50, v5;
	(xrf1) =	vsort.dscd.msk.f32 $0xffff, v43, v4;
	v17 =	vperm.xlane v20, v5;
	v26 =	vpop (erf)  }
0x1f0: {  	s31 =	simm.s32 $0x78;
	s25 =	simm.s32 $0x838;
	s12 =	simm.s32 $0x107;
	v41 =	vsel vm2, v60, v55;
	(xrf2) =	vadd.scan.msk.f32 $0xffff, v16;
	v59 =	vperm.xlane v58, v5;
	v60 =	vmul.f32 v26, v23;
	v23 =	vpop (erf)  }
0x1f1: {  	s22 =	simm.s32 $0x60;
	s21 =	simm.s32 $0xC;
	s14 =	sand.u32 $0x7F, s12;
	v61 =	vbroadcast v61, $0xF;
	(xrf1) =	vsort.dscd.msk.f32 $0xffff, v27, v32;
	vm2 =	vge.f32 v36, v17;
	v27 =	vpop (erf);
	v62 =	vmul.f32 v23, v25  }
0x1f2: {  	s26 =	simm.s32 $0x850;
	s24 =	simm.s32 $0x9;
	s2 =	simm.s32 $0x868;
	v28 =	vsel vm1, v52, v28;
	v23 =	vbroadcast v44, $0xF;
	v25 =	vsel vm2, v36, v17;
	v32, v36, _ =	vpop (xrf1);
	[tilespmem:v11+s17+$0x0] =	vst.idx.msk $0xff, v60  }
0x1f3: {  	s26 =	sand.u32 $0x1C00, s26;
	s23 =	sand.u32 $0x1C00, s2;
	s0 =	sand.u32 $0x1C00, s25;
	v26 =	vsel vm2, v49, v59;
	v17 =	vnsel vm0, $0x0, v27;
	(xrf1) =	vsort.dscd.msk.f32 $0xffff, v42, v63;
	v27, v63, _ =	vpop (xrf1);
	[tilespmem:v22+s17+$0x0] =	vst.idx.msk $0xff, v62  }
0x1f4: {  	s2 =	simm.s32 $0x8820;
	s25 =	simm.s32 $0x48;
	s0 =	sor.u32 s14, s0;
	v20 =	vsel vm0, $0xBF800000, v39;
	v40, v39, _ =	vpop (xrf1);
	v42 =	vperm.xlane v27, v5;
	v37 =	vperm.xlane v63, v5;
	[tilespmem:v22+s18+$0x0] =	vst.idx.msk $0xff, v61  }
.LBB2_4:
0x1f5: {  	s12 =	sadd.s32 $0x808, s31;
	p0 =	slt.u32 s30, $0xFC;
	v38 =	vperm.xlane v38, v5;
	v27 =	vor.u32 s0, v1;
	s1 =	smov.u32 s30  }
0x1f6: {  	v43 =	vld [tilespmem:s2+$0xFFFFFF90];
	(xrf1) =	vsort.dscd.msk.f32 $0xffff, v24, v28;
	v24 =	vpop (erf);
	[tilespmem:v11+s18+$0x0] =	vst.idx.msk $0xff, v23;
	v22 =	vmov v13;
	v11 =	vmov v15;
	s30 =	sadd.s32 $0x3, s30;
	s0 =	smov.u32 s26;
	s26 =	smov.u32 s23  }
0x1f7: {  	v15 =	vperm.xlane v34, v5;
	v13 =	vld [tilespmem:s2+$0xFFFFFFE0];
	s23 =	sand.u32 $0x1C00, s12;
	vm1 =	vge.f32 v33, v42;
	(xrf1) =	vsort.dscd.msk.f32 $0xffff, v41, v35;
	v34, v41, _ =	vpop (xrf1);
	v23 =	vnsel vm0, $0x0, v24  }
0x1f8: {  	v28 =	vperm.xlane v32, v5;
	v24 =	vld [tilespmem:s2+$0xFFFFFFF0];
	v35, v32, _ =	vpop (xrf1);
	vm2 =	vge.f32 v31, v38;
	v33 =	vsel vm1, v33, v42  }
0x1f9: {  	v29 =	vsel vm1, v29, v37;
	v42 =	vld [tilespmem:s2+$0xFFFFFF60];
	v44, v45, _ =	vpop (xrf1);
	v31 =	vsel vm2, v31, v38;
	v15 =	vsel vm2, v30, v15;
	(xrf2) =	vadd.scan.msk.f32 $0xffff, v23  }
0x1fa: {  	v36 =	vperm.xlane v36, v5;
	v30 =	vld [tilespmem:s2+$0x80];
	vm1 =	vge.f32 v44, v28;
	v38, v46, _ =	vpop (xrf1);
	(xrf1) =	vsort.dscd.msk.f32 $0xffff, v31, v15;
	v15 =	vmul.f32 $1.442695020e+00, v34  }
0x1fb: {  	v34 =	vsel vm0, $0xBF800000, v34;
	v31 =	vld [tilespmem:s2+$0xFFFFFF70];
	v37 =	vmul.f32 v43, v7;
	v28 =	vsel vm1, v44, v28;
	v43, v44, _ =	vpop (xrf1);
	(xrf0) =	vmax.scan.msk.f32 $0xffff, v21  }
0x1fc: {  	v47 =	vperm.xlane v40, v5;
	v36 =	vsel vm1, v45, v36;
	v52 =	vmul.f32 v13, v8;
	v21 =	vld [tilespmem:s2+$0x60];
	v45, v48, _ =	vpop (xrf1);
	(xrf2) =	vadd.scan.msk.f32 $0xffff, v17  }
0x1fd: {  	s14 =	sadd.s32 $0x810, s29;
	s12 =	sadd.s32 $0x102, s28;
	v24 =	vmul.f32 v24, v9;
	v49 =	vld [tilespmem:s2+$0x0];
	v50, v40, _ =	vpop (xrf1);
	[tilespmem:v27+s16+$0x0] =	vst.idx.msk $0xff, v41  }
0x1fe: {  	s14 =	sand.u32 $0x1C00, s14;
	s12 =	sand.u32 $0x7F, s12;
	v41 =	vmul.f32 v42, v8;
	v42 =	vld [tilespmem:s2+$0x70];
	(xrf1) =	vsort.dscd.msk.f32 $0xffff, v52, v0;
	v13, v51, _ =	vpop (xrf1);
	(erf) = vpow2.f32 v15  }
0x1ff: {  	s12 =	sor.u32 s12, s14;
	v15 =	vperm.xlane v39, v5;
	v52 =	vld [tilespmem:s2+$0xFFFFFF80];
	v53 =	vperm.xlane v13, v5;
	(xrf1) =	vsort.dscd.msk.f32 $0xffff, v19, v2;
	v54, _, _ =	vpop (xrf2)  }
0x200: {  	s14 =	sand.u32 $0x400, s29;
	s29 =	sand.u32 $0x7F, s28;
	s28 =	smov.u32 s24;
	v13 =	vor.u32 s12, v1;
	v19 =	vmul.f32 v31, v9;
	v31 =	vld [tilespmem:s2+$0x90];
	(xrf1) =	vsort.dscd.msk.f32 $0xffff, v18, v0;
	v55, v39, _ =	vpop (xrf1);
	v54 =	vbroadcast v54, $0xF  }
0x201: {  	s24 =	smov.u32 s21;
	s21 =	smov.u32 s1;
	v51 =	vperm.xlane v51, v5;
	s12 =	sor.u32 s14, s29;
	v18 =	vmov v41;
	v56 =	vld [tilespmem:s2+$0x10];
	(xrf1) =	vsort.dscd.msk.f32 $0xffff, v24, v2;
	v24 =	vperm.xlane v50, v5;
	v50, _, _ =	vpop (xrf0)  }
0x202: {  	vm2 =	vge.f32 v43, v47;
	v30 =	vmul.f32 v30, v10;
	s29 =	smov.u32 s25;
	s25 =	smov.u32 s22;
	s1 =	sor.u32 $0x800, s12;
	(xrf1) =	vsort.dscd.msk.f32 $0xffff, v25, v26;
	v25, v26, _ =	vpop (xrf1);
	(erf) = vrcp.f32 v54  }
0x203: {  	s22 =	smov.u32 s31;
	v41 =	vmul.f32 v42, v9;
	v42 =	vsel vm2, v44, v15;
	v15 =	vor.u32 s1, v1;
	v44, _, _ =	vpop (xrf2);
	(xrf0) =	vmax.scan.msk.f32 $0xffff, v20  }
0x204: {  	v54 =	vmul.f32 v21, v8;
	v25 =	vperm.xlane v25, v5;
	vm1 =	vge.f32 v55, v24;
	(xrf0) =	vmax.scan.msk.f32 $0xffff, v34;
	v20, v21, _ =	vpop (xrf1)  }
0x205: {  	v24 =	vsel vm1, v55, v24;
	v44 =	vbroadcast v44, $0xF;
	v31 =	vmul.f32 v31, v7;
	[tilespmem:v13+s16+$0x0] =	vst.idx.msk $0xff, v21;
	v21, v34, _ =	vpop (xrf1)  }
0x206: {  	v55 =	vmul.f32 v56, v7;
	(xrf1) =	vsort.dscd.msk.f32 $0xffff, v41, v2;
	v41 =	vsel vm2, v43, v47;
	v43 =	vmul.f32 $1.442695020e+00, v20;
	v47, _, _ =	vpop (xrf2)  }
0x207: {  	vm2 =	vge.f32 v45, v53;
	v56 =	vperm.xlane v38, v5;
	(xrf1) =	vsort.dscd.msk.f32 $0xffff, v41, v42;
	v38 =	vpop (erf);
	v41 =	vbroadcast v47, $0xF  }
0x208: {  	v42 =	vsel vm2, v45, v53;
	v53 =	vmul.f32 $1.442695020e+00, v21;
	(xrf1) =	vsort.dscd.msk.f32 $0xffff, v55, v4;
	v45, v47, _ =	vpop (xrf1);
	(erf) = vrcp.f32 v44  }
0x209: {  	v21 =	vsel vm0, $0xBF800000, v21;
	v44 =	vmul.f32 v49, v10;
	[tilespmem:v15+s16+$0x0] =	vst.idx.msk $0xff, v34;
	v49, _, _ =	vpop (xrf0);
	(erf) = vrcp.f32 v41  }
0x20a: {  	v48 =	vsel vm2, v48, v51;
	(xrf1) =	vsort.dscd.msk.f32 $0xffff, v33, v29;
	v29 =	vnsel vm0, $0x0, v38;
	v33, _, _ =	vpop (xrf0);
	(erf) = vpow2.f32 v43  }
0x20b: {  	v20 =	vsel vm0, $0xBF800000, v20;
	v41 =	vperm.xlane v46, v5;
	vm2 =	vge.f32 v45, v25;
	(xrf1) =	vsort.dscd.msk.f32 $0xffff, v30, v3;
	v30 =	vpop (erf)  }
0x20c: {  	v26 =	vperm.xlane v26, v5;
	v43, v46, _ =	vpop (xrf1);
	(xrf1) =	vsort.dscd.msk.f32 $0xffff, v54, v0;
	v54 =	vmul.f32 v30, v16;
	v16 =	vmov v29  }
0x20d: {  	v55 =	vmul.f32 v52, v10;
	vm3 =	vge.f32 v35, v56;
	v52 =	vbroadcast v14, $0xF;
	(xrf1) =	vsort.dscd.msk.f32 $0xffff, v31, v4;
	v38, v34, _ =	vpop (xrf1)  }
0x20e: {  	(xrf1) =	vsort.dscd.msk.f32 $0xffff, v44, v3;
	v44 =	vsel vm3, v35, v56;
	v31, v30, _ =	vpop (xrf1);
	(erf) = vpow2.f32 v53;
	[tilespmem:v12+s17+$0x0] =	vst.idx.msk $0xff, v54  }
0x20f: {  	v32 =	vsel vm3, v32, v41;
	v14 =	vmov v33;
	v35 =	vsel vm2, v47, v26;
	(xrf1) =	vsort.dscd.msk.f32 $0xffff, v55, v3;
	v51, v53, _ =	vpop (xrf1)  }
0x210: {  	v41 =	vsel vm2, v45, v25;
	v33, v29, _ =	vpop (xrf1);
	(xrf1) =	vsort.dscd.msk.f32 $0xffff, v44, v32;
	[tilespmem:v12+s18+$0x0] =	vst.idx.msk $0xff, v52;
	v44 =	vbroadcast v49, $0xF  }
0x211: {  	v25 =	vperm.xlane v51, v5;
	v12 =	vmov v27;
	(xrf1) =	vsort.dscd.msk.f32 $0xffff, v37, v4;
	v37 =	vperm.xlane v40, v5;
	v26 =	vpop (erf)  }
.Ltmp1:
0x212: {  	v47 =	vperm.xlane v53, v5;
	v40 =	vmul.f32 v26, v23;
	v26 =	vpop (erf);
	(pc) =	sbr.rel @p0 .LBB2_4-.Ltmp1, $4  }
0x213: {  	vm2 =	vge.f32 v43, v25;
	v23 =	vbroadcast v50, $0xF;
	(xrf1) =	vsort.dscd.msk.f32 $0xffff, v28, v36;
	v28 =	vpop (erf);
	v45 =	vmul.f32 v26, v17  }
0x214: {  	s1 =	sadd.s32 $0x101, s28;
	v25 =	vsel vm2, v43, v25;
	v26 =	vsel vm2, v46, v47;
	v32, v36, _ =	vpop (xrf1);
	v17 =	vnsel vm0, $0x0, v28;
	[tilespmem:v11+s17+$0x0] =	vst.idx.msk $0xff, v40  }
0x215: {  	s1 =	sand.u32 $0x7F, s1;
	v28 =	vsel vm1, v39, v37;
	(xrf1) =	vsort.dscd.msk.f32 $0xffff, v42, v48;
	v27, v43, _ =	vpop (xrf1);
	[tilespmem:v22+s17+$0x0] =	vst.idx.msk $0xff, v45  }
0x216: {  	s31 =	sadd.s32 $0x18, s31;
	s2 =	sadd.s32 $0x180, s2;
	s0 =	sor.u32 s1, s0;
	v40, v39, _ =	vpop (xrf1);
	v42 =	vperm.xlane v27, v5;
	v37 =	vperm.xlane v43, v5;
	(xrf2) =	vadd.scan.msk.f32 $0xffff, v16;
	[tilespmem:v22+s18+$0x0] =	vst.idx.msk $0xff, v44  }
0x217: {  	(xrf1) =	vsort.dscd.msk.f32 $0xffff, v24, v28;
	v22 =	vpop (erf)  }
0x218: {  	(xrf1) =	vsort.dscd.msk.f32 $0xffff, v41, v35;
	v22 =	vnsel vm0, $0x0, v22  }
0x219: {  	v27, v28, _ =	vpop (xrf1);
	(xrf2) =	vadd.scan.msk.f32 $0xffff, v22  }
0x21a: {  	v35, v41, _ =	vpop (xrf1);
	(xrf2) =	vadd.scan.msk.f32 $0xffff, v17  }
0x21b: {  	v24 =	vperm.xlane v38, v5;
	v43, v44, _ =	vpop (xrf1)  }
0x21c: {  	v34 =	vperm.xlane v34, v5;
	v60, v45, _ =	vpop (xrf1)  }
0x21d: {  	vm1 =	vge.f32 v31, v24;
	v46, v47, _ =	vpop (xrf1)  }
0x21e: {  	v24 =	vsel vm1, v31, v24;
	v30 =	vsel vm1, v30, v34;
	v48, v49, _ =	vpop (xrf1)  }
0x21f: {  	v61, v50, _ =	vpop (xrf1);
	(xrf1) =	vsort.dscd.msk.f32 $0xffff, v24, v30;
	v30 =	vmul.f32 $1.442695020e+00, v27  }
0x220: {  	v32 =	vperm.xlane v32, v5;
	v51, v52, _ =	vpop (xrf1)  }
0x221: {  	v36 =	vperm.xlane v36, v5;
	v40 =	vperm.xlane v40, v5;
	v24, _, _ =	vpop (xrf2)  }
0x222: {  	v39 =	vperm.xlane v39, v5;
	vm1 =	vge.f32 v33, v42;
	v53, v54, _ =	vpop (xrf1);
	v24 =	vbroadcast v24, $0xF  }
0x223: {  	v33 =	vsel vm1, v33, v42;
	v37 =	vsel vm1, v29, v37;
	(erf) = vpow2.f32 v30;
	(xrf1) =	vsort.dscd.msk.f32 $0xffff, v19, v2;
	v30, _, _ =	vpop (xrf2)  }
0x224: {  	vm1 =	vge.f32 v43, v32;
	v38 =	vperm.xlane v60, v5;
	v62 =	vbroadcast v30, $0xF;
	v30, _, _ =	vpop (xrf2)  }
0x225: {  	vm2 =	vge.f32 v46, v40;
	v55, v56, _ =	vpop (xrf1);
	(erf) = vrcp.f32 v24;
	(xrf1) =	vsort.dscd.msk.f32 $0xffff, v18, v0;
	v57 =	vbroadcast v30, $0xF  }
0x226: {  	v18 =	vsel vm2, v47, v39;
	v24, v31, _ =	vpop (xrf1);
	(xrf1) =	vsort.dscd.msk.f32 $0xffff, v25, v26;
	v26 =	vperm.xlane v45, v5;
	(erf) = vrcp.f32 v62  }
0x227: {  	v25 =	vsel vm2, v46, v40;
	v29, v30, _ =	vpop (xrf1);
	v63 =	vmul.f32 $1.442695020e+00, v24;
	(erf) = vrcp.f32 v57  }
0x228: {  	vm2 =	vge.f32 v35, v38;
	v45 =	vperm.xlane v52, v5;
	v19 =	vmul.f32 $1.442695020e+00, v29  }
0x229: {  	(xrf1) =	vsort.dscd.msk.f32 $0xffff, v25, v18;
	v18 =	vsel vm2, v35, v38;
	v25 =	vsel vm2, v41, v26;
	(erf) = vpow2.f32 v63  }
0x22a: {  	(xrf1) =	vsort.dscd.msk.f32 $0xffff, v33, v37;
	v26 =	vsel vm1, v43, v32;
	(erf) = vpow2.f32 v19;
	v19 =	vperm.xlane v51, v5  }
0x22b: {  	(xrf1) =	vsort.dscd.msk.f32 $0xffff, v18, v25;
	v18 =	vsel vm1, v44, v36;
	v25 =	vperm.xlane v61, v5  }
0x22c: {  	v46 =	vpop (erf);
	(xrf1) =	vsort.dscd.msk.f32 $0xffff, v26, v18;
	v26 =	vperm.xlane v50, v5;
	vm1 =	vge.f32 v48, v19  }
0x22d: {  	v51, v47, _ =	vpop (xrf1);
	v19 =	vsel vm1, v48, v19;
	v32 =	vsel vm1, v49, v45;
	vm1 =	vge.f32 v53, v25  }
0x22e: {  	v42 =	vpop (erf);
	v26 =	vsel vm1, v54, v26  }
0x22f: {  	v37 =	vpop (erf)  }
0x230: {  	v18 =	vperm.xlane v55, v5;
	(xrf1) =	vsort.dscd.msk.f32 $0xffff, v19, v32;
	v25 =	vsel vm1, v53, v25;
	v36 =	vpop (erf)  }
0x231: {  	v52 =	vperm.xlane v56, v5;
	v19 =	vnsel vm0, $0x0, v46;
	(xrf1) =	vsort.dscd.msk.f32 $0xffff, v25, v26;
	v26, v56, _ =	vpop (xrf1)  }
0x232: {  	vm2 =	vge.f32 v51, v18;
	(xrf2) =	vadd.scan.msk.f32 $0xffff, v19;
	v55 =	vpop (erf)  }
0x233: {  	v32 =	vsel vm2, v47, v52;
	v18 =	vsel vm2, v51, v18;
	v25 =	vpop (erf)  }
0x234: {  	(xrf1) =	vsort.dscd.msk.f32 $0xffff, v18, v32;
	v26 =	vperm.xlane v26, v5;
	v25 =	vnsel vm0, $0x0, v25  }
0x235: {  	v58, v57, _ =	vpop (xrf1);
	v32 =	vperm.xlane v56, v5;
	v18 =	vnsel vm0, $0x0, v55;
	(xrf2) =	vadd.scan.msk.f32 $0xffff, v25  }
0x236: {  	vm1 =	vge.f32 v58, v26;
	(xrf2) =	vadd.scan.msk.f32 $0xffff, v18  }
0x237: {  	v32 =	vsel vm1, v57, v32  }
0x238: {  	v40, v41, _ =	vpop (xrf1);
	v26 =	vsel vm1, v58, v26  }
0x239: {  	v59, v44, _ =	vpop (xrf1)  }
0x23a: {  	v35, v38, _ =	vpop (xrf1)  }
0x23b: {  	(xrf1) =	vsort.dscd.msk.f32 $0xffff, v26, v32;
	v26, v32, _ =	vpop (xrf1)  }
0x23c: {  	v60, _, _ =	vpop (xrf2)  }
0x23d: {  	v61 =	vmul.f32 $1.442695020e+00, v35;
	v45, v46, _ =	vpop (xrf1)  }
0x23e: {  	v47, v48, _ =	vpop (xrf1)  }
0x23f: {  	(erf) = vpow2.f32 v61;
	v33 =	vbroadcast v60, $0xF;
	v62, _, _ =	vpop (xrf2)  }
0x240: {  	v59 =	vperm.xlane v59, v5;
	v63 =	vbroadcast v62, $0xF;
	v55, _, _ =	vpop (xrf2)  }
0x241: {  	(erf) = vrcp.f32 v33;
	v34, v50, _ =	vpop (xrf1);
	v56 =	vbroadcast v55, $0xF  }
0x242: {  	v39, v51, _ =	vpop (xrf1);
	v57 =	vmul.f32 $1.442695020e+00, v34;
	(erf) = vrcp.f32 v63  }
0x243: {  	v58 =	vmul.f32 $1.442695020e+00, v39;
	(erf) = vrcp.f32 v56  }
0x244: {  	(erf) = vpow2.f32 v57  }
0x245: {  	vm1 =	vge.f32 v40, v59;
	(erf) = vpow2.f32 v58  }
0x246: {  	v60 =	vperm.xlane v44, v5;
	v33 =	vsel vm1, v40, v59;
	_ =	sdelay $0x1  }
0x247: {  	v61 =	vsel vm1, v41, v60;
	v62 =	vpop (erf)  }
0x248: {  	(xrf1) =	vsort.dscd.msk.f32 $0xffff, v33, v61;
	v33, v40, _ =	vpop (xrf1)  }
0x249: {  	v63 =	vperm.xlane v26, v5;
	v44 =	vpop (erf)  }
0x24a: {  	v32 =	vperm.xlane v32, v5;
	v47 =	vperm.xlane v47, v5;
	v49 =	vpop (erf)  }
0x24b: {  	v52 =	vperm.xlane v48, v5;
	v26 =	vnsel vm0, $0x0, v62;
	vm1 =	vge.f32 v45, v63;
	v48 =	vpop (erf)  }
0x24c: {  	(xrf2) =	vadd.scan.msk.f32 $0xffff, v26;
	v43 =	vsel vm1, v45, v63;
	vm2 =	vge.f32 v33, v47;
	v32 =	vsel vm1, v46, v32;
	v53 =	vpop (erf)  }
0x24d: {  	v40 =	vsel vm2, v40, v52;
	v33 =	vsel vm2, v33, v47;
	(xrf1) =	vsort.dscd.msk.f32 $0xffff, v43, v32;
	v54 =	vpop (erf)  }
0x24e: {  	(xrf1) =	vsort.dscd.msk.f32 $0xffff, v33, v40;
	v33 =	vnsel vm0, $0x0, v54  }
0x24f: {  	v32 =	vnsel vm0, $0x0, v53;
	(xrf2) =	vadd.scan.msk.f32 $0xffff, v33  }
0x250: {  	(xrf2) =	vadd.scan.msk.f32 $0xffff, v32;
	_ =	sdelay $0x6  }
0x251: {  	v43, v41, _ =	vpop (xrf1)  }
0x252: {  	v55 =	vmul.f32 $1.442695020e+00, v43;
	v56, _, _ =	vpop (xrf2)  }
0x253: {  	v45 =	vbroadcast v56, $0xF;
	v57, _, _ =	vpop (xrf2)  }
0x254: {  	(erf) = vpow2.f32 v55;
	v58 =	vbroadcast v57, $0xF;
	v59, _, _ =	vpop (xrf2)  }
0x255: {  	(xrf0) =	vmax.scan.msk.f32 $0xffff, v21;
	(erf) = vrcp.f32 v45;
	v60, v47, _ =	vpop (xrf1);
	v46 =	vbroadcast v59, $0xF  }
0x256: {  	(xrf0) =	vmax.scan.msk.f32 $0xffff, v20;
	v62, v61, _ =	vpop (xrf1);
	v63 =	vmul.f32 $1.442695020e+00, v60;
	(erf) = vrcp.f32 v58  }
0x257: {  	v21 =	vmul.f32 $1.442695020e+00, v62;
	(erf) = vrcp.f32 v46  }
0x258: {  	s12 =	sand.u32 $0x400, s29;
	s14 =	sand.u32 $0x7F, s28;
	(erf) = vpow2.f32 v63  }
0x259: {  	s12 =	sor.u32 s12, s14;
	(erf) = vpow2.f32 v21  }
0x25a: {  	v20 =	vor.u32 s0, v1;
	s14 =	sor.u32 $0x800, s12  }
0x25b: {  	[tilespmem:v11+s18+$0x0] =	vst.idx.msk $0xff, v23;
	v11, _, _ =	vpop (xrf0);
	v58 =	vor.u32 s14, v1  }
0x25c: {  	v23, _, _ =	vpop (xrf0)  }
0x25d: {  	v57 =	vpop (erf)  }
0x25e: {  	v59 =	vpop (erf)  }
0x25f: {  	[tilespmem:v20+s16+$0x0] =	vst.idx.msk $0xff, v28;
	v16 =	vmul.f32 v42, v16;
	v28 =	vpop (erf)  }
0x260: {  	s1 =	sadd.s32 $0x810, s29;
	s2 =	sadd.s32 $0x102, s28;
	v14 =	vbroadcast v14, $0xF;
	v27 =	vsel vm0, $0xBF800000, v27;
	[tilespmem:v58+s16+$0x0] =	vst.idx.msk $0xff, v30;
	v30 =	vpop (erf)  }
0x261: {  	s1 =	sand.u32 $0x1C00, s1;
	s2 =	sand.u32 $0x7F, s2;
	(xrf0) =	vmax.scan.msk.f32 $0xffff, v27;
	v27 =	vsel vm0, $0xBF800000, v29;
	[tilespmem:v12+s17+$0x0] =	vst.idx.msk $0xff, v16;
	v16 =	vnsel vm0, $0x0, v57;
	v29 =	vpop (erf)  }
0x262: {  	s2 =	sor.u32 s2, s1;
	s1 =	sadd.s32 $0x101, s24;
	[tilespmem:v12+s18+$0x0] =	vst.idx.msk $0xff, v14;
	v14 =	vmul.f32 v37, v22;
	(xrf2) =	vadd.scan.msk.f32 $0xffff, v16;
	v22 =	vpop (erf)  }
0x263: {  	s0 =	sand.u32 $0x7F, s1;
	v22 =	vnsel vm0, $0x0, v22  }
0x264: {  	s0 =	sor.u32 s0, s26;
	v11 =	vbroadcast v11, $0xF;
	v24 =	vsel vm0, $0xBF800000, v24;
	(xrf2) =	vadd.scan.msk.f32 $0xffff, v22  }
0x265: {  	(xrf0) =	vmax.scan.msk.f32 $0xffff, v27;
	v12 =	vbroadcast v23, $0xF;
	v23 =	vor.u32 s0, v1;
	v17 =	vmul.f32 v36, v17  }
0x266: {  	(xrf0) =	vmax.scan.msk.f32 $0xffff, v24;
	[tilespmem:v15+s17+$0x0] =	vst.idx.msk $0xff, v14;
	v27 =	vnsel vm0, $0x0, v29  }
0x267: {  	[tilespmem:v13+s17+$0x0] =	vst.idx.msk $0xff, v17;
	(xrf2) =	vadd.scan.msk.f32 $0xffff, v27  }
0x268: {  	[tilespmem:v15+s18+$0x0] =	vst.idx.msk $0xff, v11  }
0x269: {  	v11, _, _ =	vpop (xrf0);
	[tilespmem:v13+s18+$0x0] =	vst.idx.msk $0xff, v12;
	v12 =	vmul.f32 v44, v19  }
0x26a: {  	s12 =	sadd.s32 $0x102, s24;
	s24 =	sand.u32 $0x7F, s24;
	v11 =	vbroadcast v11, $0xF;
	[tilespmem:v23+s16+$0x0] =	vst.idx.msk $0xff, v38;
	v21 =	vor.u32 s2, v1;
	s2 =	sadd.s32 $0x810, s25  }
0x26b: {  	v15, _, _ =	vpop (xrf0);
	[tilespmem:v20+s17+$0x0] =	vst.idx.msk $0xff, v12;
	v12 =	vmul.f32 v49, v25;
	s14 =	sand.u32 $0x400, s25;
	s1 =	sand.u32 $0x1C00, s2;
	s2 =	sand.u32 $0x7F, s12  }
0x26c: {  	v15 =	vbroadcast v15, $0xF;
	v13 =	vsel vm0, $0xBF800000, v35;
	[tilespmem:v20+s18+$0x0] =	vst.idx.msk $0xff, v11;
	v11 =	vmul.f32 v48, v18;
	s26 =	sor.u32 s14, s24;
	s25 =	sor.u32 s2, s1;
	s2 =	sadd.s32 $0x101, s21;
	v18, _, _ =	vpop (xrf2)  }
0x26d: {  	(xrf0) =	vmax.scan.msk.f32 $0xffff, v13;
	v19, _, _ =	vpop (xrf0);
	s14 =	sadd.s32 $0x102, s21;
	s1 =	sor.u32 $0x800, s26;
	v14 =	vor.u32 s25, v1;
	s0 =	sand.u32 $0x7F, s2;
	[tilespmem:v58+s17+$0x0] =	vst.idx.msk $0xff, v12;
	v18 =	vbroadcast v18, $0xF  }
0x26e: {  	v13 =	vsel vm0, $0xBF800000, v39;
	v19 =	vbroadcast v19, $0xF;
	s24 =	sand.u32 $0x7F, s21;
	s12 =	sadd.s32 $0x810, s22;
	v17 =	vor.u32 s1, v1;
	s0 =	sor.u32 s0, s23;
	[tilespmem:v58+s18+$0x0] =	vst.idx.msk $0xff, v15;
	v24, _, _ =	vpop (xrf2)  }
0x26f: {  	s1 =	sand.u32 $0x1C00, s12;
	s2 =	sand.u32 $0x7F, s14;
	s23 =	sand.u32 $0x400, s22;
	[tilespmem:v21+s16+$0x0] =	vst.idx.msk $0xff, v31;
	v12 =	vor.u32 s0, v1;
	(erf) = vrcp.f32 v18;
	v18 =	vbroadcast v24, $0xF  }
0x270: {  	(xrf0) =	vmax.scan.msk.f32 $0xffff, v13;
	v20 =	vsel vm0, $0xBF800000, v34;
	s25 =	sor.u32 s2, s1;
	s26 =	sor.u32 s23, s24;
	[tilespmem:v21+s17+$0x0] =	vst.idx.msk $0xff, v11  }
0x271: {  	(xrf0) =	vmax.scan.msk.f32 $0xffff, v20;
	v15 =	vsel vm0, $0xBF800000, v62;
	v11 =	vor.u32 s25, v1;
	s2 =	sor.u32 $0x800, s26;
	[tilespmem:v21+s18+$0x0] =	vst.idx.msk $0xff, v19;
	v24, _, _ =	vpop (xrf2)  }
0x272: {  	v13 =	vor.u32 s2, v1;
	v19 =	vsel vm0, $0xBF800000, v43;
	[tilespmem:v14+s16+$0x0] =	vst.idx.msk $0xff, v50;
	v20 =	vbroadcast v24, $0xF  }
0x273: {  	[tilespmem:v17+s16+$0x0] =	vst.idx.msk $0xff, v51;
	(xrf0) =	vmax.scan.msk.f32 $0xffff, v19;
	v19 =	vmul.f32 v59, v26;
	(erf) = vrcp.f32 v18;
	v18, _, _ =	vpop (xrf0)  }
0x274: {  	[tilespmem:v12+s16+$0x0] =	vst.idx.msk $0xff, v41;
	(erf) = vrcp.f32 v20;
	(xrf0) =	vmax.scan.msk.f32 $0xffff, v15;
	v15 =	vbroadcast v18, $0xF  }
0x275: {  	[tilespmem:v23+s17+$0x0] =	vst.idx.msk $0xff, v19  }
0x276: {  	[tilespmem:v23+s18+$0x0] =	vst.idx.msk $0xff, v15;
	v15 =	vmul.f32 v30, v32  }
0x277: {  	v19 =	vmul.f32 v28, v33;
	[tilespmem:v11+s16+$0x0] =	vst.idx.msk $0xff, v47  }
0x278: {  	[tilespmem:v13+s16+$0x0] =	vst.idx.msk $0xff, v61;
	v20 =	vsel vm0, $0xBF800000, v60;
	v18, _, _ =	vpop (xrf0)  }
0x279: {  	[tilespmem:v17+s17+$0x0] =	vst.idx.msk $0xff, v19;
	(xrf0) =	vmax.scan.msk.f32 $0xffff, v20;
	v21, _, _ =	vpop (xrf0);
	v18 =	vbroadcast v18, $0xF  }
0x27a: {  	v21 =	vbroadcast v21, $0xF;
	[tilespmem:v14+s17+$0x0] =	vst.idx.msk $0xff, v15;
	v15 =	vpop (erf)  }
0x27b: {  	v20, _, _ =	vpop (xrf0);
	[tilespmem:v17+s18+$0x0] =	vst.idx.msk $0xff, v18;
	v15 =	vmul.f32 v15, v16  }
0x27c: {  	[tilespmem:v14+s18+$0x0] =	vst.idx.msk $0xff, v21;
	v16 =	vbroadcast v20, $0xF;
	v17 =	vpop (erf)  }
0x27d: {  	[tilespmem:v12+s17+$0x0] =	vst.idx.msk $0xff, v15;
	v15 =	vmul.f32 v17, v22;
	v17 =	vpop (erf)  }
0x27e: {  	v14, _, _ =	vpop (xrf0);
	[tilespmem:v12+s18+$0x0] =	vst.idx.msk $0xff, v16;
	v12 =	vmul.f32 v17, v27  }
0x27f: {  	v18, _, _ =	vpop (xrf0);
	v14 =	vbroadcast v14, $0xF;
	[tilespmem:v13+s17+$0x0] =	vst.idx.msk $0xff, v15  }
0x280: {  	v16 =	vbroadcast v18, $0xF;
	[tilespmem:v11+s17+$0x0] =	vst.idx.msk $0xff, v12  }
0x281: {  	[tilespmem:v13+s18+$0x0] =	vst.idx.msk $0xff, v14  }
0x282: {  	[tilespmem:v11+s18+$0x0] =	vst.idx.msk $0xff, v16  }
0x283: {  	v11 =	vld [tilespmem:$0xFF80]  }
0x284: {  	v12 =	vld [tilespmem:$0xFF90]  }
0x285: {  	v13 =	vld [tilespmem:$0xFFA0]  }
0x286: {  	v14 =	vld [tilespmem:$0xFFB0];
	_ =	sdelay $0x1  }
0x287: {  	v11 =	vmul.f32 v11, v8  }
0x288: {  	v12 =	vmul.f32 v12, v9  }
0x289: {  	v13 =	vmul.f32 v13, v10;
	(xrf1) =	vsort.dscd.msk.f32 $0xffff, v11, v0  }
0x28a: {  	v11 =	vmul.f32 v14, v7;
	(xrf1) =	vsort.dscd.msk.f32 $0xffff, v12, v2  }
0x28b: {  	(xrf1) =	vsort.dscd.msk.f32 $0xffff, v13, v3  }
0x28c: {  	(xrf1) =	vsort.dscd.msk.f32 $0xffff, v11, v4;
	_ =	sdelay $0xa  }
0x28d: {  	v11, v12, _ =	vpop (xrf1)  }
0x28e: {  	v13, v14, _ =	vpop (xrf1)  }
0x28f: {  	v15, v16, _ =	vpop (xrf1)  }
0x290: {  	v13 =	vperm.xlane v13, v5;
	v17, v18, _ =	vpop (xrf1)  }
0x291: {  	v14 =	vperm.xlane v14, v5;
	v17 =	vperm.xlane v17, v5  }
0x292: {  	vm1 =	vge.f32 v11, v13;
	v18 =	vperm.xlane v18, v5  }
0x293: {  	v11 =	vsel vm1, v11, v13;
	v12 =	vsel vm1, v12, v14;
	vm1 =	vge.f32 v15, v17  }
0x294: {  	(xrf1) =	vsort.dscd.msk.f32 $0xffff, v11, v12;
	v13 =	vsel vm1, v15, v17;
	v14 =	vsel vm1, v16, v18  }
0x295: {  	(xrf1) =	vsort.dscd.msk.f32 $0xffff, v13, v14;
	_ =	sdelay $0xc  }
0x296: {  	v11, v12, _ =	vpop (xrf1)  }
0x297: {  	v13, v14, _ =	vpop (xrf1)  }
0x298: {  	v13 =	vperm.xlane v13, v5  }
0x299: {  	v14 =	vperm.xlane v14, v5  }
0x29a: {  	vm1 =	vge.f32 v11, v13  }
0x29b: {  	v11 =	vsel vm1, v11, v13;
	v12 =	vsel vm1, v12, v14  }
0x29c: {  	(xrf1) =	vsort.dscd.msk.f32 $0xffff, v11, v12;
	_ =	sdelay $0xd  }
0x29d: {  	v11, v12, _ =	vpop (xrf1)  }
0x29e: {  	v13 =	vmul.f32 $1.442695020e+00, v11;
	_ =	sdelay $0x1  }
0x29f: {  	(erf) = vpow2.f32 v13;
	_ =	sdelay $0x8  }
0x2a0: {  	v13 =	vpop (erf)  }
0x2a1: {  	v13 =	vnsel vm0, $0x0, v13  }
0x2a2: {  	(xrf2) =	vadd.scan.msk.f32 $0xffff, v13;
	_ =	sdelay $0x9  }
0x2a3: {  	v14, _, _ =	vpop (xrf2)  }
0x2a4: {  	v14 =	vbroadcast v14, $0xF;
	_ =	sdelay $0x1  }
0x2a5: {  	(erf) = vrcp.f32 v14;
	_ =	sdelay $0x2  }
0x2a6: {  	v11 =	vsel vm0, $0xBF800000, v11  }
0x2a7: {  	(xrf0) =	vmax.scan.msk.f32 $0xffff, v11;
	_ =	sdelay $0x1  }
0x2a8: {  	v11 =	vor.u32 $0xC7F, v1;
	_ =	sdelay $0x2  }
0x2a9: {  	v14 =	vpop (erf)  }
0x2aa: {  	v15, _, _ =	vpop (xrf0);
	v13 =	vmul.f32 v14, v13  }
0x2ab: {  	[tilespmem:v11+s16+$0x0] =	vst.idx.msk $0xff, v12;
	v12 =	vbroadcast v15, $0xF  }
0x2ac: {  	[tilespmem:v11+s17+$0x0] =	vst.idx.msk $0xff, v13  }
0x2ad: {  	s21 =	simm.s32 $0x0;
	s12 =	simm.s32 $0x8000;
	[tilespmem:v11+s18+$0x0] =	vst.idx.msk $0xff, v12  }
0x2ae: {  	[tilespmem:s12], [sflag:$0x2] =	stream.linear.gather [hbm4b:s7+s21], $0x8000, $0x38;
	[tilespmem:$0x16080] =	vst v63  }
0x2af: {  	_ =	swait.ge [sflag:s15], $0x8000  }
0x2b0: {  	[sflag:s15] =	ssyncset.done $0x0  }
0x2b1: {  	s14 =	simm.s32 $0xA0;
	[sflag:s15] =	ssyncadd.s32 $0xFFFF8000  }
0x2b2: {  	v11 =	vld [tilespmem:s14+$0xFFFFFFE0]  }
0x2b3: {  	v12 =	vld [tilespmem:s14+$0xFFFFFFF0]  }
0x2b4: {  	v13 =	vld [tilespmem:s14+$0x70]  }
0x2b5: {  	v14 =	vld [tilespmem:s14+$0x10]  }
0x2b6: {  	v15 =	vld [tilespmem:s14+$0x80]  }
0x2b7: {  	v16 =	vld [tilespmem:s14+$0x60];
	v11 =	vmul.f32 v11, v8  }
0x2b8: {  	v17 =	vld [tilespmem:s14+$0x90];
	v12 =	vmul.f32 v12, v9  }
0x2b9: {  	v18 =	vld [tilespmem:s14+$0x0];
	(xrf1) =	vsort.dscd.msk.f32 $0xffff, v11, v0;
	v11 =	vmul.f32 v13, v9  }
0x2ba: {  	(xrf1) =	vsort.dscd.msk.f32 $0xffff, v12, v2;
	v12 =	vmul.f32 v14, v7  }
0x2bb: {  	v13 =	vmul.f32 v15, v10;
	(xrf1) =	vsort.dscd.msk.f32 $0xffff, v11, v2  }
0x2bc: {  	v11 =	vmul.f32 v16, v8;
	(xrf1) =	vsort.dscd.msk.f32 $0xffff, v12, v4  }
0x2bd: {  	v12 =	vmul.f32 v17, v7;
	(xrf1) =	vsort.dscd.msk.f32 $0xffff, v13, v3  }
0x2be: {  	v13 =	vmul.f32 v18, v10;
	(xrf1) =	vsort.dscd.msk.f32 $0xffff, v11, v0  }
0x2bf: {  	v14 =	vld [tilespmem:s14+$0xFFFFFF70];
	(xrf1) =	vsort.dscd.msk.f32 $0xffff, v12, v4  }
0x2c0: {  	v11 =	vld [tilespmem:s14+$0xFFFFFF80];
	(xrf1) =	vsort.dscd.msk.f32 $0xffff, v13, v3  }
0x2c1: {  	s22 =	simm.s32 $0x220;
	v12 =	vld [tilespmem:s14+$0xFFFFFF90]  }
0x2c2: {  	v13 =	vld [tilespmem:s22+$0xFFFFFFE0];
	_ =	sdelay $0x1  }
0x2c3: {  	v15 =	vld [tilespmem:s14+$0xFFFFFF60]  }
0x2c4: {  	v16 =	vld [tilespmem:s22+$0xFFFFFFF0];
	v11 =	vmul.f32 v11, v10  }
0x2c5: {  	v12 =	vmul.f32 v12, v7  }
0x2c6: {  	v21 =	vld [tilespmem:s22+$0x70];
	(xrf1) =	vsort.dscd.msk.f32 $0xffff, v11, v3;
	v11 =	vmul.f32 v13, v8;
	v13 =	vmul.f32 v14, v9;
	v17, v18, _ =	vpop (xrf1)  }
0x2c7: {  	(xrf1) =	vsort.dscd.msk.f32 $0xffff, v12, v4;
	v14, v19, _ =	vpop (xrf1)  }
0x2c8: {  	v12 =	vmul.f32 v15, v8;
	(xrf1) =	vsort.dscd.msk.f32 $0xffff, v11, v0;
	v15, v20, _ =	vpop (xrf1)  }
0x2c9: {  	v25 =	vld [tilespmem:s22+$0x10];
	v16 =	vmul.f32 v16, v9;
	(xrf1) =	vsort.dscd.msk.f32 $0xffff, v13, v2;
	v11 =	vperm.xlane v14, v5;
	v14, v22, _ =	vpop (xrf1)  }
0x2ca: {  	v28 =	vld [tilespmem:s22+$0x60];
	(xrf1) =	vsort.dscd.msk.f32 $0xffff, v12, v0;
	v12 =	vperm.xlane v19, v5;
	v13, v23, _ =	vpop (xrf1)  }
0x2cb: {  	v21 =	vmul.f32 v21, v9;
	(xrf1) =	vsort.dscd.msk.f32 $0xffff, v16, v2;
	v16 =	vld [tilespmem:s22+$0x80];
	vm1 =	vge.f32 v17, v11;
	v19, v24, _ =	vpop (xrf1)  }
0x2cc: {  	v14 =	vperm.xlane v14, v5;
	v11 =	vsel vm1, v17, v11;
	v12 =	vsel vm1, v18, v12;
	v17, v26, _ =	vpop (xrf1)  }
0x2cd: {  	v22 =	vperm.xlane v22, v5;
	(xrf1) =	vsort.dscd.msk.f32 $0xffff, v11, v12;
	v18, v27, _ =	vpop (xrf1)  }
0x2ce: {  	v29 =	vld [tilespmem:s22+$0x90];
	(xrf1) =	vsort.dscd.msk.f32 $0xffff, v21, v2;
	vm1 =	vge.f32 v18, v14  }
0x2cf: {  	v11 =	vld [tilespmem:s22+$0x0];
	v21 =	vmul.f32 v25, v7;
	v12 =	vsel vm1, v27, v22;
	v14 =	vsel vm1, v18, v14  }
0x2d0: {  	v22 =	vmul.f32 v28, v8;
	(xrf1) =	vsort.dscd.msk.f32 $0xffff, v14, v12;
	v14 =	vmul.f32 v16, v10;
	v16 =	vld [tilespmem:s22+$0xFFFFFF80];
	_ =	sdelay $0x1  }
0x2d1: {  	v15 =	vperm.xlane v15, v5;
	v20 =	vperm.xlane v20, v5;
	v18 =	vld [tilespmem:s22+$0xFFFFFF90];
	(xrf1) =	vsort.dscd.msk.f32 $0xffff, v21, v4  }
0x2d2: {  	v17 =	vperm.xlane v17, v5;
	v21 =	vmul.f32 v29, v7;
	(xrf1) =	vsort.dscd.msk.f32 $0xffff, v14, v3  }
0x2d3: {  	vm1 =	vge.f32 v19, v15;
	v11 =	vmul.f32 v11, v10;
	v14, v25, _ =	vpop (xrf1);
	(xrf1) =	vsort.dscd.msk.f32 $0xffff, v22, v0  }
0x2d4: {  	v15 =	vsel vm1, v19, v15;
	v19, v22, _ =	vpop (xrf1);
	(xrf1) =	vsort.dscd.msk.f32 $0xffff, v21, v4;
	v16 =	vmul.f32 v16, v10  }
0x2d5: {  	v27, v28, _ =	vpop (xrf1);
	(xrf1) =	vsort.dscd.msk.f32 $0xffff, v11, v3;
	v11 =	vsel vm1, v24, v20;
	v20 =	vperm.xlane v26, v5  }
0x2d6: {  	v18 =	vmul.f32 v18, v7;
	v19 =	vperm.xlane v19, v5;
	vm1 =	vge.f32 v13, v17;
	v24, v26, _ =	vpop (xrf1)  }
0x2d7: {  	v21 =	vld [tilespmem:s22+$0xFFFFFF70];
	v13 =	vsel vm1, v13, v17;
	(xrf1) =	vsort.dscd.msk.f32 $0xffff, v16, v3;
	v29, v30, _ =	vpop (xrf1);
	v20 =	vsel vm1, v23, v20  }
0x2d8: {  	s23 =	simm.s32 $0x3A0;
	v22 =	vperm.xlane v22, v5;
	v16, v17, _ =	vpop (xrf1);
	(xrf1) =	vsort.dscd.msk.f32 $0xffff, v13, v20  }
0x2d9: {  	vm1 =	vge.f32 v14, v19;
	v13 =	vperm.xlane v16, v5;
	(xrf1) =	vsort.dscd.msk.f32 $0xffff, v18, v4;
	v18 =	vld [tilespmem:s23+$0xFFFFFFE0]  }
0x2da: {  	v12 =	vld [tilespmem:s22+$0xFFFFFF60];
	v23 =	vperm.xlane v26, v5;
	v14 =	vsel vm1, v14, v19;
	v19 =	vsel vm1, v25, v22  }
0x2db: {  	v22 =	vperm.xlane v24, v5;
	v24 =	vld [tilespmem:s23+$0xFFFFFFF0];
	v17 =	vperm.xlane v17, v5;
	(xrf1) =	vsort.dscd.msk.f32 $0xffff, v15, v11  }
0x2dc: {  	v16 =	vmul.f32 v21, v9;
	v20, v21, _ =	vpop (xrf1);
	vm1 =	vge.f32 v27, v13;
	(xrf1) =	vsort.dscd.msk.f32 $0xffff, v14, v19  }
0x2dd: {  	v11 =	vsel vm1, v27, v13;
	v17 =	vsel vm1, v28, v17;
	vm1 =	vge.f32 v29, v22;
	v13, v15, _ =	vpop (xrf1)  }
0x2de: {  	v22 =	vsel vm1, v29, v22;
	v23 =	vsel vm1, v30, v23;
	v14, v19, _ =	vpop (xrf1);
	v18 =	vmul.f32 v18, v8  }
0x2df: {  	v12 =	vmul.f32 v12, v8;
	v27 =	vld [tilespmem:s23+$0x70];
	(xrf1) =	vsort.dscd.msk.f32 $0xffff, v22, v23;
	v14 =	vperm.xlane v14, v5  }
0x2e0: {  	v24 =	vmul.f32 v24, v9;
	v13 =	vperm.xlane v13, v5;
	v25, v26, _ =	vpop (xrf1);
	(xrf1) =	vsort.dscd.msk.f32 $0xffff, v18, v0;
	v18 =	vld [tilespmem:s23+$0x10]  }
0x2e1: {  	v19 =	vperm.xlane v19, v5;
	v28, v29, _ =	vpop (xrf1);
	v26 =	vperm.xlane v26, v5;
	vm1 =	vge.f32 v20, v14  }
0x2e2: {  	v25 =	vperm.xlane v25, v5;
	(xrf1) =	vsort.dscd.msk.f32 $0xffff, v16, v2;
	v16 =	vld [tilespmem:s23+$0x80];
	v14 =	vsel vm1, v20, v14;
	v20, v22, _ =	vpop (xrf1)  }
0x2e3: {  	v15 =	vperm.xlane v15, v5;
	v19 =	vsel vm1, v21, v19;
	(xrf1) =	vsort.dscd.msk.f32 $0xffff, v12, v0;
	v12 =	vld [tilespmem:s23+$0x60];
	v23, v30, _ =	vpop (xrf1)  }
0x2e4: {  	(xrf1) =	vsort.dscd.msk.f32 $0xffff, v24, v2;
	v24 =	vmul.f32 v27, v9;
	vm2 =	vge.f32 v20, v13;
	v27 =	vld [tilespmem:s23+$0x90];
	v31, v60, _ =	vpop (xrf1)  }
0x2e5: {  	v61 =	vld [tilespmem:s23+$0x0];
	(xrf1) =	vsort.dscd.msk.f32 $0xffff, v11, v17;
	vm1 =	vge.f32 v31, v25;
	v18 =	vmul.f32 v18, v7  }
0x2e6: {  	(xrf1) =	vsort.dscd.msk.f32 $0xffff, v24, v2;
	v11 =	vsel vm1, v60, v26;
	v17, v26, _ =	vpop (xrf1);
	v24 =	vsel vm1, v31, v25  }
0x2e7: {  	v13 =	vsel vm2, v20, v13;
	v31 =	vld [tilespmem:s23+$0xFFFFFF80];
	v16 =	vmul.f32 v16, v10;
	v20, v25, _ =	vpop (xrf1);
	(xrf1) =	vsort.dscd.msk.f32 $0xffff, v24, v11  }
0x2e8: {  	v11 =	vsel vm2, v22, v15;
	v12 =	vmul.f32 v12, v8;
	v15, v22, _ =	vpop (xrf1);
	(xrf1) =	vsort.dscd.msk.f32 $0xffff, v18, v4  }
0x2e9: {  	v21 =	vld [tilespmem:s23+$0xFFFFFF90];
	v18 =	vmul.f32 v27, v7;
	v15 =	vperm.xlane v15, v5;
	(xrf1) =	vsort.dscd.msk.f32 $0xffff, v14, v19  }
0x2ea: {  	v19 =	vmul.f32 v61, v10;
	(xrf1) =	vsort.dscd.msk.f32 $0xffff, v16, v3;
	v16 =	vperm.xlane v23, v5  }
0x2eb: {  	v14 =	vperm.xlane v22, v5;
	v23 =	vperm.xlane v30, v5;
	(xrf1) =	vsort.dscd.msk.f32 $0xffff, v12, v0  }
0x2ec: {  	v12, v22, _ =	vpop (xrf1);
	v24 =	vmul.f32 v31, v10;
	(xrf1) =	vsort.dscd.msk.f32 $0xffff, v18, v4;
	vm1 =	vge.f32 v28, v16  }
0x2ed: {  	v18 =	vperm.xlane v20, v5;
	v20, v27, _ =	vpop (xrf1);
	(xrf1) =	vsort.dscd.msk.f32 $0xffff, v19, v3;
	v23 =	vsel vm1, v29, v23  }
0x2ee: {  	v21 =	vmul.f32 v21, v7;
	v19, v30, _ =	vpop (xrf1);
	v16 =	vsel vm1, v28, v16;
	(xrf1) =	vsort.dscd.msk.f32 $0xffff, v24, v3  }
0x2ef: {  	vm2 =	vge.f32 v17, v15;
	v24 =	vld [tilespmem:s23+$0xFFFFFF60];
	v28, v29, _ =	vpop (xrf1);
	(xrf1) =	vsort.dscd.msk.f32 $0xffff, v16, v23  }
0x2f0: {  	v15 =	vsel vm2, v17, v15;
	(xrf1) =	vsort.dscd.msk.f32 $0xffff, v21, v4;
	v21 =	vperm.xlane v25, v5  }
0x2f1: {  	v14 =	vsel vm2, v26, v14;
	v20 =	vperm.xlane v20, v5;
	vm1 =	vge.f32 v12, v18;
	v16, v23, _ =	vpop (xrf1)  }
0x2f2: {  	v17, v25, _ =	vpop (xrf1);
	(xrf1) =	vsort.dscd.msk.f32 $0xffff, v13, v11;
	v11 =	vsel vm1, v12, v18;
	v16 =	vperm.xlane v16, v5  }
0x2f3: {  	s24 =	simm.s32 $0x520;
	v26 =	vld [tilespmem:s23+$0xFFFFFF70];
	(xrf1) =	vsort.dscd.msk.f32 $0xffff, v15, v14;
	v14 =	vsel vm1, v22, v21;
	v15 =	vperm.xlane v27, v5  }
0x2f4: {  	v12, v13, _ =	vpop (xrf1);
	v24 =	vmul.f32 v24, v8;
	vm1 =	vge.f32 v19, v20;
	(xrf1) =	vsort.dscd.msk.f32 $0xffff, v11, v14;
	v11 =	vld [tilespmem:s24+$0xFFFFFFE0]  }
0x2f5: {  	v19 =	vsel vm1, v19, v20;
	v20 =	vperm.xlane v23, v5;
	v12 =	vperm.xlane v12, v5;
	v18, v21, _ =	vpop (xrf1)  }
0x2f6: {  	v13 =	vperm.xlane v13, v5;
	v15 =	vsel vm1, v30, v15;
	vm1 =	vge.f32 v17, v16;
	v14, v22, _ =	vpop (xrf1)  }
0x2f7: {  	(xrf1) =	vsort.dscd.msk.f32 $0xffff, v19, v15;
	v16 =	vsel vm1, v17, v16;
	v17 =	vsel vm1, v25, v20;
	v27, v31, _ =	vpop (xrf1)  }
0x2f8: {  	v15 =	vld [tilespmem:s24+$0xFFFFFFF0];
	vm1 =	vge.f32 v28, v12;
	(xrf1) =	vsort.dscd.msk.f32 $0xffff, v16, v17;
	v16 =	vmul.f32 v26, v9;
	v23, v30, _ =	vpop (xrf1)  }
0x2f9: {  	v53 =	vld [tilespmem:s24+$0xFFFFFF60];
	v12 =	vsel vm1, v28, v12;
	v22 =	vperm.xlane v22, v5;
	v19, v62, _ =	vpop (xrf1);
	v11 =	vmul.f32 v11, v8  }
0x2fa: {  	v28 =	vld [tilespmem:s24+$0x70];
	v13 =	vsel vm1, v29, v13;
	v17 =	vperm.xlane v27, v5;
	v29 =	vperm.xlane v31, v5;
	v20, v25, _ =	vpop (xrf1)  }
0x2fb: {  	v31 =	vld [tilespmem:s24+$0xFFFFFF90];
	v23 =	vperm.xlane v23, v5;
	v48 =	vmul.f32 $1.442695020e+00, v19;
	v26, v27, _ =	vpop (xrf1);
	(xrf1) =	vsort.dscd.msk.f32 $0xffff, v11, v0  }
0x2fc: {  	vm1 =	vge.f32 v18, v17;
	v19 =	vsel vm0, $0xBF800000, v19;
	v11 =	vperm.xlane v14, v5;
	v63, v34, _ =	vpop (xrf1);
	(xrf1) =	vsort.dscd.msk.f32 $0xffff, v16, v2;
	v16 =	vld [tilespmem:s24+$0x10]  }
0x2fd: {  	v15 =	vmul.f32 v15, v9;
	v18 =	vsel vm1, v18, v17;
	v17 =	vperm.xlane v30, v5;
	(xrf0) =	vmax.scan.msk.f32 $0xffff, v19;
	v19 =	vld [tilespmem:s24+$0x90];
	v14, v49, _ =	vpop (xrf1)  }
0x2fe: {  	v21 =	vsel vm1, v21, v29;
	(erf) = vpow2.f32 v48;
	(xrf1) =	vsort.dscd.msk.f32 $0xffff, v24, v0;
	v24 =	vld [tilespmem:s24+$0x80];
	vm1 =	vge.f32 v26, v11;
	v54, v55, _ =	vpop (xrf1)  }
0x2ff: {  	v34 =	vperm.xlane v34, v5;
	(xrf1) =	vsort.dscd.msk.f32 $0xffff, v15, v2;
	v15 =	vld [tilespmem:s24+$0xFFFFFF70];
	vm2 =	vge.f32 v14, v23;
	v50, v56, _ =	vpop (xrf1)  }
0x300: {  	s25 =	simm.s32 $0x1008;
	s26 =	simm.s32 $0x201;
	v26 =	vsel vm1, v26, v11;
	v30, v51, _ =	vpop (xrf1);
	(xrf1) =	vsort.dscd.msk.f32 $0xffff, v12, v13;
	v12 =	vmul.f32 v28, v9;
	v28 =	vld [tilespmem:s24+$0x60]  }
0x301: {  	s0 =	sand.u32 $0x1C00, s25;
	s2 =	sand.u32 $0x7F, s26;
	v36 =	vsel vm2, v49, v17;
	v13 =	vmul.f32 v53, v8;
	v29, v52, _ =	vpop (xrf1);
	v16 =	vmul.f32 v16, v7  }
0x302: {  	s0 =	sor.u32 s2, s0;
	v58, v57, _ =	vpop (xrf1);
	(xrf1) =	vsort.dscd.msk.f32 $0xffff, v12, v2;
	v12 =	vsel vm2, v14, v23;
	v23 =	vmul.f32 v31, v7;
	v31 =	vld [tilespmem:s24+$0x0]  }
0x303: {  	s12 =	simm.s32 $0x202;
	s14 =	simm.s32 $0x1010;
	v17 =	vor.u32 s0, v1;
	v30 =	vperm.xlane v30, v5;
	v11 =	vmul.f32 v24, v10;
	v14, v59, _ =	vpop (xrf1);
	(xrf1) =	vsort.dscd.msk.f32 $0xffff, v12, v36;
	v12 =	vld [tilespmem:s24+$0xFFFFFF80]  }
0x304: {  	s1 =	sand.u32 $0x1C00, s14;
	s0 =	sand.u32 $0x7F, s12;
	v24 =	vsel vm1, v27, v22;
	v15 =	vmul.f32 v15, v9;
	v60 =	vmul.f32 $1.442695020e+00, v14;
	(xrf1) =	vsort.dscd.msk.f32 $0xffff, v16, v4  }
0x305: {  	s0 =	sor.u32 s0, s1;
	v16 =	vmul.f32 v28, v8;
	(xrf1) =	vsort.dscd.msk.f32 $0xffff, v18, v21;
	v18 =	vmul.f32 v19, v7  }
0x306: {  	v22 =	vor.u32 s0, v1;
	v27, v28, _ =	vpop (xrf1);
	v19 =	vperm.xlane v63, v5;
	(erf) = vpow2.f32 v60;
	(xrf1) =	vsort.dscd.msk.f32 $0xffff, v11, v3  }
0x307: {  	v21 =	vpop (erf);
	v11 =	vmul.f32 $1.442695020e+00, v27;
	v31 =	vmul.f32 v31, v10;
	(xrf1) =	vsort.dscd.msk.f32 $0xffff, v16, v0  }
0x308: {  	[tilespmem:v17+s16+$0x0] =	vst.idx.msk $0xff, v62;
	v62, v61, _ =	vpop (xrf1);
	v12 =	vmul.f32 v12, v10;
	(xrf1) =	vsort.dscd.msk.f32 $0xffff, v18, v4  }
0x309: {  	vm2 =	vge.f32 v54, v30;
	vm1 =	vge.f32 v20, v19;
	(erf) = vpow2.f32 v11;
	v16, _, _ =	vpop (xrf0);
	(xrf1) =	vsort.dscd.msk.f32 $0xffff, v31, v3  }
0x30a: {  	s22 =	sand.u32 $0x400, s21;
	s23 =	sand.u32 $0x7F, s21;
	v18 =	vperm.xlane v50, v5;
	v48, v63, _ =	vpop (xrf1);
	(xrf1) =	vsort.dscd.msk.f32 $0xffff, v12, v3;
	v12 =	vsel vm1, v25, v34  }
0x30b: {  	s0 =	sor.u32 s22, s23;
	[tilespmem:v22+s16+$0x0] =	vst.idx.msk $0xff, v59;
	v11 =	vsel vm1, v20, v19;
	v19 =	vperm.xlane v51, v5;
	v31, v49, _ =	vpop (xrf1)  }
0x30c: {  	s0 =	sor.u32 $0x1000, s0;
	v20 =	vnsel vm0, $0x0, v21;
	v25 =	vperm.xlane v58, v5;
	vm1 =	vge.f32 v29, v18;
	(xrf1) =	vsort.dscd.msk.f32 $0xffff, v11, v12;
	v50, v51, _ =	vpop (xrf1)  }
0x30d: {  	v19 =	vsel vm2, v55, v19;
	v18 =	vsel vm1, v29, v18;
	v11 =	vor.u32 s0, v1;
	(xrf1) =	vsort.dscd.msk.f32 $0xffff, v23, v4;
	v12, v53, _ =	vpop (xrf1)  }
0x30e: {  	(xrf2) =	vadd.scan.msk.f32 $0xffff, v20;
	s0 =	simm.s32 $0x6A0;
	v23 =	vsel vm2, v54, v30;
	v54 =	vperm.xlane v57, v5;
	vm2 =	vge.f32 v62, v25;
	v29, v30, _ =	vpop (xrf1)  }
0x30f: {  	v58 =	vld [tilespmem:s0+$0xFFFFFFE0];
	(xrf1) =	vsort.dscd.msk.f32 $0xffff, v26, v24;
	v26 =	vperm.xlane v56, v5;
	v12 =	vperm.xlane v12, v5;
	v24 =	vpop (erf)  }
0x310: {  	v27 =	vsel vm0, $0xBF800000, v27;
	v25 =	vsel vm2, v62, v25;
	v21 =	vsel vm2, v61, v54;
	(xrf1) =	vsort.dscd.msk.f32 $0xffff, v23, v19;
	v55, v56, _ =	vpop (xrf1)  }
0x311: {  	(xrf0) =	vmax.scan.msk.f32 $0xffff, v27;
	v62 =	vld [tilespmem:s0+$0xFFFFFFF0];
	v23 =	vperm.xlane v53, v5;
	v26 =	vsel vm1, v52, v26;
	vm2 =	vge.f32 v48, v12;
	v19, v57, _ =	vpop (xrf1)  }
0x312: {  	v59 =	vperm.xlane v49, v5;
	v61 =	vld [tilespmem:s0+$0xFFFFFF90];
	(xrf1) =	vsort.dscd.msk.f32 $0xffff, v18, v26;
	v35 =	vsel vm2, v48, v12;
	v18 =	vpop (erf)  }
0x313: {  	v12 =	vperm.xlane v31, v5;
	v31 =	vsel vm2, v63, v23;
	(xrf1) =	vsort.dscd.msk.f32 $0xffff, v25, v21;
	v25 =	vnsel vm0, $0x0, v24;
	v33, v37, _ =	vpop (xrf1)  }
0x314: {  	[tilespmem:v11+s16+$0x0] =	vst.idx.msk $0xff, v28;
	v24 =	vperm.xlane v55, v5;
	v36 =	vmul.f32 v58, v8;
	v23 =	vnsel vm0, $0x0, v18;
	v21, v60, _ =	vpop (xrf1)  }
0x315: {  	v19 =	vperm.xlane v19, v5;
	v18 =	vperm.xlane v57, v5;
	vm1 =	vge.f32 v50, v12;
	(xrf2) =	vadd.scan.msk.f32 $0xffff, v23;
	v28, v26, _ =	vpop (xrf1)  }
0x316: {  	v54 =	vld [tilespmem:s0+$0xFFFFFF60];
	v44 =	vmul.f32 v62, v9;
	v12 =	vsel vm1, v50, v12;
	v53 =	vsel vm1, v51, v59;
	(xrf2) =	vadd.scan.msk.f32 $0xffff, v25;
	v52, v63, _ =	vpop (xrf1)  }
0x317: {  	v57 =	vld [tilespmem:s0+$0x80];
	v43 =	vmul.f32 v61, v7;
	v33 =	vperm.xlane v33, v5;
	(xrf1) =	vsort.dscd.msk.f32 $0xffff, v12, v53;
	v40, v41, _ =	vpop (xrf1)  }
0x318: {  	v62 =	vld [tilespmem:s0+$0x60];
	v37 =	vperm.xlane v37, v5;
	vm1 =	vge.f32 v29, v19;
	(xrf1) =	vsort.dscd.msk.f32 $0xffff, v36, v0;
	v34, v39, _ =	vpop (xrf1)  }
0x319: {  	s25 =	simm.s32 $0x204;
	s24 =	simm.s32 $0x1020;
	v14 =	vsel vm0, $0xBF800000, v14;
	v29 =	vsel vm1, v29, v19;
	v19 =	vperm.xlane v56, v5;
	(xrf1) =	vsort.dscd.msk.f32 $0xffff, v15, v2;
	v15, _, _ =	vpop (xrf2)  }
0x31a: {  	s2 =	sand.u32 $0x7F, s25;
	s1 =	sand.u32 $0x1C00, s24;
	v55 =	vmul.f32 $1.442695020e+00, v21;
	v59 =	vld [tilespmem:s0+$0x70];
	v30 =	vsel vm1, v30, v18;
	vm2 =	vge.f32 v52, v24;
	v48, v49, _ =	vpop (xrf1)  }
0x31b: {  	s1 =	sor.u32 s2, s1;
	v21 =	vsel vm0, $0xBF800000, v21;
	v18 =	vmul.f32 v54, v8;
	v27 =	vsel vm2, v52, v24;
	(xrf1) =	vsort.dscd.msk.f32 $0xffff, v13, v0;
	v24, v50, _ =	vpop (xrf1)  }
0x31c: {  	s26 =	simm.s32 $0x3;
	s21 =	simm.s32 $0x205;
	s22 =	simm.s32 $0x1028;
	v12 =	vor.u32 s1, v1;
	(erf) = vpow2.f32 v55;
	v15 =	vbroadcast v15, $0xF;
	(xrf1) =	vsort.dscd.msk.f32 $0xffff, v44, v2;
	v44, _, _ =	vpop (xrf0)  }
0x31d: {  	s23 =	simm.s32 $0x18;
	s12 =	sand.u32 $0x1C00, s22;
	s2 =	sand.u32 $0x7F, s21;
	(xrf0) =	vmax.scan.msk.f32 $0xffff, v14;
	v56 =	vld [tilespmem:s0+$0xFFFFFF70];
	v32 =	vsel vm2, v63, v19;
	v51 =	vmul.f32 v57, v10;
	v45 =	vmul.f32 v62, v8;
	v19, v58, _ =	vpop (xrf1)  }
0x31e: {  	s24 =	sand.u32 $0x400, s23;
	s2 =	sor.u32 s2, s12;
	s1 =	sand.u32 $0x7F, s26;
	v63 =	vld [tilespmem:s0+$0x10];
	v40 =	vperm.xlane v40, v5;
	(erf) = vrcp.f32 v15;
	v46, v52, _ =	vpop (xrf1)  }
0x31f: {  	s1 =	sor.u32 s24, s1;
	v13 =	vor.u32 s2, v1;
	vm2 =	vge.f32 v34, v33;
	v14 =	vmul.f32 v59, v9;
	(xrf1) =	vsort.dscd.msk.f32 $0xffff, v35, v31;
	v31, v35, _ =	vpop (xrf1)  }
0x320: {  	s1 =	sor.u32 $0x1000, s1;
	v37 =	vsel vm2, v39, v37;
	(xrf0) =	vmax.scan.msk.f32 $0xffff, v21;
	v33 =	vsel vm2, v34, v33;
	vm3 =	vge.f32 v28, v40;
	v61, _, _ =	vpop (xrf2)  }
0x321: {  	[tilespmem:v12+s16+$0x0] =	vst.idx.msk $0xff, v60;
	v24 =	vperm.xlane v24, v5;
	v15 =	vor.u32 s1, v1;
	v42 =	vperm.xlane v19, v5;
	v39, v21, _ =	vpop (xrf1)  }
0x322: {  	v60 =	vld [tilespmem:s0+$0x90];
	v28 =	vsel vm3, v28, v40;
	v19 =	vmul.f32 v56, v9;
	(xrf1) =	vsort.dscd.msk.f32 $0xffff, v14, v2;
	v14 =	vbroadcast v61, $0xF;
	v62, _, _ =	vpop (xrf2)  }
0x323: {  	v36 =	vperm.xlane v58, v5;
	vm1 =	vge.f32 v46, v24;
	v47 =	vmul.f32 v63, v7;
	v61, _, _ =	vpop (xrf0)  }
0x324: {  	v38 =	vld [tilespmem:s0+$0x0];
	(xrf1) =	vsort.dscd.msk.f32 $0xffff, v33, v37;
	v55 =	vperm.xlane v31, v5;
	v24 =	vsel vm1, v46, v24;
	v31, v56, _ =	vpop (xrf1);
	v63 =	vbroadcast v62, $0xF  }
0x325: {  	v57 =	vld [tilespmem:s0+$0xFFFFFF80];
	vm2 =	vge.f32 v48, v42;
	v37 =	vpop (erf);
	v58 =	vmul.f32 $1.442695020e+00, v39;
	(xrf1) =	vsort.dscd.msk.f32 $0xffff, v47, v4;
	(erf) = vrcp.f32 v14  }
0x326: {  	v35 =	vperm.xlane v35, v5;
	v42 =	vsel vm2, v48, v42;
	(erf) = vrcp.f32 v63;
	v14, _, _ =	vpop (xrf0)  }
0x327: {  	v53 =	vmul.f32 v60, v7;
	[tilespmem:v13+s16+$0x0] =	vst.idx.msk $0xff, v21;
	(xrf1) =	vsort.dscd.msk.f32 $0xffff, v29, v30;
	(erf) = vpow2.f32 v58;
	v21 =	vpop (erf)  }
0x328: {  	v29 =	vperm.xlane v41, v5;
	(xrf1) =	vsort.dscd.msk.f32 $0xffff, v51, v3;
	v60, v59, _ =	vpop (xrf1);
	v20 =	vmul.f32 v21, v20  }
0x329: {  	v62 =	vmul.f32 v38, v10;
	v63 =	vsel vm2, v49, v36;
	(xrf1) =	vsort.dscd.msk.f32 $0xffff, v45, v0;
	v36, v49, _ =	vpop (xrf1)  }
0x32a: {  	[tilespmem:v15+s16+$0x0] =	vst.idx.msk $0xff, v56;
	v56 =	vmul.f32 v57, v10;
	v51 =	vmul.f32 $1.442695020e+00, v31;
	(xrf1) =	vsort.dscd.msk.f32 $0xffff, v53, v4;
	v38, v34, _ =	vpop (xrf1)  }
0x32b: {  	v57 =	vbroadcast v16, $0xF;
	v16 =	vsel vm3, v26, v29;
	v21 =	vsel vm0, $0xBF800000, v31;
	(xrf1) =	vsort.dscd.msk.f32 $0xffff, v62, v3;
	v31, v30, _ =	vpop (xrf1)  }
0x32c: {  	(erf) = vpow2.f32 v51;
	vm2 =	vge.f32 v60, v55;
	[tilespmem:v17+s17+$0x0] =	vst.idx.msk $0xff, v20;
	(xrf1) =	vsort.dscd.msk.f32 $0xffff, v56, v3;
	v20, v58, _ =	vpop (xrf1)  }
0x32d: {  	v35 =	vsel vm2, v59, v35;
	(xrf1) =	vsort.dscd.msk.f32 $0xffff, v28, v16;
	[tilespmem:v17+s18+$0x0] =	vst.idx.msk $0xff, v57;
	v33, v29, _ =	vpop (xrf1)  }
0x32e: {  	s28 =	simm.s32 $0x6;
	s29 =	simm.s32 $0x30;
	s30 =	simm.s32 $0xF;
	v16 =	vnsel vm0, $0x0, v37;
	v28 =	vperm.xlane v50, v5;
	(xrf1) =	vsort.dscd.msk.f32 $0xffff, v43, v4;
	v17 =	vperm.xlane v20, v5;
	v26 =	vpop (erf)  }
0x32f: {  	s31 =	simm.s32 $0x78;
	s25 =	simm.s32 $0x1038;
	s12 =	simm.s32 $0x207;
	v41 =	vsel vm2, v60, v55;
	(xrf2) =	vadd.scan.msk.f32 $0xffff, v16;
	v59 =	vperm.xlane v58, v5;
	v60 =	vmul.f32 v26, v23;
	v23 =	vpop (erf)  }
0x330: {  	s22 =	simm.s32 $0x60;
	s21 =	simm.s32 $0xC;
	s14 =	sand.u32 $0x7F, s12;
	v61 =	vbroadcast v61, $0xF;
	(xrf1) =	vsort.dscd.msk.f32 $0xffff, v27, v32;
	vm2 =	vge.f32 v36, v17;
	v27 =	vpop (erf);
	v62 =	vmul.f32 v23, v25  }
0x331: {  	s26 =	simm.s32 $0x1050;
	s24 =	simm.s32 $0x9;
	s2 =	simm.s32 $0x1068;
	v28 =	vsel vm1, v52, v28;
	v23 =	vbroadcast v44, $0xF;
	v25 =	vsel vm2, v36, v17;
	v32, v36, _ =	vpop (xrf1);
	[tilespmem:v11+s17+$0x0] =	vst.idx.msk $0xff, v60  }
0x332: {  	s26 =	sand.u32 $0x1C00, s26;
	s23 =	sand.u32 $0x1C00, s2;
	s0 =	sand.u32 $0x1C00, s25;
	v26 =	vsel vm2, v49, v59;
	v17 =	vnsel vm0, $0x0, v27;
	(xrf1) =	vsort.dscd.msk.f32 $0xffff, v42, v63;
	v27, v63, _ =	vpop (xrf1);
	[tilespmem:v22+s17+$0x0] =	vst.idx.msk $0xff, v62  }
0x333: {  	s2 =	simm.s32 $0x820;
	s25 =	simm.s32 $0x48;
	s0 =	sor.u32 s14, s0;
	v20 =	vsel vm0, $0xBF800000, v39;
	v40, v39, _ =	vpop (xrf1);
	v42 =	vperm.xlane v27, v5;
	v37 =	vperm.xlane v63, v5;
	[tilespmem:v22+s18+$0x0] =	vst.idx.msk $0xff, v61  }
.LBB2_6:
0x334: {  	s12 =	sadd.s32 $0x1008, s31;
	p0 =	slt.u32 s30, $0xFC;
	v38 =	vperm.xlane v38, v5;
	v27 =	vor.u32 s0, v1;
	s1 =	smov.u32 s30  }
0x335: {  	v43 =	vld [tilespmem:s2+$0xFFFFFF90];
	(xrf1) =	vsort.dscd.msk.f32 $0xffff, v24, v28;
	v24 =	vpop (erf);
	[tilespmem:v11+s18+$0x0] =	vst.idx.msk $0xff, v23;
	v22 =	vmov v13;
	v11 =	vmov v15;
	s30 =	sadd.s32 $0x3, s30;
	s0 =	smov.u32 s26;
	s26 =	smov.u32 s23  }
0x336: {  	v15 =	vperm.xlane v34, v5;
	v13 =	vld [tilespmem:s2+$0xFFFFFFE0];
	s23 =	sand.u32 $0x1C00, s12;
	vm1 =	vge.f32 v33, v42;
	(xrf1) =	vsort.dscd.msk.f32 $0xffff, v41, v35;
	v34, v41, _ =	vpop (xrf1);
	v23 =	vnsel vm0, $0x0, v24  }
0x337: {  	v28 =	vperm.xlane v32, v5;
	v24 =	vld [tilespmem:s2+$0xFFFFFFF0];
	v35, v32, _ =	vpop (xrf1);
	vm2 =	vge.f32 v31, v38;
	v33 =	vsel vm1, v33, v42  }
0x338: {  	v29 =	vsel vm1, v29, v37;
	v42 =	vld [tilespmem:s2+$0xFFFFFF60];
	v44, v45, _ =	vpop (xrf1);
	v31 =	vsel vm2, v31, v38;
	v15 =	vsel vm2, v30, v15;
	(xrf2) =	vadd.scan.msk.f32 $0xffff, v23  }
0x339: {  	v36 =	vperm.xlane v36, v5;
	v30 =	vld [tilespmem:s2+$0x80];
	vm1 =	vge.f32 v44, v28;
	v38, v46, _ =	vpop (xrf1);
	(xrf1) =	vsort.dscd.msk.f32 $0xffff, v31, v15;
	v15 =	vmul.f32 $1.442695020e+00, v34  }
0x33a: {  	v34 =	vsel vm0, $0xBF800000, v34;
	v31 =	vld [tilespmem:s2+$0xFFFFFF70];
	v37 =	vmul.f32 v43, v7;
	v28 =	vsel vm1, v44, v28;
	v43, v44, _ =	vpop (xrf1);
	(xrf0) =	vmax.scan.msk.f32 $0xffff, v21  }
0x33b: {  	v47 =	vperm.xlane v40, v5;
	v36 =	vsel vm1, v45, v36;
	v52 =	vmul.f32 v13, v8;
	v21 =	vld [tilespmem:s2+$0x60];
	v45, v48, _ =	vpop (xrf1);
	(xrf2) =	vadd.scan.msk.f32 $0xffff, v17  }
0x33c: {  	s14 =	sadd.s32 $0x1010, s29;
	s12 =	sadd.s32 $0x202, s28;
	v24 =	vmul.f32 v24, v9;
	v49 =	vld [tilespmem:s2+$0x0];
	v50, v40, _ =	vpop (xrf1);
	[tilespmem:v27+s16+$0x0] =	vst.idx.msk $0xff, v41  }
0x33d: {  	s14 =	sand.u32 $0x1C00, s14;
	s12 =	sand.u32 $0x7F, s12;
	v41 =	vmul.f32 v42, v8;
	v42 =	vld [tilespmem:s2+$0x70];
	(xrf1) =	vsort.dscd.msk.f32 $0xffff, v52, v0;
	v13, v51, _ =	vpop (xrf1);
	(erf) = vpow2.f32 v15  }
0x33e: {  	s12 =	sor.u32 s12, s14;
	v15 =	vperm.xlane v39, v5;
	v52 =	vld [tilespmem:s2+$0xFFFFFF80];
	v53 =	vperm.xlane v13, v5;
	(xrf1) =	vsort.dscd.msk.f32 $0xffff, v19, v2;
	v54, _, _ =	vpop (xrf2)  }
0x33f: {  	s14 =	sand.u32 $0x400, s29;
	s29 =	sand.u32 $0x7F, s28;
	s28 =	smov.u32 s24;
	v13 =	vor.u32 s12, v1;
	v19 =	vmul.f32 v31, v9;
	v31 =	vld [tilespmem:s2+$0x90];
	(xrf1) =	vsort.dscd.msk.f32 $0xffff, v18, v0;
	v55, v39, _ =	vpop (xrf1);
	v54 =	vbroadcast v54, $0xF  }
0x340: {  	s24 =	smov.u32 s21;
	s21 =	smov.u32 s1;
	v51 =	vperm.xlane v51, v5;
	s12 =	sor.u32 s14, s29;
	v18 =	vmov v41;
	v56 =	vld [tilespmem:s2+$0x10];
	(xrf1) =	vsort.dscd.msk.f32 $0xffff, v24, v2;
	v24 =	vperm.xlane v50, v5;
	v50, _, _ =	vpop (xrf0)  }
0x341: {  	vm2 =	vge.f32 v43, v47;
	v30 =	vmul.f32 v30, v10;
	s29 =	smov.u32 s25;
	s25 =	smov.u32 s22;
	s1 =	sor.u32 $0x1000, s12;
	(xrf1) =	vsort.dscd.msk.f32 $0xffff, v25, v26;
	v25, v26, _ =	vpop (xrf1);
	(erf) = vrcp.f32 v54  }
0x342: {  	s22 =	smov.u32 s31;
	v41 =	vmul.f32 v42, v9;
	v42 =	vsel vm2, v44, v15;
	v15 =	vor.u32 s1, v1;
	v44, _, _ =	vpop (xrf2);
	(xrf0) =	vmax.scan.msk.f32 $0xffff, v20  }
0x343: {  	v54 =	vmul.f32 v21, v8;
	v25 =	vperm.xlane v25, v5;
	vm1 =	vge.f32 v55, v24;
	(xrf0) =	vmax.scan.msk.f32 $0xffff, v34;
	v20, v21, _ =	vpop (xrf1)  }
0x344: {  	v24 =	vsel vm1, v55, v24;
	v44 =	vbroadcast v44, $0xF;
	v31 =	vmul.f32 v31, v7;
	[tilespmem:v13+s16+$0x0] =	vst.idx.msk $0xff, v21;
	v21, v34, _ =	vpop (xrf1)  }
0x345: {  	v55 =	vmul.f32 v56, v7;
	(xrf1) =	vsort.dscd.msk.f32 $0xffff, v41, v2;
	v41 =	vsel vm2, v43, v47;
	v43 =	vmul.f32 $1.442695020e+00, v20;
	v47, _, _ =	vpop (xrf2)  }
0x346: {  	vm2 =	vge.f32 v45, v53;
	v56 =	vperm.xlane v38, v5;
	(xrf1) =	vsort.dscd.msk.f32 $0xffff, v41, v42;
	v38 =	vpop (erf);
	v41 =	vbroadcast v47, $0xF  }
0x347: {  	v42 =	vsel vm2, v45, v53;
	v53 =	vmul.f32 $1.442695020e+00, v21;
	(xrf1) =	vsort.dscd.msk.f32 $0xffff, v55, v4;
	v45, v47, _ =	vpop (xrf1);
	(erf) = vrcp.f32 v44  }
0x348: {  	v21 =	vsel vm0, $0xBF800000, v21;
	v44 =	vmul.f32 v49, v10;
	[tilespmem:v15+s16+$0x0] =	vst.idx.msk $0xff, v34;
	v49, _, _ =	vpop (xrf0);
	(erf) = vrcp.f32 v41  }
0x349: {  	v48 =	vsel vm2, v48, v51;
	(xrf1) =	vsort.dscd.msk.f32 $0xffff, v33, v29;
	v29 =	vnsel vm0, $0x0, v38;
	v33, _, _ =	vpop (xrf0);
	(erf) = vpow2.f32 v43  }
0x34a: {  	v20 =	vsel vm0, $0xBF800000, v20;
	v41 =	vperm.xlane v46, v5;
	vm2 =	vge.f32 v45, v25;
	(xrf1) =	vsort.dscd.msk.f32 $0xffff, v30, v3;
	v30 =	vpop (erf)  }
0x34b: {  	v26 =	vperm.xlane v26, v5;
	v43, v46, _ =	vpop (xrf1);
	(xrf1) =	vsort.dscd.msk.f32 $0xffff, v54, v0;
	v54 =	vmul.f32 v30, v16;
	v16 =	vmov v29  }
0x34c: {  	v55 =	vmul.f32 v52, v10;
	vm3 =	vge.f32 v35, v56;
	v52 =	vbroadcast v14, $0xF;
	(xrf1) =	vsort.dscd.msk.f32 $0xffff, v31, v4;
	v38, v34, _ =	vpop (xrf1)  }
0x34d: {  	(xrf1) =	vsort.dscd.msk.f32 $0xffff, v44, v3;
	v44 =	vsel vm3, v35, v56;
	v31, v30, _ =	vpop (xrf1);
	(erf) = vpow2.f32 v53;
	[tilespmem:v12+s17+$0x0] =	vst.idx.msk $0xff, v54  }
0x34e: {  	v32 =	vsel vm3, v32, v41;
	v14 =	vmov v33;
	v35 =	vsel vm2, v47, v26;
	(xrf1) =	vsort.dscd.msk.f32 $0xffff, v55, v3;
	v51, v53, _ =	vpop (xrf1)  }
0x34f: {  	v41 =	vsel vm2, v45, v25;
	v33, v29, _ =	vpop (xrf1);
	(xrf1) =	vsort.dscd.msk.f32 $0xffff, v44, v32;
	[tilespmem:v12+s18+$0x0] =	vst.idx.msk $0xff, v52;
	v44 =	vbroadcast v49, $0xF  }
0x350: {  	v25 =	vperm.xlane v51, v5;
	v12 =	vmov v27;
	(xrf1) =	vsort.dscd.msk.f32 $0xffff, v37, v4;
	v37 =	vperm.xlane v40, v5;
	v26 =	vpop (erf)  }
.Ltmp2:
0x351: {  	v47 =	vperm.xlane v53, v5;
	v40 =	vmul.f32 v26, v23;
	v26 =	vpop (erf);
	(pc) =	sbr.rel @p0 .LBB2_6-.Ltmp2, $4  }
0x352: {  	vm2 =	vge.f32 v43, v25;
	v23 =	vbroadcast v50, $0xF;
	(xrf1) =	vsort.dscd.msk.f32 $0xffff, v28, v36;
	v28 =	vpop (erf);
	v45 =	vmul.f32 v26, v17  }
0x353: {  	s1 =	sadd.s32 $0x201, s28;
	v25 =	vsel vm2, v43, v25;
	v26 =	vsel vm2, v46, v47;
	v32, v36, _ =	vpop (xrf1);
	v17 =	vnsel vm0, $0x0, v28;
	[tilespmem:v11+s17+$0x0] =	vst.idx.msk $0xff, v40  }
0x354: {  	s1 =	sand.u32 $0x7F, s1;
	v28 =	vsel vm1, v39, v37;
	(xrf1) =	vsort.dscd.msk.f32 $0xffff, v42, v48;
	v27, v43, _ =	vpop (xrf1);
	[tilespmem:v22+s17+$0x0] =	vst.idx.msk $0xff, v45  }
0x355: {  	s31 =	sadd.s32 $0x18, s31;
	s2 =	sadd.s32 $0x180, s2;
	s0 =	sor.u32 s1, s0;
	v40, v39, _ =	vpop (xrf1);
	v42 =	vperm.xlane v27, v5;
	v37 =	vperm.xlane v43, v5;
	(xrf2) =	vadd.scan.msk.f32 $0xffff, v16;
	[tilespmem:v22+s18+$0x0] =	vst.idx.msk $0xff, v44  }
0x356: {  	(xrf1) =	vsort.dscd.msk.f32 $0xffff, v24, v28;
	v22 =	vpop (erf)  }
0x357: {  	(xrf1) =	vsort.dscd.msk.f32 $0xffff, v41, v35;
	v22 =	vnsel vm0, $0x0, v22  }
0x358: {  	v27, v28, _ =	vpop (xrf1);
	(xrf2) =	vadd.scan.msk.f32 $0xffff, v22  }
0x359: {  	v35, v41, _ =	vpop (xrf1);
	(xrf2) =	vadd.scan.msk.f32 $0xffff, v17  }
0x35a: {  	v24 =	vperm.xlane v38, v5;
	v43, v44, _ =	vpop (xrf1)  }
0x35b: {  	v34 =	vperm.xlane v34, v5;
	v60, v45, _ =	vpop (xrf1)  }
0x35c: {  	vm1 =	vge.f32 v31, v24;
	v46, v47, _ =	vpop (xrf1)  }
0x35d: {  	v24 =	vsel vm1, v31, v24;
	v30 =	vsel vm1, v30, v34;
	v48, v49, _ =	vpop (xrf1)  }
0x35e: {  	(xrf1) =	vsort.dscd.msk.f32 $0xffff, v24, v30;
	v30 =	vmul.f32 $1.442695020e+00, v27;
	v61, v50, _ =	vpop (xrf1)  }
0x35f: {  	v32 =	vperm.xlane v32, v5;
	v51, v52, _ =	vpop (xrf1)  }
0x360: {  	v36 =	vperm.xlane v36, v5;
	v40 =	vperm.xlane v40, v5;
	v24, _, _ =	vpop (xrf2)  }
0x361: {  	v39 =	vperm.xlane v39, v5;
	vm1 =	vge.f32 v33, v42;
	v53, v54, _ =	vpop (xrf1);
	v24 =	vbroadcast v24, $0xF  }
0x362: {  	v33 =	vsel vm1, v33, v42;
	v37 =	vsel vm1, v29, v37;
	(xrf1) =	vsort.dscd.msk.f32 $0xffff, v19, v2;
	(erf) = vpow2.f32 v30;
	v30, _, _ =	vpop (xrf2)  }
0x363: {  	v38 =	vperm.xlane v60, v5;
	vm2 =	vge.f32 v46, v40;
	v62 =	vbroadcast v30, $0xF;
	v30, _, _ =	vpop (xrf2)  }
0x364: {  	(xrf1) =	vsort.dscd.msk.f32 $0xffff, v18, v0;
	v18 =	vsel vm2, v47, v39;
	v55, v56, _ =	vpop (xrf1);
	(erf) = vrcp.f32 v24;
	v57 =	vbroadcast v30, $0xF  }
0x365: {  	(xrf1) =	vsort.dscd.msk.f32 $0xffff, v25, v26;
	v25 =	vsel vm2, v46, v40;
	v26 =	vperm.xlane v45, v5;
	v24, v31, _ =	vpop (xrf1);
	(erf) = vrcp.f32 v62  }
0x366: {  	vm2 =	vge.f32 v35, v38;
	v29, v30, _ =	vpop (xrf1);
	v63 =	vmul.f32 $1.442695020e+00, v24;
	(erf) = vrcp.f32 v57  }
0x367: {  	vm1 =	vge.f32 v43, v32;
	(xrf1) =	vsort.dscd.msk.f32 $0xffff, v25, v18;
	v18 =	vsel vm2, v35, v38;
	v19 =	vmul.f32 $1.442695020e+00, v29  }
0x368: {  	v25 =	vsel vm2, v41, v26;
	v45 =	vperm.xlane v52, v5;
	(erf) = vpow2.f32 v63  }
0x369: {  	(xrf1) =	vsort.dscd.msk.f32 $0xffff, v33, v37;
	v26 =	vsel vm1, v43, v32;
	(erf) = vpow2.f32 v19;
	v19 =	vperm.xlane v51, v5  }
0x36a: {  	(xrf1) =	vsort.dscd.msk.f32 $0xffff, v18, v25;
	v18 =	vsel vm1, v44, v36;
	v25 =	vperm.xlane v61, v5  }
0x36b: {  	(xrf1) =	vsort.dscd.msk.f32 $0xffff, v26, v18;
	v26 =	vperm.xlane v50, v5;
	v46 =	vpop (erf);
	vm1 =	vge.f32 v48, v19  }
0x36c: {  	v51, v47, _ =	vpop (xrf1);
	v19 =	vsel vm1, v48, v19;
	v32 =	vsel vm1, v49, v45;
	vm1 =	vge.f32 v53, v25  }
0x36d: {  	v42 =	vpop (erf);
	v26 =	vsel vm1, v54, v26  }
0x36e: {  	v37 =	vpop (erf)  }
0x36f: {  	v18 =	vperm.xlane v55, v5;
	(xrf1) =	vsort.dscd.msk.f32 $0xffff, v19, v32;
	v25 =	vsel vm1, v53, v25;
	v36 =	vpop (erf)  }
0x370: {  	v52 =	vperm.xlane v56, v5;
	v19 =	vnsel vm0, $0x0, v46;
	(xrf1) =	vsort.dscd.msk.f32 $0xffff, v25, v26;
	v26, v56, _ =	vpop (xrf1)  }
0x371: {  	vm2 =	vge.f32 v51, v18;
	(xrf2) =	vadd.scan.msk.f32 $0xffff, v19;
	v55 =	vpop (erf)  }
0x372: {  	v18 =	vsel vm2, v51, v18;
	v32 =	vsel vm2, v47, v52;
	v25 =	vpop (erf)  }
0x373: {  	(xrf1) =	vsort.dscd.msk.f32 $0xffff, v18, v32;
	v26 =	vperm.xlane v26, v5;
	v25 =	vnsel vm0, $0x0, v25  }
0x374: {  	v58, v57, _ =	vpop (xrf1);
	v32 =	vperm.xlane v56, v5;
	v18 =	vnsel vm0, $0x0, v55;
	(xrf2) =	vadd.scan.msk.f32 $0xffff, v25  }
0x375: {  	vm1 =	vge.f32 v58, v26;
	(xrf2) =	vadd.scan.msk.f32 $0xffff, v18  }
0x376: {  	v32 =	vsel vm1, v57, v32  }
0x377: {  	v40, v41, _ =	vpop (xrf1);
	v26 =	vsel vm1, v58, v26  }
0x378: {  	v59, v44, _ =	vpop (xrf1)  }
0x379: {  	v35, v38, _ =	vpop (xrf1)  }
0x37a: {  	(xrf1) =	vsort.dscd.msk.f32 $0xffff, v26, v32;
	v26, v32, _ =	vpop (xrf1)  }
0x37b: {  	v60, _, _ =	vpop (xrf2)  }
0x37c: {  	v61 =	vmul.f32 $1.442695020e+00, v35;
	v45, v46, _ =	vpop (xrf1)  }
0x37d: {  	v47, v48, _ =	vpop (xrf1)  }
0x37e: {  	(erf) = vpow2.f32 v61;
	v33 =	vbroadcast v60, $0xF;
	v62, _, _ =	vpop (xrf2)  }
0x37f: {  	v59 =	vperm.xlane v59, v5;
	v63 =	vbroadcast v62, $0xF;
	v55, _, _ =	vpop (xrf2)  }
0x380: {  	(erf) = vrcp.f32 v33;
	v34, v50, _ =	vpop (xrf1);
	v56 =	vbroadcast v55, $0xF  }
0x381: {  	v39, v51, _ =	vpop (xrf1);
	v57 =	vmul.f32 $1.442695020e+00, v34;
	(erf) = vrcp.f32 v63  }
0x382: {  	v58 =	vmul.f32 $1.442695020e+00, v39;
	(erf) = vrcp.f32 v56  }
0x383: {  	(erf) = vpow2.f32 v57  }
0x384: {  	vm1 =	vge.f32 v40, v59;
	(erf) = vpow2.f32 v58  }
0x385: {  	v60 =	vperm.xlane v44, v5;
	v33 =	vsel vm1, v40, v59;
	_ =	sdelay $0x1  }
0x386: {  	v61 =	vsel vm1, v41, v60;
	v62 =	vpop (erf)  }
0x387: {  	(xrf1) =	vsort.dscd.msk.f32 $0xffff, v33, v61;
	v33, v40, _ =	vpop (xrf1)  }
0x388: {  	v63 =	vperm.xlane v26, v5;
	v44 =	vpop (erf)  }
0x389: {  	v32 =	vperm.xlane v32, v5;
	v47 =	vperm.xlane v47, v5;
	v49 =	vpop (erf)  }
0x38a: {  	v52 =	vperm.xlane v48, v5;
	v26 =	vnsel vm0, $0x0, v62;
	vm1 =	vge.f32 v45, v63;
	v48 =	vpop (erf)  }
0x38b: {  	(xrf2) =	vadd.scan.msk.f32 $0xffff, v26;
	v43 =	vsel vm1, v45, v63;
	vm2 =	vge.f32 v33, v47;
	v32 =	vsel vm1, v46, v32;
	v53 =	vpop (erf)  }
0x38c: {  	v40 =	vsel vm2, v40, v52;
	v33 =	vsel vm2, v33, v47;
	(xrf1) =	vsort.dscd.msk.f32 $0xffff, v43, v32;
	v54 =	vpop (erf)  }
0x38d: {  	(xrf1) =	vsort.dscd.msk.f32 $0xffff, v33, v40;
	v33 =	vnsel vm0, $0x0, v54  }
0x38e: {  	v32 =	vnsel vm0, $0x0, v53;
	(xrf2) =	vadd.scan.msk.f32 $0xffff, v33  }
0x38f: {  	(xrf2) =	vadd.scan.msk.f32 $0xffff, v32;
	_ =	sdelay $0x6  }
0x390: {  	v43, v41, _ =	vpop (xrf1)  }
0x391: {  	v55 =	vmul.f32 $1.442695020e+00, v43;
	v56, _, _ =	vpop (xrf2)  }
0x392: {  	v45 =	vbroadcast v56, $0xF;
	v57, _, _ =	vpop (xrf2)  }
0x393: {  	(erf) = vpow2.f32 v55;
	v58 =	vbroadcast v57, $0xF;
	v59, _, _ =	vpop (xrf2)  }
0x394: {  	(xrf0) =	vmax.scan.msk.f32 $0xffff, v21;
	(erf) = vrcp.f32 v45;
	v60, v47, _ =	vpop (xrf1);
	v46 =	vbroadcast v59, $0xF  }
0x395: {  	(xrf0) =	vmax.scan.msk.f32 $0xffff, v20;
	v62, v61, _ =	vpop (xrf1);
	v63 =	vmul.f32 $1.442695020e+00, v60;
	(erf) = vrcp.f32 v58  }
0x396: {  	v21 =	vmul.f32 $1.442695020e+00, v62;
	(erf) = vrcp.f32 v46  }
0x397: {  	s12 =	sand.u32 $0x400, s29;
	s14 =	sand.u32 $0x7F, s28;
	(erf) = vpow2.f32 v63  }
0x398: {  	s12 =	sor.u32 s12, s14;
	(erf) = vpow2.f32 v21  }
0x399: {  	v20 =	vor.u32 s0, v1;
	s14 =	sor.u32 $0x1000, s12  }
0x39a: {  	[tilespmem:v11+s18+$0x0] =	vst.idx.msk $0xff, v23;
	v11, _, _ =	vpop (xrf0);
	v58 =	vor.u32 s14, v1  }
0x39b: {  	v23, _, _ =	vpop (xrf0)  }
0x39c: {  	v57 =	vpop (erf)  }
0x39d: {  	v59 =	vpop (erf)  }
0x39e: {  	[tilespmem:v20+s16+$0x0] =	vst.idx.msk $0xff, v28;
	v16 =	vmul.f32 v42, v16;
	v28 =	vpop (erf)  }
0x39f: {  	s1 =	sadd.s32 $0x1010, s29;
	s2 =	sadd.s32 $0x202, s28;
	v14 =	vbroadcast v14, $0xF;
	v27 =	vsel vm0, $0xBF800000, v27;
	[tilespmem:v58+s16+$0x0] =	vst.idx.msk $0xff, v30;
	v30 =	vpop (erf)  }
0x3a0: {  	s1 =	sand.u32 $0x1C00, s1;
	s2 =	sand.u32 $0x7F, s2;
	(xrf0) =	vmax.scan.msk.f32 $0xffff, v27;
	v27 =	vsel vm0, $0xBF800000, v29;
	[tilespmem:v12+s17+$0x0] =	vst.idx.msk $0xff, v16;
	v16 =	vnsel vm0, $0x0, v57;
	v29 =	vpop (erf)  }
0x3a1: {  	s2 =	sor.u32 s2, s1;
	s1 =	sadd.s32 $0x201, s24;
	[tilespmem:v12+s18+$0x0] =	vst.idx.msk $0xff, v14;
	v14 =	vmul.f32 v37, v22;
	(xrf2) =	vadd.scan.msk.f32 $0xffff, v16;
	v22 =	vpop (erf)  }
0x3a2: {  	s0 =	sand.u32 $0x7F, s1;
	v22 =	vnsel vm0, $0x0, v22  }
0x3a3: {  	s0 =	sor.u32 s0, s26;
	v11 =	vbroadcast v11, $0xF;
	v24 =	vsel vm0, $0xBF800000, v24;
	(xrf2) =	vadd.scan.msk.f32 $0xffff, v22  }
0x3a4: {  	(xrf0) =	vmax.scan.msk.f32 $0xffff, v27;
	v12 =	vbroadcast v23, $0xF;
	v23 =	vor.u32 s0, v1;
	v17 =	vmul.f32 v36, v17  }
0x3a5: {  	(xrf0) =	vmax.scan.msk.f32 $0xffff, v24;
	[tilespmem:v15+s17+$0x0] =	vst.idx.msk $0xff, v14;
	v27 =	vnsel vm0, $0x0, v29  }
0x3a6: {  	[tilespmem:v13+s17+$0x0] =	vst.idx.msk $0xff, v17;
	(xrf2) =	vadd.scan.msk.f32 $0xffff, v27  }
0x3a7: {  	[tilespmem:v15+s18+$0x0] =	vst.idx.msk $0xff, v11  }
0x3a8: {  	v11, _, _ =	vpop (xrf0);
	[tilespmem:v13+s18+$0x0] =	vst.idx.msk $0xff, v12;
	v12 =	vmul.f32 v44, v19  }
0x3a9: {  	s12 =	sadd.s32 $0x202, s24;
	s24 =	sand.u32 $0x7F, s24;
	v11 =	vbroadcast v11, $0xF;
	[tilespmem:v23+s16+$0x0] =	vst.idx.msk $0xff, v38;
	v21 =	vor.u32 s2, v1;
	s2 =	sadd.s32 $0x1010, s25  }
0x3aa: {  	v15, _, _ =	vpop (xrf0);
	[tilespmem:v20+s17+$0x0] =	vst.idx.msk $0xff, v12;
	v12 =	vmul.f32 v49, v25;
	s14 =	sand.u32 $0x400, s25;
	s1 =	sand.u32 $0x1C00, s2;
	s2 =	sand.u32 $0x7F, s12  }
0x3ab: {  	v13 =	vsel vm0, $0xBF800000, v35;
	v15 =	vbroadcast v15, $0xF;
	[tilespmem:v20+s18+$0x0] =	vst.idx.msk $0xff, v11;
	v11 =	vmul.f32 v48, v18;
	s26 =	sor.u32 s14, s24;
	s12 =	sadd.s32 $0x201, s21;
	s25 =	sor.u32 s2, s1;
	v18, _, _ =	vpop (xrf2)  }
0x3ac: {  	(xrf0) =	vmax.scan.msk.f32 $0xffff, v13;
	v19, _, _ =	vpop (xrf0);
	s14 =	sadd.s32 $0x1010, s22;
	s2 =	sor.u32 $0x1000, s26;
	s0 =	sand.u32 $0x7F, s12;
	v14 =	vor.u32 s25, v1;
	[tilespmem:v58+s17+$0x0] =	vst.idx.msk $0xff, v12;
	v18 =	vbroadcast v18, $0xF  }
0x3ad: {  	v13 =	vsel vm0, $0xBF800000, v39;
	v19 =	vbroadcast v19, $0xF;
	s24 =	sadd.s32 $0x202, s21;
	s1 =	sand.u32 $0x1C00, s14;
	v17 =	vor.u32 s2, v1;
	s0 =	sor.u32 s0, s23;
	[tilespmem:v58+s18+$0x0] =	vst.idx.msk $0xff, v15;
	v24, _, _ =	vpop (xrf2)  }
0x3ae: {  	s26 =	sand.u32 $0x7F, s21;
	s2 =	sand.u32 $0x7F, s24;
	s25 =	sand.u32 $0x400, s22;
	v12 =	vor.u32 s0, v1;
	[tilespmem:v21+s16+$0x0] =	vst.idx.msk $0xff, v31;
	(erf) = vrcp.f32 v18;
	v18 =	vbroadcast v24, $0xF  }
0x3af: {  	(xrf0) =	vmax.scan.msk.f32 $0xffff, v13;
	v20 =	vsel vm0, $0xBF800000, v34;
	s2 =	sor.u32 s2, s1;
	s21 =	sor.u32 s25, s26;
	[tilespmem:v21+s17+$0x0] =	vst.idx.msk $0xff, v11  }
0x3b0: {  	(xrf0) =	vmax.scan.msk.f32 $0xffff, v20;
	v15 =	vsel vm0, $0xBF800000, v62;
	s22 =	sor.u32 $0x1000, s21;
	v11 =	vor.u32 s2, v1;
	[tilespmem:v21+s18+$0x0] =	vst.idx.msk $0xff, v19;
	v24, _, _ =	vpop (xrf2)  }
0x3b1: {  	v13 =	vor.u32 s22, v1;
	v19 =	vsel vm0, $0xBF800000, v43;
	[tilespmem:v14+s16+$0x0] =	vst.idx.msk $0xff, v50;
	v20 =	vbroadcast v24, $0xF  }
0x3b2: {  	[tilespmem:v17+s16+$0x0] =	vst.idx.msk $0xff, v51;
	(xrf0) =	vmax.scan.msk.f32 $0xffff, v19;
	v19 =	vmul.f32 v59, v26;
	(erf) = vrcp.f32 v18;
	v18, _, _ =	vpop (xrf0)  }
0x3b3: {  	[tilespmem:v12+s16+$0x0] =	vst.idx.msk $0xff, v41;
	(erf) = vrcp.f32 v20;
	(xrf0) =	vmax.scan.msk.f32 $0xffff, v15;
	v15 =	vbroadcast v18, $0xF  }
0x3b4: {  	[tilespmem:v23+s17+$0x0] =	vst.idx.msk $0xff, v19  }
0x3b5: {  	[tilespmem:v23+s18+$0x0] =	vst.idx.msk $0xff, v15;
	v15 =	vmul.f32 v30, v32  }
0x3b6: {  	v19 =	vmul.f32 v28, v33;
	[tilespmem:v11+s16+$0x0] =	vst.idx.msk $0xff, v47  }
0x3b7: {  	[tilespmem:v13+s16+$0x0] =	vst.idx.msk $0xff, v61;
	v20 =	vsel vm0, $0xBF800000, v60;
	v18, _, _ =	vpop (xrf0)  }
0x3b8: {  	[tilespmem:v17+s17+$0x0] =	vst.idx.msk $0xff, v19;
	(xrf0) =	vmax.scan.msk.f32 $0xffff, v20;
	v21, _, _ =	vpop (xrf0);
	v18 =	vbroadcast v18, $0xF  }
0x3b9: {  	v21 =	vbroadcast v21, $0xF;
	[tilespmem:v14+s17+$0x0] =	vst.idx.msk $0xff, v15;
	v15 =	vpop (erf)  }
0x3ba: {  	v20, _, _ =	vpop (xrf0);
	[tilespmem:v17+s18+$0x0] =	vst.idx.msk $0xff, v18;
	v15 =	vmul.f32 v15, v16  }
0x3bb: {  	[tilespmem:v14+s18+$0x0] =	vst.idx.msk $0xff, v21;
	v16 =	vbroadcast v20, $0xF;
	v17 =	vpop (erf)  }
0x3bc: {  	[tilespmem:v12+s17+$0x0] =	vst.idx.msk $0xff, v15;
	v15 =	vmul.f32 v17, v22;
	v17 =	vpop (erf)  }
0x3bd: {  	v14, _, _ =	vpop (xrf0);
	[tilespmem:v12+s18+$0x0] =	vst.idx.msk $0xff, v16;
	v12 =	vmul.f32 v17, v27  }
0x3be: {  	v18, _, _ =	vpop (xrf0);
	v14 =	vbroadcast v14, $0xF;
	[tilespmem:v13+s17+$0x0] =	vst.idx.msk $0xff, v15  }
0x3bf: {  	v16 =	vbroadcast v18, $0xF;
	[tilespmem:v11+s17+$0x0] =	vst.idx.msk $0xff, v12  }
0x3c0: {  	[tilespmem:v13+s18+$0x0] =	vst.idx.msk $0xff, v14  }
0x3c1: {  	[tilespmem:v11+s18+$0x0] =	vst.idx.msk $0xff, v16  }
0x3c2: {  	v11 =	vld [tilespmem:$0x7F80]  }
0x3c3: {  	v12 =	vld [tilespmem:$0x7F90]  }
0x3c4: {  	v13 =	vld [tilespmem:$0x7FA0]  }
0x3c5: {  	v14 =	vld [tilespmem:$0x7FB0];
	_ =	sdelay $0x1  }
0x3c6: {  	v11 =	vmul.f32 v11, v8  }
0x3c7: {  	v12 =	vmul.f32 v12, v9  }
0x3c8: {  	v13 =	vmul.f32 v13, v10;
	(xrf1) =	vsort.dscd.msk.f32 $0xffff, v11, v0  }
0x3c9: {  	v11 =	vmul.f32 v14, v7;
	(xrf1) =	vsort.dscd.msk.f32 $0xffff, v12, v2  }
0x3ca: {  	(xrf1) =	vsort.dscd.msk.f32 $0xffff, v13, v3  }
0x3cb: {  	(xrf1) =	vsort.dscd.msk.f32 $0xffff, v11, v4;
	_ =	sdelay $0xa  }
0x3cc: {  	v11, v12, _ =	vpop (xrf1)  }
0x3cd: {  	v13, v14, _ =	vpop (xrf1)  }
0x3ce: {  	v15, v16, _ =	vpop (xrf1)  }
0x3cf: {  	v13 =	vperm.xlane v13, v5;
	v17, v18, _ =	vpop (xrf1)  }
0x3d0: {  	v14 =	vperm.xlane v14, v5;
	v17 =	vperm.xlane v17, v5  }
0x3d1: {  	vm1 =	vge.f32 v11, v13;
	v18 =	vperm.xlane v18, v5  }
0x3d2: {  	v11 =	vsel vm1, v11, v13;
	v12 =	vsel vm1, v12, v14;
	vm1 =	vge.f32 v15, v17  }
0x3d3: {  	(xrf1) =	vsort.dscd.msk.f32 $0xffff, v11, v12;
	v13 =	vsel vm1, v15, v17;
	v14 =	vsel vm1, v16, v18  }
0x3d4: {  	(xrf1) =	vsort.dscd.msk.f32 $0xffff, v13, v14;
	_ =	sdelay $0xc  }
0x3d5: {  	v11, v12, _ =	vpop (xrf1)  }
0x3d6: {  	v13, v14, _ =	vpop (xrf1)  }
0x3d7: {  	v13 =	vperm.xlane v13, v5  }
0x3d8: {  	v14 =	vperm.xlane v14, v5  }
0x3d9: {  	vm1 =	vge.f32 v11, v13  }
0x3da: {  	v11 =	vsel vm1, v11, v13;
	v12 =	vsel vm1, v12, v14  }
0x3db: {  	(xrf1) =	vsort.dscd.msk.f32 $0xffff, v11, v12;
	_ =	sdelay $0xd  }
0x3dc: {  	v11, v12, _ =	vpop (xrf1)  }
0x3dd: {  	v13 =	vmul.f32 $1.442695020e+00, v11;
	_ =	sdelay $0x1  }
0x3de: {  	(erf) = vpow2.f32 v13;
	_ =	sdelay $0x8  }
0x3df: {  	v13 =	vpop (erf)  }
0x3e0: {  	v13 =	vnsel vm0, $0x0, v13  }
0x3e1: {  	(xrf2) =	vadd.scan.msk.f32 $0xffff, v13;
	_ =	sdelay $0x9  }
0x3e2: {  	v14, _, _ =	vpop (xrf2)  }
0x3e3: {  	v14 =	vbroadcast v14, $0xF;
	_ =	sdelay $0x1  }
0x3e4: {  	(erf) = vrcp.f32 v14;
	_ =	sdelay $0x2  }
0x3e5: {  	v11 =	vsel vm0, $0xBF800000, v11  }
0x3e6: {  	(xrf0) =	vmax.scan.msk.f32 $0xffff, v11;
	_ =	sdelay $0x1  }
0x3e7: {  	v11 =	vor.u32 $0x147F, v1;
	_ =	sdelay $0x2  }
0x3e8: {  	v14 =	vpop (erf)  }
0x3e9: {  	v15, _, _ =	vpop (xrf0);
	v13 =	vmul.f32 v14, v13  }
0x3ea: {  	[tilespmem:v11+s16+$0x0] =	vst.idx.msk $0xff, v12;
	v12 =	vbroadcast v15, $0xF  }
0x3eb: {  	[tilespmem:v11+s17+$0x0] =	vst.idx.msk $0xff, v13  }
0x3ec: {  	[tilespmem:v11+s18+$0x0] =	vst.idx.msk $0xff, v12  }
0x3ed: {  	_ =	swait.ge [sflag:s19], $0x8000  }
0x3ee: {  	[sflag:s19] =	ssyncset.done $0x0  }
0x3ef: {  	s23 =	simm.s32 $0x80A0;
	[sflag:s19] =	ssyncadd.s32 $0xFFFF8000  }
0x3f0: {  	v11 =	vld [tilespmem:s23+$0xFFFFFFE0]  }
0x3f1: {  	v12 =	vld [tilespmem:s23+$0xFFFFFFF0]  }
0x3f2: {  	v13 =	vld [tilespmem:s23+$0x70]  }
0x3f3: {  	v14 =	vld [tilespmem:s23+$0x10]  }
0x3f4: {  	v15 =	vld [tilespmem:s23+$0x80]  }
0x3f5: {  	v16 =	vld [tilespmem:s23+$0x60];
	v11 =	vmul.f32 v11, v8  }
0x3f6: {  	v17 =	vld [tilespmem:s23+$0x90];
	v12 =	vmul.f32 v12, v9  }
0x3f7: {  	v18 =	vld [tilespmem:s23+$0x0];
	(xrf1) =	vsort.dscd.msk.f32 $0xffff, v11, v0;
	v11 =	vmul.f32 v13, v9  }
0x3f8: {  	(xrf1) =	vsort.dscd.msk.f32 $0xffff, v12, v2;
	v12 =	vmul.f32 v14, v7  }
0x3f9: {  	v13 =	vmul.f32 v15, v10;
	(xrf1) =	vsort.dscd.msk.f32 $0xffff, v11, v2  }
0x3fa: {  	v11 =	vmul.f32 v16, v8;
	(xrf1) =	vsort.dscd.msk.f32 $0xffff, v12, v4  }
0x3fb: {  	v12 =	vmul.f32 v17, v7;
	(xrf1) =	vsort.dscd.msk.f32 $0xffff, v13, v3  }
0x3fc: {  	v13 =	vmul.f32 v18, v10;
	(xrf1) =	vsort.dscd.msk.f32 $0xffff, v11, v0  }
0x3fd: {  	v14 =	vld [tilespmem:s23+$0xFFFFFF70];
	(xrf1) =	vsort.dscd.msk.f32 $0xffff, v12, v4  }
0x3fe: {  	v11 =	vld [tilespmem:s23+$0xFFFFFF80];
	(xrf1) =	vsort.dscd.msk.f32 $0xffff, v13, v3  }
0x3ff: {  	s24 =	simm.s32 $0x8220;
	v12 =	vld [tilespmem:s23+$0xFFFFFF90]  }
0x400: {  	v13 =	vld [tilespmem:s24+$0xFFFFFFE0];
	_ =	sdelay $0x1  }
0x401: {  	v15 =	vld [tilespmem:s23+$0xFFFFFF60]  }
0x402: {  	v16 =	vld [tilespmem:s24+$0xFFFFFFF0];
	v11 =	vmul.f32 v11, v10  }
0x403: {  	v12 =	vmul.f32 v12, v7  }
0x404: {  	v21 =	vld [tilespmem:s24+$0x70];
	(xrf1) =	vsort.dscd.msk.f32 $0xffff, v11, v3;
	v11 =	vmul.f32 v13, v8;
	v13 =	vmul.f32 v14, v9;
	v17, v18, _ =	vpop (xrf1)  }
0x405: {  	(xrf1) =	vsort.dscd.msk.f32 $0xffff, v12, v4;
	v14, v19, _ =	vpop (xrf1)  }
0x406: {  	v12 =	vmul.f32 v15, v8;
	(xrf1) =	vsort.dscd.msk.f32 $0xffff, v11, v0;
	v15, v20, _ =	vpop (xrf1)  }
0x407: {  	v25 =	vld [tilespmem:s24+$0x10];
	v16 =	vmul.f32 v16, v9;
	(xrf1) =	vsort.dscd.msk.f32 $0xffff, v13, v2;
	v11 =	vperm.xlane v14, v5;
	v14, v22, _ =	vpop (xrf1)  }
0x408: {  	v28 =	vld [tilespmem:s24+$0x60];
	(xrf1) =	vsort.dscd.msk.f32 $0xffff, v12, v0;
	v12 =	vperm.xlane v19, v5;
	v13, v23, _ =	vpop (xrf1)  }
0x409: {  	v21 =	vmul.f32 v21, v9;
	(xrf1) =	vsort.dscd.msk.f32 $0xffff, v16, v2;
	v16 =	vld [tilespmem:s24+$0x80];
	vm1 =	vge.f32 v17, v11;
	v19, v24, _ =	vpop (xrf1)  }
0x40a: {  	v14 =	vperm.xlane v14, v5;
	v11 =	vsel vm1, v17, v11;
	v12 =	vsel vm1, v18, v12;
	v17, v26, _ =	vpop (xrf1)  }
0x40b: {  	v22 =	vperm.xlane v22, v5;
	(xrf1) =	vsort.dscd.msk.f32 $0xffff, v11, v12;
	v18, v27, _ =	vpop (xrf1)  }
0x40c: {  	v29 =	vld [tilespmem:s24+$0x90];
	(xrf1) =	vsort.dscd.msk.f32 $0xffff, v21, v2;
	vm1 =	vge.f32 v18, v14  }
0x40d: {  	v11 =	vld [tilespmem:s24+$0x0];
	v21 =	vmul.f32 v25, v7;
	v12 =	vsel vm1, v27, v22;
	v14 =	vsel vm1, v18, v14  }
0x40e: {  	v22 =	vmul.f32 v28, v8;
	(xrf1) =	vsort.dscd.msk.f32 $0xffff, v14, v12;
	v14 =	vmul.f32 v16, v10;
	v16 =	vld [tilespmem:s24+$0xFFFFFF80];
	_ =	sdelay $0x1  }
0x40f: {  	v15 =	vperm.xlane v15, v5;
	v20 =	vperm.xlane v20, v5;
	v18 =	vld [tilespmem:s24+$0xFFFFFF90];
	(xrf1) =	vsort.dscd.msk.f32 $0xffff, v21, v4  }
0x410: {  	v17 =	vperm.xlane v17, v5;
	v21 =	vmul.f32 v29, v7;
	(xrf1) =	vsort.dscd.msk.f32 $0xffff, v14, v3  }
0x411: {  	vm1 =	vge.f32 v19, v15;
	v11 =	vmul.f32 v11, v10;
	v14, v25, _ =	vpop (xrf1);
	(xrf1) =	vsort.dscd.msk.f32 $0xffff, v22, v0  }
0x412: {  	v15 =	vsel vm1, v19, v15;
	v19, v22, _ =	vpop (xrf1);
	(xrf1) =	vsort.dscd.msk.f32 $0xffff, v21, v4;
	v16 =	vmul.f32 v16, v10  }
0x413: {  	v27, v28, _ =	vpop (xrf1);
	(xrf1) =	vsort.dscd.msk.f32 $0xffff, v11, v3;
	v11 =	vsel vm1, v24, v20;
	v20 =	vperm.xlane v26, v5  }
0x414: {  	v18 =	vmul.f32 v18, v7;
	v19 =	vperm.xlane v19, v5;
	vm1 =	vge.f32 v13, v17;
	v24, v26, _ =	vpop (xrf1)  }
0x415: {  	v21 =	vld [tilespmem:s24+$0xFFFFFF70];
	v13 =	vsel vm1, v13, v17;
	(xrf1) =	vsort.dscd.msk.f32 $0xffff, v16, v3;
	v29, v30, _ =	vpop (xrf1);
	v20 =	vsel vm1, v23, v20  }
0x416: {  	s25 =	simm.s32 $0x83A0;
	v22 =	vperm.xlane v22, v5;
	v16, v17, _ =	vpop (xrf1);
	(xrf1) =	vsort.dscd.msk.f32 $0xffff, v13, v20  }
0x417: {  	vm1 =	vge.f32 v14, v19;
	v13 =	vperm.xlane v16, v5;
	(xrf1) =	vsort.dscd.msk.f32 $0xffff, v18, v4;
	v18 =	vld [tilespmem:s25+$0xFFFFFFE0]  }
0x418: {  	v12 =	vld [tilespmem:s24+$0xFFFFFF60];
	v23 =	vperm.xlane v26, v5;
	v14 =	vsel vm1, v14, v19;
	v19 =	vsel vm1, v25, v22  }
0x419: {  	v22 =	vperm.xlane v24, v5;
	v24 =	vld [tilespmem:s25+$0xFFFFFFF0];
	v17 =	vperm.xlane v17, v5;
	(xrf1) =	vsort.dscd.msk.f32 $0xffff, v15, v11  }
0x41a: {  	v16 =	vmul.f32 v21, v9;
	v20, v21, _ =	vpop (xrf1);
	vm1 =	vge.f32 v27, v13;
	(xrf1) =	vsort.dscd.msk.f32 $0xffff, v14, v19  }
0x41b: {  	v11 =	vsel vm1, v27, v13;
	v17 =	vsel vm1, v28, v17;
	vm1 =	vge.f32 v29, v22;
	v13, v15, _ =	vpop (xrf1)  }
0x41c: {  	v22 =	vsel vm1, v29, v22;
	v23 =	vsel vm1, v30, v23;
	v14, v19, _ =	vpop (xrf1);
	v18 =	vmul.f32 v18, v8  }
0x41d: {  	v12 =	vmul.f32 v12, v8;
	v27 =	vld [tilespmem:s25+$0x70];
	(xrf1) =	vsort.dscd.msk.f32 $0xffff, v22, v23;
	v14 =	vperm.xlane v14, v5  }
0x41e: {  	v24 =	vmul.f32 v24, v9;
	v13 =	vperm.xlane v13, v5;
	v25, v26, _ =	vpop (xrf1);
	(xrf1) =	vsort.dscd.msk.f32 $0xffff, v18, v0;
	v18 =	vld [tilespmem:s25+$0x10]  }
0x41f: {  	v61 =	vld [tilespmem:s25+$0x0];
	v15 =	vperm.xlane v15, v5;
	v19 =	vperm.xlane v19, v5;
	v28, v29, _ =	vpop (xrf1);
	vm1 =	vge.f32 v20, v14  }
0x420: {  	v25 =	vperm.xlane v25, v5;
	(xrf1) =	vsort.dscd.msk.f32 $0xffff, v16, v2;
	v16 =	vld [tilespmem:s25+$0x80];
	v14 =	vsel vm1, v20, v14;
	v20, v22, _ =	vpop (xrf1)  }
0x421: {  	v26 =	vperm.xlane v26, v5;
	v19 =	vsel vm1, v21, v19;
	(xrf1) =	vsort.dscd.msk.f32 $0xffff, v12, v0;
	v12 =	vld [tilespmem:s25+$0x60];
	v23, v30, _ =	vpop (xrf1)  }
0x422: {  	v21 =	vld [tilespmem:s25+$0xFFFFFF90];
	(xrf1) =	vsort.dscd.msk.f32 $0xffff, v24, v2;
	v24 =	vmul.f32 v27, v9;
	vm2 =	vge.f32 v20, v13;
	v31, v60, _ =	vpop (xrf1)  }
0x423: {  	v27 =	vld [tilespmem:s25+$0x90];
	(xrf1) =	vsort.dscd.msk.f32 $0xffff, v11, v17;
	vm1 =	vge.f32 v31, v25;
	v18 =	vmul.f32 v18, v7  }
0x424: {  	(xrf1) =	vsort.dscd.msk.f32 $0xffff, v24, v2;
	v11 =	vsel vm1, v60, v26;
	v24 =	vsel vm1, v31, v25  }
0x425: {  	v13 =	vsel vm2, v20, v13;
	v31 =	vld [tilespmem:s25+$0xFFFFFF80];
	(xrf1) =	vsort.dscd.msk.f32 $0xffff, v24, v11  }
0x426: {  	v17, v26, _ =	vpop (xrf1);
	v16 =	vmul.f32 v16, v10;
	v12 =	vmul.f32 v12, v8;
	(xrf1) =	vsort.dscd.msk.f32 $0xffff, v18, v4  }
0x427: {  	v21 =	vmul.f32 v21, v7;
	v20, v25, _ =	vpop (xrf1);
	v11 =	vsel vm2, v22, v15;
	(xrf1) =	vsort.dscd.msk.f32 $0xffff, v14, v19  }
0x428: {  	v15, v22, _ =	vpop (xrf1);
	v18 =	vmul.f32 v27, v7;
	v19 =	vmul.f32 v61, v10;
	(xrf1) =	vsort.dscd.msk.f32 $0xffff, v16, v3  }
0x429: {  	v14 =	vperm.xlane v22, v5;
	v16 =	vperm.xlane v23, v5;
	(xrf1) =	vsort.dscd.msk.f32 $0xffff, v12, v0  }
0x42a: {  	v23 =	vperm.xlane v30, v5;
	v12, v22, _ =	vpop (xrf1);
	v24 =	vmul.f32 v31, v10;
	(xrf1) =	vsort.dscd.msk.f32 $0xffff, v18, v4  }
0x42b: {  	v18 =	vperm.xlane v20, v5;
	v20, v27, _ =	vpop (xrf1);
	vm1 =	vge.f32 v28, v16;
	(xrf1) =	vsort.dscd.msk.f32 $0xffff, v19, v3  }
0x42c: {  	v19, v30, _ =	vpop (xrf1);
	v16 =	vsel vm1, v28, v16;
	v23 =	vsel vm1, v29, v23;
	(xrf1) =	vsort.dscd.msk.f32 $0xffff, v24, v3  }
0x42d: {  	v15 =	vperm.xlane v15, v5;
	v28, v29, _ =	vpop (xrf1);
	(xrf1) =	vsort.dscd.msk.f32 $0xffff, v16, v23  }
0x42e: {  	(xrf1) =	vsort.dscd.msk.f32 $0xffff, v21, v4;
	v21 =	vperm.xlane v25, v5  }
0x42f: {  	vm2 =	vge.f32 v17, v15;
	v24 =	vld [tilespmem:s25+$0xFFFFFF60]  }
0x430: {  	v15 =	vsel vm2, v17, v15;
	v14 =	vsel vm2, v26, v14;
	v16, v23, _ =	vpop (xrf1)  }
0x431: {  	v20 =	vperm.xlane v20, v5;
	vm1 =	vge.f32 v12, v18;
	(xrf1) =	vsort.dscd.msk.f32 $0xffff, v13, v11;
	v17, v25, _ =	vpop (xrf1)  }
0x432: {  	s26 =	simm.s32 $0x8520;
	v11 =	vsel vm1, v12, v18;
	v12, v13, _ =	vpop (xrf1);
	(xrf1) =	vsort.dscd.msk.f32 $0xffff, v15, v14;
	v14 =	vsel vm1, v22, v21  }
0x433: {  	v16 =	vperm.xlane v16, v5;
	v18, v21, _ =	vpop (xrf1);
	(xrf1) =	vsort.dscd.msk.f32 $0xffff, v11, v14;
	v11 =	vld [tilespmem:s26+$0xFFFFFFE0]  }
0x434: {  	v26 =	vld [tilespmem:s25+$0xFFFFFF70];
	v15 =	vperm.xlane v27, v5;
	v24 =	vmul.f32 v24, v8;
	vm1 =	vge.f32 v19, v20  }
0x435: {  	v19 =	vsel vm1, v19, v20;
	v20 =	vperm.xlane v23, v5;
	v12 =	vperm.xlane v12, v5;
	v14, v22, _ =	vpop (xrf1)  }
0x436: {  	v13 =	vperm.xlane v13, v5;
	v15 =	vsel vm1, v30, v15;
	vm1 =	vge.f32 v17, v16;
	v27, v31, _ =	vpop (xrf1)  }
0x437: {  	v16 =	vsel vm1, v17, v16;
	v17 =	vsel vm1, v25, v20;
	(xrf1) =	vsort.dscd.msk.f32 $0xffff, v19, v15;
	v15 =	vld [tilespmem:s26+$0xFFFFFFF0];
	v23, v30, _ =	vpop (xrf1)  }
0x438: {  	vm1 =	vge.f32 v28, v12;
	v19, v62, _ =	vpop (xrf1);
	(xrf1) =	vsort.dscd.msk.f32 $0xffff, v16, v17;
	v11 =	vmul.f32 v11, v8  }
0x439: {  	v12 =	vsel vm1, v28, v12;
	v13 =	vsel vm1, v29, v13;
	v16 =	vmul.f32 v26, v9;
	v20, v25, _ =	vpop (xrf1)  }
0x43a: {  	v28 =	vld [tilespmem:s26+$0x70];
	v22 =	vperm.xlane v22, v5;
	v17 =	vperm.xlane v27, v5;
	v26, v27, _ =	vpop (xrf1);
	(xrf1) =	vsort.dscd.msk.f32 $0xffff, v11, v0  }
0x43b: {  	v29 =	vperm.xlane v31, v5;
	v23 =	vperm.xlane v23, v5;
	v48, v63, _ =	vpop (xrf1);
	(xrf1) =	vsort.dscd.msk.f32 $0xffff, v16, v2;
	v16 =	vld [tilespmem:s26+$0x10]  }
0x43c: {  	v31 =	vld [tilespmem:s26+$0xFFFFFF90];
	vm1 =	vge.f32 v18, v17;
	v11 =	vperm.xlane v14, v5;
	v15 =	vmul.f32 v15, v9;
	v14, v50, _ =	vpop (xrf1)  }
0x43d: {  	v51 =	vld [tilespmem:s26+$0xFFFFFF60];
	v49 =	vmul.f32 $1.442695020e+00, v19;
	v18 =	vsel vm1, v18, v17;
	v17 =	vperm.xlane v30, v5;
	v38, v52, _ =	vpop (xrf1);
	(xrf1) =	vsort.dscd.msk.f32 $0xffff, v24, v0  }
0x43e: {  	v19 =	vsel vm0, $0xBF800000, v19;
	v21 =	vsel vm1, v21, v29;
	v34 =	vperm.xlane v63, v5;
	v24 =	vld [tilespmem:s26+$0x80];
	v54, v53, _ =	vpop (xrf1);
	(xrf1) =	vsort.dscd.msk.f32 $0xffff, v15, v2  }
0x43f: {  	s12 =	simm.s32 $0x301;
	s2 =	simm.s32 $0x1808;
	(erf) = vpow2.f32 v49;
	vm2 =	vge.f32 v14, v23;
	v30, v55, _ =	vpop (xrf1);
	(xrf1) =	vsort.dscd.msk.f32 $0xffff, v12, v13;
	v12 =	vmul.f32 v28, v9;
	v28 =	vld [tilespmem:s26+$0x60]  }
0x440: {  	s0 =	sand.u32 $0x3C00, s2;
	s2 =	sand.u32 $0x7F, s12;
	(xrf0) =	vmax.scan.msk.f32 $0xffff, v19;
	v19 =	vld [tilespmem:s26+$0x90];
	vm1 =	vge.f32 v26, v11;
	v36 =	vsel vm2, v50, v17;
	v29, v42, _ =	vpop (xrf1);
	v16 =	vmul.f32 v16, v7  }
0x441: {  	s0 =	sor.u32 s2, s0;
	v57, v56, _ =	vpop (xrf1);
	(xrf1) =	vsort.dscd.msk.f32 $0xffff, v12, v2;
	v12 =	vsel vm2, v14, v23;
	v23 =	vmul.f32 v31, v7;
	v31 =	vld [tilespmem:s26+$0x0]  }
0x442: {  	v17 =	vor.u32 s0, v1;
	v26 =	vsel vm1, v26, v11;
	v13 =	vmul.f32 v51, v8;
	(xrf1) =	vsort.dscd.msk.f32 $0xffff, v12, v36  }
0x443: {  	v30 =	vperm.xlane v30, v5;
	v14, v58, _ =	vpop (xrf1);
	v12 =	vld [tilespmem:s26+$0xFFFFFF80];
	v11 =	vmul.f32 v24, v10;
	(xrf1) =	vsort.dscd.msk.f32 $0xffff, v16, v4  }
0x444: {  	s14 =	simm.s32 $0x302;
	s21 =	simm.s32 $0x1810;
	v24 =	vsel vm1, v27, v22;
	v59 =	vmul.f32 $1.442695020e+00, v14;
	v16 =	vmul.f32 v28, v8;
	(xrf1) =	vsort.dscd.msk.f32 $0xffff, v18, v21  }
0x445: {  	s1 =	sand.u32 $0x3C00, s21;
	s0 =	sand.u32 $0x7F, s14;
	v27, v28, _ =	vpop (xrf1);
	v18 =	vmul.f32 v19, v7;
	v19 =	vperm.xlane v48, v5;
	(xrf1) =	vsort.dscd.msk.f32 $0xffff, v11, v3  }
0x446: {  	v15 =	vld [tilespmem:s26+$0xFFFFFF70];
	s0 =	sor.u32 s0, s1;
	(erf) = vpow2.f32 v59;
	v61, v60, _ =	vpop (xrf1);
	v31 =	vmul.f32 v31, v10;
	(xrf1) =	vsort.dscd.msk.f32 $0xffff, v16, v0  }
0x447: {  	v22 =	vor.u32 s0, v1;
	[tilespmem:v17+s16+$0x0] =	vst.idx.msk $0xff, v62;
	v11 =	vmul.f32 $1.442695020e+00, v27;
	(xrf1) =	vsort.dscd.msk.f32 $0xffff, v18, v4  }
0x448: {  	v21 =	vpop (erf);
	v27 =	vsel vm0, $0xBF800000, v27;
	vm1 =	vge.f32 v20, v19;
	v12 =	vmul.f32 v12, v10;
	(xrf1) =	vsort.dscd.msk.f32 $0xffff, v31, v3  }
0x449: {  	s22 =	simm.s32 $0x0;
	v18 =	vperm.xlane v54, v5;
	(erf) = vpow2.f32 v11;
	v11 =	vsel vm1, v20, v19;
	v16, _, _ =	vpop (xrf0);
	(xrf0) =	vmax.scan.msk.f32 $0xffff, v27  }
0x44a: {  	s23 =	sand.u32 $0x400, s22;
	s0 =	sand.u32 $0x7F, s22;
	v19 =	vperm.xlane v55, v5;
	v63, v62, _ =	vpop (xrf1);
	(xrf1) =	vsort.dscd.msk.f32 $0xffff, v12, v3;
	v12 =	vsel vm1, v25, v34  }
0x44b: {  	vm2 =	vge.f32 v38, v30;
	v15 =	vmul.f32 v15, v9;
	s0 =	sor.u32 s23, s0;
	v25 =	vperm.xlane v57, v5;
	v31, v48, _ =	vpop (xrf1)  }
0x44c: {  	s0 =	sor.u32 $0x1800, s0;
	vm1 =	vge.f32 v29, v18;
	v19 =	vsel vm2, v52, v19;
	v52 =	vperm.xlane v56, v5;
	v49, v50, _ =	vpop (xrf1)  }
0x44d: {  	[tilespmem:v22+s16+$0x0] =	vst.idx.msk $0xff, v58;
	(xrf1) =	vsort.dscd.msk.f32 $0xffff, v11, v12;
	v18 =	vsel vm1, v29, v18;
	v11 =	vor.u32 s0, v1;
	s0 =	simm.s32 $0x86A0;
	v12, v51, _ =	vpop (xrf1)  }
0x44e: {  	(xrf1) =	vsort.dscd.msk.f32 $0xffff, v23, v4;
	v23 =	vsel vm2, v38, v30;
	vm2 =	vge.f32 v61, v25;
	v56 =	vld [tilespmem:s0+$0xFFFFFFE0];
	v29, v30, _ =	vpop (xrf1)  }
0x44f: {  	v20 =	vnsel vm0, $0x0, v21;
	v58 =	vld [tilespmem:s0+$0xFFFFFF90];
	(xrf1) =	vsort.dscd.msk.f32 $0xffff, v26, v24;
	v26 =	vperm.xlane v53, v5;
	v12 =	vperm.xlane v12, v5;
	v24 =	vpop (erf)  }
0x450: {  	(xrf2) =	vadd.scan.msk.f32 $0xffff, v20;
	v57 =	vperm.xlane v48, v5;
	v59 =	vld [tilespmem:s0+$0xFFFFFFF0];
	v21 =	vsel vm2, v60, v52;
	v25 =	vsel vm2, v61, v25;
	v52, _, _ =	vpop (xrf0)  }
0x451: {  	v45 =	vld [tilespmem:s0+$0x0];
	(xrf1) =	vsort.dscd.msk.f32 $0xffff, v23, v19;
	v26 =	vsel vm1, v42, v26;
	v53, v54, _ =	vpop (xrf1);
	vm2 =	vge.f32 v63, v12  }
0x452: {  	v23 =	vperm.xlane v51, v5;
	(xrf1) =	vsort.dscd.msk.f32 $0xffff, v18, v26;
	v19, v55, _ =	vpop (xrf1);
	v35 =	vsel vm2, v63, v12  }
0x453: {  	v12 =	vperm.xlane v31, v5;
	v18 =	vpop (erf);
	(xrf1) =	vsort.dscd.msk.f32 $0xffff, v25, v21;
	v25 =	vnsel vm0, $0x0, v24;
	v24 =	vperm.xlane v53, v5  }
0x454: {  	v31 =	vsel vm2, v62, v23;
	v36 =	vmul.f32 v56, v8;
	v43 =	vmul.f32 v58, v7;
	v33, v37, _ =	vpop (xrf1)  }
0x455: {  	[tilespmem:v11+s16+$0x0] =	vst.idx.msk $0xff, v28;
	v63 =	vld [tilespmem:s0+$0xFFFFFF60];
	v58 =	vsel vm0, $0xBF800000, v14;
	v14 =	vmul.f32 v59, v9;
	v23 =	vnsel vm0, $0x0, v18;
	v21, v42, _ =	vpop (xrf1)  }
0x456: {  	v56 =	vld [tilespmem:s0+$0x80];
	v45 =	vmul.f32 v45, v10;
	v19 =	vperm.xlane v19, v5;
	vm1 =	vge.f32 v49, v12;
	(xrf2) =	vadd.scan.msk.f32 $0xffff, v23;
	v28, v26, _ =	vpop (xrf1)  }
0x457: {  	v18 =	vperm.xlane v55, v5;
	v12 =	vsel vm1, v49, v12;
	v62 =	vsel vm1, v50, v57;
	(xrf2) =	vadd.scan.msk.f32 $0xffff, v25;
	v61, v60, _ =	vpop (xrf1)  }
0x458: {  	s24 =	simm.s32 $0x1820;
	s25 =	simm.s32 $0x304;
	v59 =	vld [tilespmem:s0+$0x70];
	v33 =	vperm.xlane v33, v5;
	vm1 =	vge.f32 v29, v19;
	(xrf1) =	vsort.dscd.msk.f32 $0xffff, v12, v62;
	v40, v41, _ =	vpop (xrf1)  }
0x459: {  	s2 =	sand.u32 $0x7F, s25;
	s1 =	sand.u32 $0x3C00, s24;
	v37 =	vperm.xlane v37, v5;
	v29 =	vsel vm1, v29, v19;
	v19 =	vperm.xlane v54, v5;
	v34, v39, _ =	vpop (xrf1)  }
0x45a: {  	s1 =	sor.u32 s2, s1;
	v54 =	vmul.f32 $1.442695020e+00, v21;
	v30 =	vsel vm1, v30, v18;
	vm2 =	vge.f32 v61, v24;
	(xrf1) =	vsort.dscd.msk.f32 $0xffff, v36, v0;
	v48, v49, _ =	vpop (xrf1)  }
0x45b: {  	v12 =	vor.u32 s1, v1;
	v62 =	vld [tilespmem:s0+$0x60];
	v18 =	vmul.f32 v63, v8;
	v51 =	vmul.f32 v56, v10;
	(xrf1) =	vsort.dscd.msk.f32 $0xffff, v15, v2;
	v15, _, _ =	vpop (xrf2)  }
0x45c: {  	v55 =	vld [tilespmem:s0+$0xFFFFFF70];
	(xrf0) =	vmax.scan.msk.f32 $0xffff, v58;
	v27 =	vsel vm2, v61, v24;
	(erf) = vpow2.f32 v54;
	v24, v50, _ =	vpop (xrf1);
	v15 =	vbroadcast v15, $0xF  }
0x45d: {  	v21 =	vsel vm0, $0xBF800000, v21;
	v63 =	vld [tilespmem:s0+$0x10];
	v38 =	vmul.f32 v59, v9;
	v32 =	vsel vm2, v60, v19;
	(xrf1) =	vsort.dscd.msk.f32 $0xffff, v13, v0;
	v19, v57, _ =	vpop (xrf1)  }
0x45e: {  	s21 =	simm.s32 $0x305;
	s22 =	simm.s32 $0x1828;
	v40 =	vperm.xlane v40, v5;
	vm2 =	vge.f32 v34, v33;
	(xrf1) =	vsort.dscd.msk.f32 $0xffff, v14, v2;
	v13, v46, _ =	vpop (xrf1);
	(erf) = vrcp.f32 v15  }
0x45f: {  	s2 =	sand.u32 $0x7F, s21;
	s12 =	sand.u32 $0x3C00, s22;
	v37 =	vsel vm2, v39, v37;
	v33 =	vsel vm2, v34, v33;
	(xrf1) =	vsort.dscd.msk.f32 $0xffff, v35, v31;
	v31, v35, _ =	vpop (xrf1)  }
0x460: {  	s2 =	sor.u32 s2, s12;
	(xrf0) =	vmax.scan.msk.f32 $0xffff, v21;
	vm3 =	vge.f32 v28, v40;
	v24 =	vperm.xlane v24, v5;
	v44 =	vmul.f32 v62, v8;
	v61, _, _ =	vpop (xrf2)  }
0x461: {  	s26 =	simm.s32 $0x3;
	s23 =	simm.s32 $0x18;
	v60 =	vld [tilespmem:s0+$0x90];
	[tilespmem:v12+s16+$0x0] =	vst.idx.msk $0xff, v42;
	v14 =	vor.u32 s2, v1;
	v42 =	vperm.xlane v19, v5;
	v19 =	vmul.f32 v55, v9;
	v39, v21, _ =	vpop (xrf1)  }
0x462: {  	s24 =	sand.u32 $0x400, s23;
	s1 =	sand.u32 $0x7F, s26;
	v28 =	vsel vm3, v28, v40;
	v47 =	vmul.f32 v63, v7;
	v62 =	vbroadcast v61, $0xF;
	v63, _, _ =	vpop (xrf2)  }
0x463: {  	s1 =	sor.u32 s24, s1;
	vm1 =	vge.f32 v13, v24;
	(xrf1) =	vsort.dscd.msk.f32 $0xffff, v38, v2;
	v55 =	vperm.xlane v31, v5;
	v61, _, _ =	vpop (xrf0)  }
0x464: {  	s1 =	sor.u32 $0x1800, s1;
	v24 =	vsel vm1, v13, v24;
	v31, v56, _ =	vpop (xrf1);
	(xrf1) =	vsort.dscd.msk.f32 $0xffff, v33, v37;
	v13 =	vbroadcast v63, $0xF;
	(erf) = vrcp.f32 v62  }
0x465: {  	v36 =	vperm.xlane v57, v5;
	v15 =	vor.u32 s1, v1;
	v57 =	vld [tilespmem:s0+$0xFFFFFF80];
	v58 =	vmul.f32 $1.442695020e+00, v39;
	v37 =	vpop (erf);
	(xrf1) =	vsort.dscd.msk.f32 $0xffff, v47, v4  }
0x466: {  	v53 =	vmul.f32 v60, v7;
	vm2 =	vge.f32 v48, v42;
	(erf) = vrcp.f32 v13;
	v60, v59, _ =	vpop (xrf1)  }
0x467: {  	v35 =	vperm.xlane v35, v5;
	[tilespmem:v14+s16+$0x0] =	vst.idx.msk $0xff, v21;
	(xrf1) =	vsort.dscd.msk.f32 $0xffff, v29, v30;
	(erf) = vpow2.f32 v58;
	v21 =	vpop (erf)  }
0x468: {  	v42 =	vsel vm2, v48, v42;
	(xrf1) =	vsort.dscd.msk.f32 $0xffff, v51, v3;
	v13, _, _ =	vpop (xrf0);
	v20 =	vmul.f32 v21, v20  }
0x469: {  	v49 =	vsel vm2, v49, v36;
	v30 =	vperm.xlane v41, v5;
	(xrf1) =	vsort.dscd.msk.f32 $0xffff, v44, v0;
	v62, v63, _ =	vpop (xrf1)  }
0x46a: {  	[tilespmem:v15+s16+$0x0] =	vst.idx.msk $0xff, v56;
	v56 =	vmul.f32 $1.442695020e+00, v31;
	v33 =	vmul.f32 v57, v10;
	(xrf1) =	vsort.dscd.msk.f32 $0xffff, v53, v4;
	v38, v34, _ =	vpop (xrf1)  }
0x46b: {  	v57 =	vbroadcast v16, $0xF;
	v16 =	vsel vm3, v26, v30;
	v21 =	vsel vm0, $0xBF800000, v31;
	(xrf1) =	vsort.dscd.msk.f32 $0xffff, v45, v3;
	v31, v29, _ =	vpop (xrf1)  }
0x46c: {  	(erf) = vpow2.f32 v56;
	vm2 =	vge.f32 v60, v55;
	(xrf1) =	vsort.dscd.msk.f32 $0xffff, v33, v3;
	[tilespmem:v17+s17+$0x0] =	vst.idx.msk $0xff, v20;
	v20, v58, _ =	vpop (xrf1)  }
0x46d: {  	v35 =	vsel vm2, v59, v35;
	v41 =	vsel vm2, v60, v55;
	(xrf1) =	vsort.dscd.msk.f32 $0xffff, v28, v16;
	v26 =	vpop (erf)  }
0x46e: {  	s28 =	simm.s32 $0x6;
	s29 =	simm.s32 $0x30;
	s30 =	simm.s32 $0xF;
	v61 =	vbroadcast v61, $0xF;
	[tilespmem:v17+s18+$0x0] =	vst.idx.msk $0xff, v57;
	(xrf1) =	vsort.dscd.msk.f32 $0xffff, v43, v4;
	v33, v30, _ =	vpop (xrf1);
	v17 =	vperm.xlane v20, v5  }
0x46f: {  	s31 =	simm.s32 $0x78;
	s25 =	simm.s32 $0x1838;
	s21 =	simm.s32 $0xC;
	v59 =	vperm.xlane v50, v5;
	v16 =	vnsel vm0, $0x0, v37;
	(xrf1) =	vsort.dscd.msk.f32 $0xffff, v27, v32;
	v60 =	vmul.f32 v26, v23;
	v23 =	vpop (erf)  }
0x470: {  	s22 =	simm.s32 $0x60;
	s12 =	simm.s32 $0x307;
	s26 =	simm.s32 $0x1850;
	(xrf2) =	vadd.scan.msk.f32 $0xffff, v16;
	v28 =	vperm.xlane v58, v5;
	v27 =	vpop (erf);
	v25 =	vmul.f32 v23, v25;
	vm2 =	vge.f32 v62, v17  }
0x471: {  	s14 =	sand.u32 $0x7F, s12;
	s24 =	simm.s32 $0x9;
	s26 =	sand.u32 $0x3C00, s26;
	v23 =	vbroadcast v52, $0xF;
	v32, v36, _ =	vpop (xrf1);
	(xrf1) =	vsort.dscd.msk.f32 $0xffff, v42, v49;
	[tilespmem:v11+s17+$0x0] =	vst.idx.msk $0xff, v60;
	v26 =	vsel vm2, v62, v17  }
0x472: {  	s2 =	simm.s32 $0x1868;
	s0 =	sand.u32 $0x3C00, s25;
	s25 =	simm.s32 $0x48;
	v28 =	vsel vm2, v63, v28;
	v17 =	vnsel vm0, $0x0, v27;
	v63, v62, _ =	vpop (xrf1);
	v27 =	vsel vm1, v46, v59;
	[tilespmem:v22+s17+$0x0] =	vst.idx.msk $0xff, v25  }
0x473: {  	s23 =	sand.u32 $0x3C00, s2;
	s2 =	simm.s32 $0x8820;
	s0 =	sor.u32 s14, s0;
	v20 =	vsel vm0, $0xBF800000, v39;
	v40, v39, _ =	vpop (xrf1);
	v42 =	vperm.xlane v63, v5;
	v37 =	vperm.xlane v62, v5;
	[tilespmem:v22+s18+$0x0] =	vst.idx.msk $0xff, v61  }
.LBB2_8:
0x474: {  	s12 =	sadd.s32 $0x1808, s31;
	p0 =	slt.u32 s30, $0xFC;
	v38 =	vperm.xlane v38, v5;
	v25 =	vor.u32 s0, v1;
	s1 =	smov.u32 s30  }
0x475: {  	v43 =	vld [tilespmem:s2+$0xFFFFFF90];
	(xrf1) =	vsort.dscd.msk.f32 $0xffff, v24, v27;
	v24 =	vpop (erf);
	[tilespmem:v11+s18+$0x0] =	vst.idx.msk $0xff, v23;
	v22 =	vmov v14;
	v11 =	vmov v15;
	s30 =	sadd.s32 $0x3, s30;
	s0 =	smov.u32 s26;
	s26 =	smov.u32 s23  }
0x476: {  	v15 =	vperm.xlane v34, v5;
	v14 =	vld [tilespmem:s2+$0xFFFFFFE0];
	s23 =	sand.u32 $0x3C00, s12;
	vm1 =	vge.f32 v33, v42;
	(xrf1) =	vsort.dscd.msk.f32 $0xffff, v41, v35;
	v34, v41, _ =	vpop (xrf1);
	v23 =	vnsel vm0, $0x0, v24  }
0x477: {  	v27 =	vperm.xlane v32, v5;
	v24 =	vld [tilespmem:s2+$0xFFFFFFF0];
	v35, v32, _ =	vpop (xrf1);
	vm2 =	vge.f32 v31, v38;
	v33 =	vsel vm1, v33, v42  }
0x478: {  	v42 =	vld [tilespmem:s2+$0xFFFFFF60];
	v44, v45, _ =	vpop (xrf1);
	v31 =	vsel vm2, v31, v38;
	v15 =	vsel vm2, v29, v15;
	v29 =	vsel vm1, v30, v37;
	(xrf2) =	vadd.scan.msk.f32 $0xffff, v23  }
0x479: {  	v36 =	vperm.xlane v36, v5;
	v30 =	vld [tilespmem:s2+$0x80];
	vm1 =	vge.f32 v44, v27;
	v38, v46, _ =	vpop (xrf1);
	(xrf1) =	vsort.dscd.msk.f32 $0xffff, v31, v15;
	v15 =	vmul.f32 $1.442695020e+00, v34  }
0x47a: {  	v34 =	vsel vm0, $0xBF800000, v34;
	v31 =	vld [tilespmem:s2+$0xFFFFFF70];
	v37 =	vmul.f32 v43, v7;
	v27 =	vsel vm1, v44, v27;
	v43, v44, _ =	vpop (xrf1);
	(xrf0) =	vmax.scan.msk.f32 $0xffff, v21  }
0x47b: {  	v47 =	vperm.xlane v40, v5;
	v36 =	vsel vm1, v45, v36;
	v52 =	vmul.f32 v14, v8;
	v21 =	vld [tilespmem:s2+$0x60];
	v45, v48, _ =	vpop (xrf1);
	(xrf2) =	vadd.scan.msk.f32 $0xffff, v17  }
0x47c: {  	s14 =	sadd.s32 $0x1810, s29;
	s12 =	sadd.s32 $0x302, s28;
	v24 =	vmul.f32 v24, v9;
	v49 =	vld [tilespmem:s2+$0x0];
	v50, v40, _ =	vpop (xrf1);
	[tilespmem:v25+s16+$0x0] =	vst.idx.msk $0xff, v41  }
0x47d: {  	s14 =	sand.u32 $0x3C00, s14;
	s12 =	sand.u32 $0x7F, s12;
	v41 =	vmul.f32 v42, v8;
	v42 =	vld [tilespmem:s2+$0x70];
	(xrf1) =	vsort.dscd.msk.f32 $0xffff, v52, v0;
	v14, v51, _ =	vpop (xrf1);
	(erf) = vpow2.f32 v15  }
0x47e: {  	s12 =	sor.u32 s12, s14;
	v15 =	vperm.xlane v39, v5;
	v52 =	vld [tilespmem:s2+$0xFFFFFF80];
	v53 =	vperm.xlane v14, v5;
	(xrf1) =	vsort.dscd.msk.f32 $0xffff, v19, v2;
	v54, _, _ =	vpop (xrf2)  }
0x47f: {  	s14 =	sand.u32 $0x400, s29;
	s29 =	sand.u32 $0x7F, s28;
	s28 =	smov.u32 s24;
	v14 =	vor.u32 s12, v1;
	v19 =	vmul.f32 v31, v9;
	v31 =	vld [tilespmem:s2+$0x90];
	(xrf1) =	vsort.dscd.msk.f32 $0xffff, v18, v0;
	v55, v39, _ =	vpop (xrf1);
	v54 =	vbroadcast v54, $0xF  }
0x480: {  	s24 =	smov.u32 s21;
	s21 =	smov.u32 s1;
	v51 =	vperm.xlane v51, v5;
	s12 =	sor.u32 s14, s29;
	v18 =	vmov v41;
	v56 =	vld [tilespmem:s2+$0x10];
	(xrf1) =	vsort.dscd.msk.f32 $0xffff, v24, v2;
	v24 =	vperm.xlane v50, v5;
	v50, _, _ =	vpop (xrf0)  }
0x481: {  	vm2 =	vge.f32 v43, v47;
	v30 =	vmul.f32 v30, v10;
	s29 =	smov.u32 s25;
	s25 =	smov.u32 s22;
	s1 =	sor.u32 $0x1800, s12;
	(xrf1) =	vsort.dscd.msk.f32 $0xffff, v26, v28;
	v26, v28, _ =	vpop (xrf1);
	(erf) = vrcp.f32 v54  }
0x482: {  	s22 =	smov.u32 s31;
	v41 =	vmul.f32 v42, v9;
	v42 =	vsel vm2, v44, v15;
	v15 =	vor.u32 s1, v1;
	v44, _, _ =	vpop (xrf2);
	(xrf0) =	vmax.scan.msk.f32 $0xffff, v20  }
0x483: {  	v54 =	vmul.f32 v21, v8;
	v26 =	vperm.xlane v26, v5;
	vm1 =	vge.f32 v55, v24;
	(xrf0) =	vmax.scan.msk.f32 $0xffff, v34;
	v20, v21, _ =	vpop (xrf1)  }
0x484: {  	v24 =	vsel vm1, v55, v24;
	v44 =	vbroadcast v44, $0xF;
	v31 =	vmul.f32 v31, v7;
	[tilespmem:v14+s16+$0x0] =	vst.idx.msk $0xff, v21;
	v21, v34, _ =	vpop (xrf1)  }
0x485: {  	v55 =	vmul.f32 v56, v7;
	(xrf1) =	vsort.dscd.msk.f32 $0xffff, v41, v2;
	v41 =	vsel vm2, v43, v47;
	v43 =	vmul.f32 $1.442695020e+00, v20;
	v47, _, _ =	vpop (xrf2)  }
0x486: {  	vm2 =	vge.f32 v45, v53;
	v56 =	vperm.xlane v38, v5;
	(xrf1) =	vsort.dscd.msk.f32 $0xffff, v41, v42;
	v38 =	vpop (erf);
	v41 =	vbroadcast v47, $0xF  }
0x487: {  	v42 =	vsel vm2, v45, v53;
	v53 =	vmul.f32 $1.442695020e+00, v21;
	(xrf1) =	vsort.dscd.msk.f32 $0xffff, v55, v4;
	v45, v47, _ =	vpop (xrf1);
	(erf) = vrcp.f32 v44  }
0x488: {  	v21 =	vsel vm0, $0xBF800000, v21;
	v44 =	vmul.f32 v49, v10;
	[tilespmem:v15+s16+$0x0] =	vst.idx.msk $0xff, v34;
	v49, _, _ =	vpop (xrf0);
	(erf) = vrcp.f32 v41  }
0x489: {  	v48 =	vsel vm2, v48, v51;
	(xrf1) =	vsort.dscd.msk.f32 $0xffff, v33, v29;
	v29 =	vnsel vm0, $0x0, v38;
	v33, _, _ =	vpop (xrf0);
	(erf) = vpow2.f32 v43  }
0x48a: {  	v20 =	vsel vm0, $0xBF800000, v20;
	vm2 =	vge.f32 v45, v26;
	(xrf1) =	vsort.dscd.msk.f32 $0xffff, v30, v3;
	v30 =	vperm.xlane v46, v5;
	v34 =	vpop (erf)  }
0x48b: {  	v28 =	vperm.xlane v28, v5;
	v43, v46, _ =	vpop (xrf1);
	(xrf1) =	vsort.dscd.msk.f32 $0xffff, v54, v0;
	v41 =	vmul.f32 v34, v16;
	v16 =	vmov v29  }
0x48c: {  	vm3 =	vge.f32 v35, v56;
	v54 =	vmul.f32 v52, v10;
	v52 =	vbroadcast v13, $0xF;
	(xrf1) =	vsort.dscd.msk.f32 $0xffff, v31, v4;
	v38, v34, _ =	vpop (xrf1)  }
0x48d: {  	(xrf1) =	vsort.dscd.msk.f32 $0xffff, v44, v3;
	v44 =	vsel vm3, v35, v56;
	v31, v29, _ =	vpop (xrf1);
	(erf) = vpow2.f32 v53;
	[tilespmem:v12+s17+$0x0] =	vst.idx.msk $0xff, v41  }
0x48e: {  	v13 =	vmov v33;
	v32 =	vsel vm3, v32, v30;
	v35 =	vsel vm2, v47, v28;
	(xrf1) =	vsort.dscd.msk.f32 $0xffff, v54, v3;
	v51, v53, _ =	vpop (xrf1)  }
0x48f: {  	v41 =	vsel vm2, v45, v26;
	v33, v30, _ =	vpop (xrf1);
	(xrf1) =	vsort.dscd.msk.f32 $0xffff, v44, v32;
	[tilespmem:v12+s18+$0x0] =	vst.idx.msk $0xff, v52;
	v44 =	vbroadcast v49, $0xF  }
0x490: {  	v26 =	vperm.xlane v51, v5;
	v12 =	vmov v25;
	(xrf1) =	vsort.dscd.msk.f32 $0xffff, v37, v4;
	v37 =	vperm.xlane v40, v5;
	v28 =	vpop (erf)  }
.Ltmp3:
0x491: {  	v47 =	vperm.xlane v53, v5;
	v40 =	vmul.f32 v28, v23;
	v28 =	vpop (erf);
	(pc) =	sbr.rel @p0 .LBB2_8-.Ltmp3, $4  }
0x492: {  	vm2 =	vge.f32 v43, v26;
	v23 =	vbroadcast v50, $0xF;
	(xrf1) =	vsort.dscd.msk.f32 $0xffff, v27, v36;
	v27 =	vpop (erf);
	v45 =	vmul.f32 v28, v17  }
0x493: {  	s1 =	sadd.s32 $0x301, s28;
	v26 =	vsel vm2, v43, v26;
	v28 =	vsel vm2, v46, v47;
	v32, v36, _ =	vpop (xrf1);
	v17 =	vnsel vm0, $0x0, v27;
	[tilespmem:v11+s17+$0x0] =	vst.idx.msk $0xff, v40  }
0x494: {  	s1 =	sand.u32 $0x7F, s1;
	v27 =	vsel vm1, v39, v37;
	(xrf1) =	vsort.dscd.msk.f32 $0xffff, v42, v48;
	v25, v43, _ =	vpop (xrf1);
	[tilespmem:v22+s17+$0x0] =	vst.idx.msk $0xff, v45  }
0x495: {  	s31 =	sadd.s32 $0x18, s31;
	s2 =	sadd.s32 $0x180, s2;
	s0 =	sor.u32 s1, s0;
	v40, v39, _ =	vpop (xrf1);
	v42 =	vperm.xlane v25, v5;
	v37 =	vperm.xlane v43, v5;
	(xrf2) =	vadd.scan.msk.f32 $0xffff, v16;
	[tilespmem:v22+s18+$0x0] =	vst.idx.msk $0xff, v44  }
0x496: {  	_ = 	snop  }
0x497: {  	(xrf1) =	vsort.dscd.msk.f32 $0xffff, v24, v27;
	v22 =	vpop (erf)  }
0x498: {  	(xrf1) =	vsort.dscd.msk.f32 $0xffff, v41, v35;
	v27, v24, _ =	vpop (xrf1);
	v22 =	vnsel vm0, $0x0, v22  }
0x499: {  	v35, v41, _ =	vpop (xrf1);
	(xrf2) =	vadd.scan.msk.f32 $0xffff, v22  }
0x49a: {  	v34 =	vperm.xlane v34, v5;
	v43, v44, _ =	vpop (xrf1);
	(xrf2) =	vadd.scan.msk.f32 $0xffff, v17  }
0x49b: {  	v45, v46, _ =	vpop (xrf1)  }
0x49c: {  	v25 =	vperm.xlane v38, v5;
	v38, v47, _ =	vpop (xrf1)  }
0x49d: {  	v48, v49, _ =	vpop (xrf1)  }
0x49e: {  	vm1 =	vge.f32 v31, v25;
	v50, v51, _ =	vpop (xrf1)  }
0x49f: {  	v59 =	vmul.f32 $1.442695020e+00, v27;
	v25 =	vsel vm1, v31, v25;
	v29 =	vsel vm1, v29, v34;
	v31, v34, _ =	vpop (xrf1)  }
0x4a0: {  	(xrf1) =	vsort.dscd.msk.f32 $0xffff, v25, v29;
	v58, _, _ =	vpop (xrf2)  }
0x4a1: {  	(erf) = vpow2.f32 v59;
	v52, v53, _ =	vpop (xrf1);
	v25 =	vbroadcast v58, $0xF  }
0x4a2: {  	v40 =	vperm.xlane v40, v5;
	v39 =	vperm.xlane v39, v5;
	v54, v55, _ =	vpop (xrf1)  }
0x4a3: {  	v32 =	vperm.xlane v32, v5;
	v36 =	vperm.xlane v36, v5;
	vm1 =	vge.f32 v33, v42;
	v60, _, _ =	vpop (xrf2)  }
0x4a4: {  	v33 =	vsel vm1, v33, v42;
	(erf) = vrcp.f32 v25;
	v56 =	vbroadcast v60, $0xF;
	v57, _, _ =	vpop (xrf2)  }
0x4a5: {  	v37 =	vsel vm1, v30, v37;
	vm2 =	vge.f32 v43, v32;
	(xrf1) =	vsort.dscd.msk.f32 $0xffff, v19, v2;
	v25, v29, _ =	vpop (xrf1);
	v61 =	vbroadcast v57, $0xF  }
0x4a6: {  	vm1 =	vge.f32 v38, v40;
	(erf) = vrcp.f32 v56;
	v62 =	vmul.f32 $1.442695020e+00, v25;
	v30, v19, _ =	vpop (xrf1)  }
0x4a7: {  	v63 =	vsel vm1, v47, v39;
	(xrf1) =	vsort.dscd.msk.f32 $0xffff, v18, v0;
	(erf) = vrcp.f32 v61;
	v47 =	vmul.f32 $1.442695020e+00, v30  }
0x4a8: {  	v44 =	vsel vm2, v44, v36;
	(erf) = vpow2.f32 v62  }
0x4a9: {  	(xrf1) =	vsort.dscd.msk.f32 $0xffff, v26, v28;
	v57 =	vsel vm1, v38, v40;
	v56 =	vperm.xlane v45, v5;
	(erf) = vpow2.f32 v47  }
0x4aa: {  	v31 =	vperm.xlane v31, v5;
	v58 =	vperm.xlane v46, v5;
	(xrf1) =	vsort.dscd.msk.f32 $0xffff, v57, v63;
	v63 =	vpop (erf)  }
0x4ab: {  	v45 =	vperm.xlane v50, v5;
	(xrf1) =	vsort.dscd.msk.f32 $0xffff, v33, v37;
	v26 =	vnsel vm0, $0x0, v63;
	vm1 =	vge.f32 v35, v56  }
0x4ac: {  	v62 =	vperm.xlane v34, v5;
	(xrf2) =	vadd.scan.msk.f32 $0xffff, v26;
	v59 =	vsel vm1, v35, v56;
	v60 =	vsel vm1, v41, v58  }
0x4ad: {  	v61 =	vsel vm2, v43, v32;
	vm1 =	vge.f32 v48, v31;
	(xrf1) =	vsort.dscd.msk.f32 $0xffff, v59, v60;
	v41 =	vpop (erf)  }
0x4ae: {  	v48 =	vsel vm1, v48, v31;
	v49 =	vsel vm1, v49, v62;
	(xrf1) =	vsort.dscd.msk.f32 $0xffff, v61, v44;
	v46, v47, _ =	vpop (xrf1)  }
0x4af: {  	v50 =	vperm.xlane v54, v5;
	v54 =	vperm.xlane v51, v5;
	(xrf1) =	vsort.dscd.msk.f32 $0xffff, v48, v49;
	v32 =	vpop (erf)  }
0x4b0: {  	v55 =	vperm.xlane v55, v5;
	vm1 =	vge.f32 v52, v45;
	v42 =	vpop (erf)  }
0x4b1: {  	v56 =	vsel vm1, v52, v45;
	v28 =	vsel vm1, v53, v54;
	vm2 =	vge.f32 v46, v50;
	v57 =	vpop (erf)  }
0x4b2: {  	(xrf1) =	vsort.dscd.msk.f32 $0xffff, v56, v28;
	v31 =	vsel vm2, v47, v55;
	v18 =	vsel vm2, v46, v50;
	v58 =	vpop (erf)  }
0x4b3: {  	v60, v59, _ =	vpop (xrf1);
	(xrf1) =	vsort.dscd.msk.f32 $0xffff, v18, v31;
	v28 =	vnsel vm0, $0x0, v58  }
0x4b4: {  	v31 =	vperm.xlane v60, v5;
	v18 =	vnsel vm0, $0x0, v57;
	(xrf2) =	vadd.scan.msk.f32 $0xffff, v28  }
0x4b5: {  	v62, v61, _ =	vpop (xrf1);
	v33 =	vperm.xlane v59, v5;
	(xrf2) =	vadd.scan.msk.f32 $0xffff, v18  }
0x4b6: {  	vm1 =	vge.f32 v62, v31  }
0x4b7: {  	v39, v40, _ =	vpop (xrf1);
	v33 =	vsel vm1, v61, v33  }
0x4b8: {  	v55, _, _ =	vpop (xrf2);
	v31 =	vsel vm1, v62, v31  }
0x4b9: {  	v63, v44, _ =	vpop (xrf1)  }
0x4ba: {  	(xrf1) =	vsort.dscd.msk.f32 $0xffff, v31, v33;
	v36, v37, _ =	vpop (xrf1)  }
0x4bb: {  	v31, v33, _ =	vpop (xrf1)  }
0x4bc: {  	v56 =	vmul.f32 $1.442695020e+00, v36;
	v45, v46, _ =	vpop (xrf1)  }
0x4bd: {  	v47, v48, _ =	vpop (xrf1)  }
0x4be: {  	v34 =	vbroadcast v55, $0xF;
	(erf) = vpow2.f32 v56;
	v57, _, _ =	vpop (xrf2)  }
0x4bf: {  	v63 =	vperm.xlane v63, v5;
	v58 =	vbroadcast v57, $0xF;
	v59, _, _ =	vpop (xrf2)  }
0x4c0: {  	(erf) = vrcp.f32 v34;
	v35, v50, _ =	vpop (xrf1);
	v60 =	vbroadcast v59, $0xF  }
0x4c1: {  	v61 =	vmul.f32 $1.442695020e+00, v35;
	v38, v51, _ =	vpop (xrf1);
	(erf) = vrcp.f32 v58  }
0x4c2: {  	v62 =	vmul.f32 $1.442695020e+00, v38;
	(erf) = vrcp.f32 v60  }
0x4c3: {  	(erf) = vpow2.f32 v61  }
0x4c4: {  	vm1 =	vge.f32 v39, v63;
	(erf) = vpow2.f32 v62  }
0x4c5: {  	v53 =	vperm.xlane v44, v5;
	v34 =	vsel vm1, v39, v63;
	_ =	sdelay $0x1  }
0x4c6: {  	v54 =	vsel vm1, v40, v53;
	v55 =	vpop (erf)  }
0x4c7: {  	v56 =	vperm.xlane v31, v5;
	(xrf1) =	vsort.dscd.msk.f32 $0xffff, v34, v54;
	v34, v39, _ =	vpop (xrf1)  }
0x4c8: {  	v33 =	vperm.xlane v33, v5;
	v44 =	vpop (erf)  }
0x4c9: {  	vm1 =	vge.f32 v45, v56;
	v47 =	vperm.xlane v47, v5;
	v49 =	vpop (erf)  }
0x4ca: {  	v43 =	vsel vm1, v45, v56;
	v33 =	vsel vm1, v46, v33;
	v57 =	vperm.xlane v48, v5;
	v48 =	vpop (erf)  }
0x4cb: {  	(xrf1) =	vsort.dscd.msk.f32 $0xffff, v43, v33;
	v31 =	vnsel vm0, $0x0, v55;
	vm2 =	vge.f32 v34, v47;
	v58 =	vpop (erf)  }
0x4cc: {  	(xrf2) =	vadd.scan.msk.f32 $0xffff, v31;
	v39 =	vsel vm2, v39, v57;
	v34 =	vsel vm2, v34, v47;
	v59 =	vpop (erf)  }
0x4cd: {  	(xrf1) =	vsort.dscd.msk.f32 $0xffff, v34, v39;
	v34 =	vnsel vm0, $0x0, v59  }
0x4ce: {  	v33 =	vnsel vm0, $0x0, v58;
	(xrf2) =	vadd.scan.msk.f32 $0xffff, v34  }
0x4cf: {  	(xrf2) =	vadd.scan.msk.f32 $0xffff, v33;
	_ =	sdelay $0x6  }
0x4d0: {  	v43, v40, _ =	vpop (xrf1)  }
0x4d1: {  	v60 =	vmul.f32 $1.442695020e+00, v43;
	v61, _, _ =	vpop (xrf2)  }
0x4d2: {  	v45 =	vbroadcast v61, $0xF;
	v62, _, _ =	vpop (xrf2)  }
0x4d3: {  	(erf) = vpow2.f32 v60;
	v63 =	vbroadcast v62, $0xF;
	v53, _, _ =	vpop (xrf2)  }
0x4d4: {  	(xrf0) =	vmax.scan.msk.f32 $0xffff, v21;
	v39, v47, _ =	vpop (xrf1);
	(erf) = vrcp.f32 v45;
	v46 =	vbroadcast v53, $0xF  }
0x4d5: {  	(xrf0) =	vmax.scan.msk.f32 $0xffff, v20;
	v54 =	vmul.f32 $1.442695020e+00, v39;
	v52, v53, _ =	vpop (xrf1);
	(erf) = vrcp.f32 v63  }
0x4d6: {  	(erf) = vrcp.f32 v46;
	v55 =	vmul.f32 $1.442695020e+00, v52  }
0x4d7: {  	(erf) = vpow2.f32 v54  }
0x4d8: {  	(erf) = vpow2.f32 v55;
	_ =	sdelay $0x1  }
0x4d9: {  	v13 =	vbroadcast v13, $0xF;
	v58, _, _ =	vpop (xrf0)  }
0x4da: {  	v16 =	vmul.f32 v41, v16;
	v60, _, _ =	vpop (xrf0)  }
0x4db: {  	v57 =	vor.u32 s0, v1;
	v56 =	vpop (erf)  }
0x4dc: {  	s1 =	sadd.s32 $0x302, s28;
	s2 =	sadd.s32 $0x1810, s29;
	[tilespmem:v12+s17+$0x0] =	vst.idx.msk $0xff, v16;
	v21 =	vpop (erf)  }
0x4dd: {  	s2 =	sand.u32 $0x3C00, s2;
	s1 =	sand.u32 $0x7F, s1;
	[tilespmem:v12+s18+$0x0] =	vst.idx.msk $0xff, v13;
	v13 =	vpop (erf)  }
0x4de: {  	s12 =	sand.u32 $0x7F, s28;
	s1 =	sor.u32 s1, s2;
	s2 =	sand.u32 $0x400, s29;
	v59 =	vmul.f32 v42, v17;
	v12 =	vnsel vm0, $0x0, v56;
	v17 =	vpop (erf)  }
0x4df: {  	[tilespmem:v11+s18+$0x0] =	vst.idx.msk $0xff, v23;
	s14 =	sor.u32 s2, s12;
	v16 =	vor.u32 s1, v1;
	(xrf2) =	vadd.scan.msk.f32 $0xffff, v12;
	v63 =	vpop (erf)  }
0x4e0: {  	s28 =	sadd.s32 $0x301, s24;
	v22 =	vmul.f32 v32, v22;
	s0 =	sor.u32 $0x1800, s14;
	[tilespmem:v57+s16+$0x0] =	vst.idx.msk $0xff, v24;
	v24 =	vsel vm0, $0xBF800000, v30;
	v61 =	vbroadcast v60, $0xF;
	v30 =	vpop (erf)  }
0x4e1: {  	s31 =	sadd.s32 $0x302, s24;
	s29 =	sand.u32 $0x7F, s28;
	[tilespmem:v14+s17+$0x0] =	vst.idx.msk $0xff, v59;
	v62 =	vsel vm0, $0xBF800000, v27;
	v27 =	vor.u32 s0, v1;
	v23 =	vnsel vm0, $0x0, v30  }
0x4e2: {  	s30 =	sadd.s32 $0x1810, s25;
	s2 =	sand.u32 $0x7F, s31;
	[tilespmem:v14+s18+$0x0] =	vst.idx.msk $0xff, v61;
	s0 =	sor.u32 s29, s26;
	v14 =	vnsel vm0, $0x0, v63;
	(xrf2) =	vadd.scan.msk.f32 $0xffff, v23  }
0x4e3: {  	s12 =	sand.u32 $0x400, s25;
	s1 =	sand.u32 $0x3C00, s30;
	[tilespmem:v15+s17+$0x0] =	vst.idx.msk $0xff, v22;
	v44 =	vmul.f32 v44, v26;
	s14 =	sand.u32 $0x7F, s24;
	v20 =	vor.u32 s0, v1;
	(xrf2) =	vadd.scan.msk.f32 $0xffff, v14  }
0x4e4: {  	s1 =	sor.u32 s2, s1;
	[tilespmem:v16+s16+$0x0] =	vst.idx.msk $0xff, v29;
	s2 =	sor.u32 s12, s14;
	(xrf0) =	vmax.scan.msk.f32 $0xffff, v62  }
0x4e5: {  	s28 =	sand.u32 $0x7F, s21;
	s12 =	sor.u32 $0x1800, s2;
	[tilespmem:v57+s17+$0x0] =	vst.idx.msk $0xff, v44;
	v11 =	vbroadcast v58, $0xF;
	s26 =	sand.u32 $0x400, s22;
	(xrf0) =	vmax.scan.msk.f32 $0xffff, v24;
	v24 =	vor.u32 s1, v1  }
0x4e6: {  	s25 =	sadd.s32 $0x302, s21;
	s24 =	sadd.s32 $0x1810, s22;
	s30 =	sor.u32 s26, s28;
	[tilespmem:v27+s16+$0x0] =	vst.idx.msk $0xff, v19;
	v19 =	vor.u32 s12, v1  }
0x4e7: {  	s2 =	sand.u32 $0x7F, s25;
	v49 =	vmul.f32 v49, v28;
	[tilespmem:v15+s18+$0x0] =	vst.idx.msk $0xff, v11;
	s1 =	sand.u32 $0x3C00, s24;
	s31 =	sor.u32 $0x1800, s30  }
0x4e8: {  	v25 =	vsel vm0, $0xBF800000, v25;
	s29 =	sor.u32 s2, s1;
	v60 =	vor.u32 s31, v1;
	[tilespmem:v20+s16+$0x0] =	vst.idx.msk $0xff, v37  }
0x4e9: {  	v45 =	vsel vm0, $0xBF800000, v36;
	(xrf0) =	vmax.scan.msk.f32 $0xffff, v25;
	v58 =	vor.u32 s29, v1;
	v54, _, _ =	vpop (xrf2);
	[tilespmem:v27+s17+$0x0] =	vst.idx.msk $0xff, v49  }
0x4ea: {  	v21 =	vmul.f32 v21, v31;
	(xrf0) =	vmax.scan.msk.f32 $0xffff, v45;
	v42, _, _ =	vpop (xrf0);
	[tilespmem:v24+s16+$0x0] =	vst.idx.msk $0xff, v50  }
0x4eb: {  	v46, _, _ =	vpop (xrf0);
	[tilespmem:v19+s16+$0x0] =	vst.idx.msk $0xff, v51;
	v51 =	vmul.f32 v48, v18;
	v18 =	vbroadcast v54, $0xF  }
0x4ec: {  	s14 =	sadd.s32 $0x301, s21;
	v56 =	vsel vm0, $0xBF800000, v35;
	[tilespmem:v20+s17+$0x0] =	vst.idx.msk $0xff, v21;
	v11 =	vbroadcast v42, $0xF;
	v59, _, _ =	vpop (xrf2)  }
0x4ed: {  	s0 =	sand.u32 $0x7F, s14;
	v50 =	vsel vm0, $0xBF800000, v38;
	[tilespmem:v60+s16+$0x0] =	vst.idx.msk $0xff, v53;
	(erf) = vrcp.f32 v18;
	v61 =	vbroadcast v59, $0xF;
	v62, _, _ =	vpop (xrf2)  }
0x4ee: {  	s0 =	sor.u32 s0, s23;
	(xrf0) =	vmax.scan.msk.f32 $0xffff, v50;
	v25 =	vbroadcast v46, $0xF;
	[tilespmem:v58+s16+$0x0] =	vst.idx.msk $0xff, v47;
	v30 =	vbroadcast v62, $0xF  }
0x4ef: {  	v55, _, _ =	vpop (xrf0);
	(xrf0) =	vmax.scan.msk.f32 $0xffff, v56;
	[tilespmem:v57+s18+$0x0] =	vst.idx.msk $0xff, v11;
	v57 =	vor.u32 s0, v1;
	(erf) = vrcp.f32 v61  }
0x4f0: {  	v26 =	vbroadcast v55, $0xF;
	v35, _, _ =	vpop (xrf0);
	[tilespmem:v27+s18+$0x0] =	vst.idx.msk $0xff, v25;
	v63 =	vsel vm0, $0xBF800000, v43;
	(erf) = vrcp.f32 v30  }
0x4f1: {  	v36 =	vbroadcast v35, $0xF;
	[tilespmem:v16+s17+$0x0] =	vst.idx.msk $0xff, v51;
	(xrf0) =	vmax.scan.msk.f32 $0xffff, v63  }
0x4f2: {  	[tilespmem:v16+s18+$0x0] =	vst.idx.msk $0xff, v26  }
0x4f3: {  	v32 =	vsel vm0, $0xBF800000, v52;
	v13 =	vmul.f32 v13, v34;
	[tilespmem:v20+s18+$0x0] =	vst.idx.msk $0xff, v36  }
0x4f4: {  	v38 =	vsel vm0, $0xBF800000, v39;
	v37, _, _ =	vpop (xrf0);
	[tilespmem:v57+s16+$0x0] =	vst.idx.msk $0xff, v40;
	v40 =	vmul.f32 v17, v33;
	(xrf0) =	vmax.scan.msk.f32 $0xffff, v32  }
0x4f5: {  	[tilespmem:v19+s17+$0x0] =	vst.idx.msk $0xff, v13;
	v39, _, _ =	vpop (xrf0);
	v43 =	vbroadcast v37, $0xF;
	(xrf0) =	vmax.scan.msk.f32 $0xffff, v38  }
0x4f6: {  	v42 =	vbroadcast v39, $0xF;
	[tilespmem:v24+s17+$0x0] =	vst.idx.msk $0xff, v40;
	v44 =	vpop (erf)  }
0x4f7: {  	[tilespmem:v19+s18+$0x0] =	vst.idx.msk $0xff, v43;
	v41, _, _ =	vpop (xrf0);
	v12 =	vmul.f32 v44, v12  }
0x4f8: {  	[tilespmem:v24+s18+$0x0] =	vst.idx.msk $0xff, v42;
	v46 =	vbroadcast v41, $0xF;
	v47 =	vpop (erf)  }
0x4f9: {  	[tilespmem:v57+s17+$0x0] =	vst.idx.msk $0xff, v12;
	v48 =	vmul.f32 v47, v23;
	v49 =	vpop (erf)  }
0x4fa: {  	v45, _, _ =	vpop (xrf0);
	[tilespmem:v57+s18+$0x0] =	vst.idx.msk $0xff, v46;
	v51 =	vmul.f32 v49, v14  }
0x4fb: {  	v50, _, _ =	vpop (xrf0);
	v53 =	vbroadcast v45, $0xF;
	[tilespmem:v60+s17+$0x0] =	vst.idx.msk $0xff, v48  }
0x4fc: {  	v52 =	vbroadcast v50, $0xF;
	[tilespmem:v58+s17+$0x0] =	vst.idx.msk $0xff, v51  }
0x4fd: {  	[tilespmem:v60+s18+$0x0] =	vst.idx.msk $0xff, v53  }
0x4fe: {  	[tilespmem:v58+s18+$0x0] =	vst.idx.msk $0xff, v52  }
0x4ff: {  	v11 =	vld [tilespmem:$0xFF80]  }
0x500: {  	v12 =	vld [tilespmem:$0xFF90]  }
0x501: {  	v13 =	vld [tilespmem:$0xFFA0]  }
0x502: {  	v14 =	vld [tilespmem:$0xFFB0];
	_ =	sdelay $0x1  }
0x503: {  	v8 =	vmul.f32 v11, v8  }
0x504: {  	v9 =	vmul.f32 v12, v9  }
0x505: {  	v10 =	vmul.f32 v13, v10;
	(xrf1) =	vsort.dscd.msk.f32 $0xffff, v8, v0  }
0x506: {  	v7 =	vmul.f32 v14, v7;
	(xrf1) =	vsort.dscd.msk.f32 $0xffff, v9, v2  }
0x507: {  	(xrf1) =	vsort.dscd.msk.f32 $0xffff, v10, v3  }
0x508: {  	(xrf1) =	vsort.dscd.msk.f32 $0xffff, v7, v4;
	_ =	sdelay $0xa  }
0x509: {  	v7, v8, _ =	vpop (xrf1)  }
0x50a: {  	v9, v54, _ =	vpop (xrf1)  }
0x50b: {  	v55, v56, _ =	vpop (xrf1)  }
0x50c: {  	v9 =	vperm.xlane v9, v5;
	v57, v58, _ =	vpop (xrf1)  }
0x50d: {  	v10 =	vperm.xlane v54, v5;
	v13 =	vperm.xlane v57, v5  }
0x50e: {  	vm1 =	vge.f32 v7, v9;
	v14 =	vperm.xlane v58, v5  }
0x50f: {  	v7 =	vsel vm1, v7, v9;
	v8 =	vsel vm1, v8, v10;
	vm1 =	vge.f32 v55, v13  }
0x510: {  	(xrf1) =	vsort.dscd.msk.f32 $0xffff, v7, v8;
	v59 =	vsel vm1, v55, v13;
	v60 =	vsel vm1, v56, v14  }
0x511: {  	(xrf1) =	vsort.dscd.msk.f32 $0xffff, v59, v60;
	_ =	sdelay $0xc  }
0x512: {  	v7, v8, _ =	vpop (xrf1)  }
0x513: {  	v9, v10, _ =	vpop (xrf1)  }
0x514: {  	v9 =	vperm.xlane v9, v5  }
0x515: {  	v10 =	vperm.xlane v10, v5  }
0x516: {  	vm1 =	vge.f32 v7, v9  }
0x517: {  	v7 =	vsel vm1, v7, v9;
	v8 =	vsel vm1, v8, v10  }
0x518: {  	(xrf1) =	vsort.dscd.msk.f32 $0xffff, v7, v8;
	_ =	sdelay $0xd  }
0x519: {  	v7, v8, _ =	vpop (xrf1)  }
0x51a: {  	v61 =	vmul.f32 $1.442695020e+00, v7;
	_ =	sdelay $0x1  }
0x51b: {  	(erf) = vpow2.f32 v61;
	_ =	sdelay $0x8  }
0x51c: {  	v9 =	vpop (erf)  }
0x51d: {  	v9 =	vnsel vm0, $0x0, v9  }
0x51e: {  	(xrf2) =	vadd.scan.msk.f32 $0xffff, v9;
	_ =	sdelay $0x9  }
0x51f: {  	v62, _, _ =	vpop (xrf2)  }
0x520: {  	v10 =	vbroadcast v62, $0xF;
	_ =	sdelay $0x1  }
0x521: {  	(erf) = vrcp.f32 v10;
	_ =	sdelay $0x2  }
0x522: {  	v7 =	vsel vm0, $0xBF800000, v7  }
0x523: {  	(xrf0) =	vmax.scan.msk.f32 $0xffff, v7;
	_ =	sdelay $0x1  }
0x524: {  	v7 =	vor.u32 $0x1C7F, v1;
	_ =	sdelay $0x2  }
0x525: {  	v10 =	vpop (erf)  }
0x526: {  	v63, _, _ =	vpop (xrf0);
	v9 =	vmul.f32 v10, v9  }
0x527: {  	[tilespmem:v7+s16+$0x0] =	vst.idx.msk $0xff, v8;
	v8 =	vbroadcast v63, $0xF  }
0x528: {  	[tilespmem:v7+s17+$0x0] =	vst.idx.msk $0xff, v9  }
0x529: {  	[tilespmem:v7+s18+$0x0] =	vst.idx.msk $0xff, v8  }
0x52a: {  	[hbm4b:s8+s3] =	stream.linear.scatter [tilespmem:s16], [sflag:$0x3], $0x2000, $0x38;
	[tilespmem:$0x16080] =	vst v63  }
0x52b: {  	_ =	swait.ge [sflag:s13], $0x2000  }
0x52c: {  	[sflag:s13] =	ssyncset.done $0x0  }
0x52d: {  	[sflag:s13] =	ssyncadd.s32 $0xFFFFE000  }
0x52e: {  	[hbm4b:s9+s3] =	stream.linear.scatter [tilespmem:s17], [sflag:$0x3], $0x2000, $0x38;
	[tilespmem:$0x16080] =	vst v63  }
0x52f: {  	s20 =	sadd.s32 $0x1, s20;
	_ =	swait.ge [sflag:s13], $0x2000  }
0x530: {  	p0 =	sne.s32 s20, s11;
	[sflag:s13] =	ssyncset.done $0x0  }
.Ltmp4:
0x531: {  	[sflag:s13] =	ssyncadd.s32 $0xFFFFE000;
	(pc) =	sbr.rel @p0 .LBB2_1-.Ltmp4, $4  }
0x532: {  	[hbm4b:s10+s3] =	stream.linear.scatter [tilespmem:s18], [sflag:$0x3], $0x2000, $0x38;
	[tilespmem:$0x16080] =	vst v63  }
0x533: {  	_ =	swait.ge [sflag:s13], $0x2000  }
0x534: {  	[sflag:s13] =	ssyncset.done $0x0  }
0x535: {  	[sflag:s13] =	ssyncadd.s32 $0xFFFFE000  }
0x536: {  	_ =	sfence.sel $0x180000  }
0x537: {  	[bflag:$0x0] =	sbarrier.arrive $0xFFFF  }
0x538: {  	_ =	strace $0x90000047  }
0x539: {  	s0 =	stileid.u32;
	[bflag:$0x2] =	sbarrier.arrive $0xFFFF  }
0x53a: {  	p0 =	sne.s32 s0, $0x0;
	s0 =	rddreg [dreg:$0x5]  }
0x53b: {  	s0 =	sadd.s32 @!p0 $0x100000, s0  }
0x53c: {  	[sflag:s0] =	ssyncadd.tile.s32 @!p0 $0x1;
	_ =	shalt  }
.Lfunc_end2:
_tile_overlayer_lowered:
.L_overlay_start_2:
0x53d: {  	(tag) =	ssettag $0x2  }
0x53e: {  	s0 =	rddreg [dreg:$0x0];
	s2 =	stileid.u32  }
0x53f: {  	s1 =	rddreg [dreg:$0x1];
	p0 =	sne.s32 s2, $0x0  }
0x540: {  	s3 =	rddreg [dreg:$0x2];
	[bflag:$0x3] =	sbarrier.arrive $0xFFFF;
	s2 =	simm.s32 @!p0 $0x1C03  }
0x541: {  	[timem:s3], [sflag:s2] =	dma.local @!p0 [hbm:s0], s1  }
0x542: {  	s0 =	simm.s32 @!p0 $0x3  }
0x543: {  	_ =	swait.ge @!p0 [sflag:s0], s1  }
0x544: {  	s1 =	ssub.s32 @!p0 $0x0, s1;
	[sflag:s0] =	ssyncset.done @!p0 $0x0  }
0x545: {  	[sflag:s0] =	ssyncadd.s32 @!p0 s1  }
0x546: {  	[bflag:$0x3] =	sbarrier.arrive $0xFFFF  }
0x547: {  	_ =	shalt  }

</sc_bundles>
